<compile_context>
chip_gen: v7x
topology: tpu7x:2x2x1
jax: 0.10.2.dev20260603
libtpu: 0.0.44.dev20260713+nightly
codegen_flags: <defaults>
</compile_context>

<pallas_src>
import functools

import jax
import jax.numpy as jnp
from jax import lax
from jax.experimental import pallas as pl
from jax.experimental.pallas import tpu as pltpu
from jax.experimental.pallas import tpu_sc as plsc

_NC = 2
_NS = 16
_NW = _NC * _NS
_L = 16
_QW = 4096


@functools.partial(jax.jit, static_argnames=("f", "v", "d", "b"))
def _sc_gather(ids_t, tab_t, *, f, v, d, b):
    units = f * d
    upw = units // _NW
    cw = ((v // 8 + 127) // 128) * 128
    va = (v // 128) * 128
    vt = v - va
    chunks = [(k * cw, min(cw, va - k * cw)) for k in range(8)]
    nq = b // _QW
    mesh = plsc.VectorSubcoreMesh(core_axis_name="c", subcore_axis_name="s")

    @functools.partial(
        pl.kernel,
        out_type=jax.ShapeDtypeStruct((f, d, b), jnp.float32),
        mesh=mesh,
        compiler_params=pltpu.CompilerParams(needs_layout_passes=False,
                                             use_tc_tiling_on_sc=True),
        scratch_types=[
            pltpu.VMEM((v,), jnp.float32),
            pltpu.VMEM((b,), jnp.int32),
            pltpu.VMEM((_QW,), jnp.float32),
            pltpu.VMEM((_QW,), jnp.float32),
            pltpu.VMEM((vt,), jnp.float32),
            pltpu.SemaphoreType.DMA,
            pltpu.SemaphoreType.DMA,
            pltpu.SemaphoreType.DMA,
            pltpu.SemaphoreType.DMA,
            pltpu.SemaphoreType.DMA,
            pltpu.SemaphoreType.DMA,
            pltpu.SemaphoreType.DMA,
            pltpu.SemaphoreType.DMA,
            pltpu.SemaphoreType.DMA,
            pltpu.SemaphoreType.DMA,
        ],
    )
    def body(ids_hbm, tab_hbm, out_hbm, row, ids, p0, p1, tl, s0, s1, s2,
             s3, s4, s5, s6, s7, t0, t1):
        wid = lax.axis_index("s") * _NC + lax.axis_index("c")
        u0 = wid * upw

        def unit_body(i, carry):
            u = u0 + i
            fi = u // d
            di = u % d

            sems = (s0, s1, s2, s3, s4, s5, s6, s7)
            for (c_off, c_len), sem in zip(chunks, sems):
                pltpu.async_copy(tab_hbm.at[fi, di, pl.ds(c_off, c_len)],
                                 row.at[pl.ds(c_off, c_len)], sem)

            @pl.when(jnp.logical_or(i == 0, di == 0))
            def _():
                pltpu.sync_copy(ids_hbm.at[fi, :], ids)

            pltpu.sync_copy(tab_hbm.at[fi, di, pl.ds(va, vt)], tl)
            for k in range(vt // _L):
                row[pl.ds(va + k * _L, _L)] = tl[pl.ds(k * _L, _L)]
            for (c_off, c_len), sem in zip(chunks, sems):
                pltpu.make_async_copy(tab_hbm.at[fi, di, pl.ds(c_off, c_len)],
                                      row.at[pl.ds(c_off, c_len)], sem).wait()

            for q in range(nq):
                pq, sq = (p0, t0) if q % 2 == 0 else (p1, t1)
                prev = q - 2 if q >= 2 else q + 2
                po = prev * _QW

                @pl.when(jnp.logical_or(i > 0, q >= 2))
                def _():
                    up = u - 1 if q < 2 else u
                    pltpu.make_async_copy(
                        pq, out_hbm.at[up // d, up % d, pl.ds(po, _QW)],
                        sq).wait()

                def grp_body(j, c):
                    idx = ids[pl.ds(q * _QW + j * _L, _L)]
                    pq[pl.ds(j * _L, _L)] = plsc.load_gather(row, [idx])
                    return c

                lax.fori_loop(0, _QW // _L, grp_body, 0, unroll=32)
                pltpu.async_copy(pq, out_hbm.at[fi, di, pl.ds(q * _QW, _QW)],
                                 sq)
            return carry

        lax.fori_loop(0, upw, unit_body, 0, unroll=False)

        ul = u0 + upw - 1
        fl = ul // d
        dl = ul % d
        for q, (pq, sq) in enumerate(((p0, t0), (p1, t1))):
            po = (nq - 2 + q) * _QW
            pltpu.make_async_copy(pq, out_hbm.at[fl, dl, pl.ds(po, _QW)],
                                  sq).wait()

    return body(ids_t, tab_t)


def kernel(embedding_ids, tables):
    f, v, d = tables.shape
    b = embedding_ids.shape[0]
    out_t = _sc_gather(embedding_ids.T, tables.transpose(0, 2, 1),
                       f=f, v=v, d=d, b=b)
    return out_t.transpose(0, 2, 1)

# --- scband reference (transcript-rebuilt; emitter-appended) ---
"""Pipeline reference for scband-embedding-arch-82617990905994 (READ-ONLY COPY).

The authoritative reference and input builder live on the scoring server;
editing this copy changes nothing except your own understanding.
"""

import jax, jax.numpy as jnp
import numpy as np

VOCAB = 100000
N_FIELDS = 26
EMBED_DIM = 32
BATCH = 16384


def setup_inputs(seed: int = 0) -> dict:
    key = jax.random.key(seed)
    k1, k2 = jax.random.split(key)
    embedding_ids = jax.random.randint(k1, (BATCH, N_FIELDS), 0, VOCAB, dtype=jnp.int32)
    # All vocab sizes are equal, so the 26 per-field embedding tables are stored
    # as one stacked parameter tensor [N_FIELDS, VOCAB, EMBED_DIM].
    # flax nn.initializers.uniform() default: uniform in [0, 0.01).
    tables = jax.random.uniform(k2, (N_FIELDS, VOCAB, EMBED_DIM), dtype=jnp.float32, minval=0.0, maxval=0.01)
    return {"embedding_ids": embedding_ids, "tables": tables}


def reference(embedding_ids, tables):
    # Faithful translation of EmbeddingArch.__call__: one jnp.take per field.
    embeddings = []
    for i in range(tables.shape[0]):
        emb = jnp.take(tables[i], embedding_ids[:, i], axis=0)
        embeddings.append(emb)
    # Original returns a list of [B, D] arrays; stack to a single [F, B, D] array
    # (same values, fixed structure) for a well-defined output.
    return jnp.stack(embeddings, axis=0)

if __name__ == "__main__":
    import jax
    _d = setup_inputs()
    print(jax.jit(kernel)(*tuple(_d.values())))

</pallas_src>

<mosaic_0001>
#map = affine_map<(d0, d1) -> (0, 0)>
#map1 = affine_map<(d0, d1) -> (0, 0, 0)>
module attributes {stable_mosaic.version = 14 : i64} {
  func.func @body(%arg0: i32, %arg1: i32, %arg2: memref<26x16384xi32, #tpu.memory_space<hbm>>, %arg3: memref<26x32x100000xf32, #tpu.memory_space<hbm>>, %arg4: memref<26x32x16384xf32, #tpu.memory_space<hbm>>, %arg5: memref<100000xf32, #tpu.memory_space<vmem>>, %arg6: memref<16384xi32, #tpu.memory_space<vmem>>, %arg7: memref<4096xf32, #tpu.memory_space<vmem>>, %arg8: memref<4096xf32, #tpu.memory_space<vmem>>, %arg9: memref<32xf32, #tpu.memory_space<vmem>>, %arg10: memref<!tpu.dma_semaphore, #tpu.memory_space<semaphore_mem>>, %arg11: memref<!tpu.dma_semaphore, #tpu.memory_space<semaphore_mem>>, %arg12: memref<!tpu.dma_semaphore, #tpu.memory_space<semaphore_mem>>, %arg13: memref<!tpu.dma_semaphore, #tpu.memory_space<semaphore_mem>>, %arg14: memref<!tpu.dma_semaphore, #tpu.memory_space<semaphore_mem>>, %arg15: memref<!tpu.dma_semaphore, #tpu.memory_space<semaphore_mem>>, %arg16: memref<!tpu.dma_semaphore, #tpu.memory_space<semaphore_mem>>, %arg17: memref<!tpu.dma_semaphore, #tpu.memory_space<semaphore_mem>>, %arg18: memref<!tpu.dma_semaphore, #tpu.memory_space<semaphore_mem>>, %arg19: memref<!tpu.dma_semaphore, #tpu.memory_space<semaphore_mem>>) attributes {dimension_semantics = [#tpu.dimension_semantics<core_parallel>, #tpu.dimension_semantics<subcore_parallel>], iteration_bounds = array<i64: 2, 16>, scalar_prefetch = 0 : i64, scratch_operands = 15 : i64, tpu.core_type = #tpu.core_type<sc_vector_subcore>, window_params = [{transform_indices = #map}, {transform_indices = #map1}, {transform_indices = #map1}]} {
    %mul3A = arith.constant 2 : i32
    %mul3A_0 = arith.muli %arg1, %mul3A : i32
    %add3A = arith.addi %mul3A_0, %arg0 : i32
    %mul3A_1 = arith.constant 26 : i32
    %mul3A_2 = arith.muli %add3A, %mul3A_1 : i32
    %scan3A = arith.constant 0 : i32
    %scan3A_3 = arith.constant 0 : i32
    %scan3A_4 = arith.constant 26 : i32
    %scan3A_5 = arith.addi %scan3A_3, %scan3A_4 : i32
    %scan3A_6 = arith.constant 1 : i32
    scf.for %scan3A_53 = %scan3A_3 to %scan3A_5 step %scan3A_6  : i32 {
      %add3A_54 = arith.addi %mul3A_2, %scan3A_53 : i32
      %jit3A_55 = arith.constant 32 : i32
      %div3A_56 = arith.divsi %add3A_54, %jit3A_55 : i32
      %sign3A_57 = arith.constant 0 : i32
      %sign3A_58 = arith.cmpi sgt, %add3A_54, %sign3A_57 : i32
      %sign3A_59 = arith.extui %sign3A_58 : i1 to i32
      %sign3A_60 = arith.constant 0 : i32
      %sign3A_61 = arith.cmpi slt, %add3A_54, %sign3A_60 : i32
      %sign3A_62 = arith.extui %sign3A_61 : i1 to i32
      %sign3A_63 = arith.subi %sign3A_59, %sign3A_62 : i32
      %sign3A_64 = arith.constant 0 : i32
      %sign3A_65 = arith.cmpi sgt, %jit3A_55, %sign3A_64 : i32
      %sign3A_66 = arith.extui %sign3A_65 : i1 to i32
      %sign3A_67 = arith.constant 0 : i32
      %sign3A_68 = arith.cmpi slt, %jit3A_55, %sign3A_67 : i32
      %sign3A_69 = arith.extui %sign3A_68 : i1 to i32
      %sign3A_70 = arith.subi %sign3A_66, %sign3A_69 : i32
      %ne3A_71 = arith.cmpi ne, %sign3A_63, %sign3A_70 : i32
      %rem3A_72 = arith.remsi %add3A_54, %jit3A_55 : i32
      %ne3A_73 = arith.constant 0 : i32
      %ne3A_74 = arith.cmpi ne, %rem3A_72, %ne3A_73 : i32
      %and3A_75 = arith.andi %ne3A_71, %ne3A_74 : i1
      %sub3A_76 = arith.constant 1 : i32
      %sub3A_77 = arith.subi %div3A_56, %sub3A_76 : i32
      %select_n3A_78 = arith.select %and3A_75, %sub3A_77, %div3A_56 : i32
      %jit3A_79 = arith.constant 32 : i32
      %eq3A_80 = arith.constant 0 : i32
      %eq3A_81 = arith.cmpi eq, %jit3A_79, %eq3A_80 : i32
      %jit3A_82 = arith.constant 1 : i32
      %select_n3A_83 = arith.select %eq3A_81, %jit3A_82, %jit3A_79 : i32
      %rem3A_84 = arith.remsi %add3A_54, %select_n3A_83 : i32
      %ne3A_85 = arith.constant 0 : i32
      %ne3A_86 = arith.cmpi ne, %rem3A_84, %ne3A_85 : i32
      %lt3A_87 = arith.constant 0 : i32
      %lt3A_88 = arith.cmpi slt, %rem3A_84, %lt3A_87 : i32
      %lt3A_89 = arith.constant 0 : i32
      %lt3A_90 = arith.cmpi slt, %select_n3A_83, %lt3A_89 : i32
      %ne3A_91 = arith.xori %lt3A_88, %lt3A_90 : i1
      %and3A_92 = arith.andi %ne3A_91, %ne3A_86 : i1
      %add3A_93 = arith.addi %rem3A_84, %select_n3A_83 : i32
      %select_n3A_94 = arith.select %and3A_92, %add3A_93, %rem3A_84 : i32
      %dma_start3A = arith.constant 0 : i32
      %dma_start3A_95 = tpu.memref_slice %arg5[%dma_start3A] : memref<100000xf32, #tpu.memory_space<vmem>> -> memref<12544xf32, #tpu.memory_space<vmem>>
      %dma_start3A_96 = arith.constant 0 : i32
      %dma_start3A_97 = tpu.memref_slice %arg3[%select_n3A_78, %select_n3A_94, %dma_start3A_96] : memref<26x32x100000xf32, #tpu.memory_space<hbm>> -> memref<1x1x12544xf32, #tpu.memory_space<hbm>>
      %dma_start3A_98 = tpu.memref_squeeze %dma_start3A_97 : memref<1x1x12544xf32, #tpu.memory_space<hbm>> -> memref<12544xf32, #tpu.memory_space<hbm>>
      %dma_start3A_99 = arith.constant 0 : i32
      %dma_start3A_100 = tpu.memref_slice %arg5[%dma_start3A_99] : memref<100000xf32, #tpu.memory_space<vmem>> -> memref<12544xf32, #tpu.memory_space<vmem>>
      %dma_start3A_101 = arith.constant 0 : i32
      %dma_start3A_102 = tpu.memref_slice %arg3[%select_n3A_78, %select_n3A_94, %dma_start3A_101] : memref<26x32x100000xf32, #tpu.memory_space<hbm>> -> memref<1x1x12544xf32, #tpu.memory_space<hbm>>
      %dma_start3A_103 = tpu.memref_squeeze %dma_start3A_102 : memref<1x1x12544xf32, #tpu.memory_space<hbm>> -> memref<12544xf32, #tpu.memory_space<hbm>>
      tpu.enqueue_dma source(%dma_start3A_103 : memref<12544xf32, #tpu.memory_space<hbm>>) target(%dma_start3A_100 : memref<12544xf32, #tpu.memory_space<vmem>>) target_semaphore(%arg10 : memref<!tpu.dma_semaphore, #tpu.memory_space<semaphore_mem>>)
      %dma_start3A_104 = arith.constant 12544 : i32
      %dma_start3A_105 = tpu.memref_slice %arg5[%dma_start3A_104] : memref<100000xf32, #tpu.memory_space<vmem>> -> memref<12544xf32, #tpu.memory_space<vmem>>
      %dma_start3A_106 = arith.constant 12544 : i32
      %dma_start3A_107 = tpu.memref_slice %arg3[%select_n3A_78, %select_n3A_94, %dma_start3A_106] : memref<26x32x100000xf32, #tpu.memory_space<hbm>> -> memref<1x1x12544xf32, #tpu.memory_space<hbm>>
      %dma_start3A_108 = tpu.memref_squeeze %dma_start3A_107 : memref<1x1x12544xf32, #tpu.memory_space<hbm>> -> memref<12544xf32, #tpu.memory_space<hbm>>
      %dma_start3A_109 = arith.constant 12544 : i32
      %dma_start3A_110 = tpu.memref_slice %arg5[%dma_start3A_109] : memref<100000xf32, #tpu.memory_space<vmem>> -> memref<12544xf32, #tpu.memory_space<vmem>>
      %dma_start3A_111 = arith.constant 12544 : i32
      %dma_start3A_112 = tpu.memref_slice %arg3[%select_n3A_78, %select_n3A_94, %dma_start3A_111] : memref<26x32x100000xf32, #tpu.memory_space<hbm>> -> memref<1x1x12544xf32, #tpu.memory_space<hbm>>
      %dma_start3A_113 = tpu.memref_squeeze %dma_start3A_112 : memref<1x1x12544xf32, #tpu.memory_space<hbm>> -> memref<12544xf32, #tpu.memory_space<hbm>>
      tpu.enqueue_dma source(%dma_start3A_113 : memref<12544xf32, #tpu.memory_space<hbm>>) target(%dma_start3A_110 : memref<12544xf32, #tpu.memory_space<vmem>>) target_semaphore(%arg11 : memref<!tpu.dma_semaphore, #tpu.memory_space<semaphore_mem>>)
      %dma_start3A_114 = arith.constant 25088 : i32
      %dma_start3A_115 = tpu.memref_slice %arg5[%dma_start3A_114] : memref<100000xf32, #tpu.memory_space<vmem>> -> memref<12544xf32, #tpu.memory_space<vmem>>
      %dma_start3A_116 = arith.constant 25088 : i32
      %dma_start3A_117 = tpu.memref_slice %arg3[%select_n3A_78, %select_n3A_94, %dma_start3A_116] : memref<26x32x100000xf32, #tpu.memory_space<hbm>> -> memref<1x1x12544xf32, #tpu.memory_space<hbm>>
      %dma_start3A_118 = tpu.memref_squeeze %dma_start3A_117 : memref<1x1x12544xf32, #tpu.memory_space<hbm>> -> memref<12544xf32, #tpu.memory_space<hbm>>
      %dma_start3A_119 = arith.constant 25088 : i32
      %dma_start3A_120 = tpu.memref_slice %arg5[%dma_start3A_119] : memref<100000xf32, #tpu.memory_space<vmem>> -> memref<12544xf32, #tpu.memory_space<vmem>>
      %dma_start3A_121 = arith.constant 25088 : i32
      %dma_start3A_122 = tpu.memref_slice %arg3[%select_n3A_78, %select_n3A_94, %dma_start3A_121] : memref<26x32x100000xf32, #tpu.memory_space<hbm>> -> memref<1x1x12544xf32, #tpu.memory_space<hbm>>
      %dma_start3A_123 = tpu.memref_squeeze %dma_start3A_122 : memref<1x1x12544xf32, #tpu.memory_space<hbm>> -> memref<12544xf32, #tpu.memory_space<hbm>>
      tpu.enqueue_dma source(%dma_start3A_123 : memref<12544xf32, #tpu.memory_space<hbm>>) target(%dma_start3A_120 : memref<12544xf32, #tpu.memory_space<vmem>>) target_semaphore(%arg12 : memref<!tpu.dma_semaphore, #tpu.memory_space<semaphore_mem>>)
      %dma_start3A_124 = arith.constant 37632 : i32
      %dma_start3A_125 = tpu.memref_slice %arg5[%dma_start3A_124] : memref<100000xf32, #tpu.memory_space<vmem>> -> memref<12544xf32, #tpu.memory_space<vmem>>
      %dma_start3A_126 = arith.constant 37632 : i32
      %dma_start3A_127 = tpu.memref_slice %arg3[%select_n3A_78, %select_n3A_94, %dma_start3A_126] : memref<26x32x100000xf32, #tpu.memory_space<hbm>> -> memref<1x1x12544xf32, #tpu.memory_space<hbm>>
      %dma_start3A_128 = tpu.memref_squeeze %dma_start3A_127 : memref<1x1x12544xf32, #tpu.memory_space<hbm>> -> memref<12544xf32, #tpu.memory_space<hbm>>
      %dma_start3A_129 = arith.constant 37632 : i32
      %dma_start3A_130 = tpu.memref_slice %arg5[%dma_start3A_129] : memref<100000xf32, #tpu.memory_space<vmem>> -> memref<12544xf32, #tpu.memory_space<vmem>>
      %dma_start3A_131 = arith.constant 37632 : i32
      %dma_start3A_132 = tpu.memref_slice %arg3[%select_n3A_78, %select_n3A_94, %dma_start3A_131] : memref<26x32x100000xf32, #tpu.memory_space<hbm>> -> memref<1x1x12544xf32, #tpu.memory_space<hbm>>
      %dma_start3A_133 = tpu.memref_squeeze %dma_start3A_132 : memref<1x1x12544xf32, #tpu.memory_space<hbm>> -> memref<12544xf32, #tpu.memory_space<hbm>>
      tpu.enqueue_dma source(%dma_start3A_133 : memref<12544xf32, #tpu.memory_space<hbm>>) target(%dma_start3A_130 : memref<12544xf32, #tpu.memory_space<vmem>>) target_semaphore(%arg13 : memref<!tpu.dma_semaphore, #tpu.memory_space<semaphore_mem>>)
      %dma_start3A_134 = arith.constant 50176 : i32
      %dma_start3A_135 = tpu.memref_slice %arg5[%dma_start3A_134] : memref<100000xf32, #tpu.memory_space<vmem>> -> memref<12544xf32, #tpu.memory_space<vmem>>
      %dma_start3A_136 = arith.constant 50176 : i32
      %dma_start3A_137 = tpu.memref_slice %arg3[%select_n3A_78, %select_n3A_94, %dma_start3A_136] : memref<26x32x100000xf32, #tpu.memory_space<hbm>> -> memref<1x1x12544xf32, #tpu.memory_space<hbm>>
      %dma_start3A_138 = tpu.memref_squeeze %dma_start3A_137 : memref<1x1x12544xf32, #tpu.memory_space<hbm>> -> memref<12544xf32, #tpu.memory_space<hbm>>
      %dma_start3A_139 = arith.constant 50176 : i32
      %dma_start3A_140 = tpu.memref_slice %arg5[%dma_start3A_139] : memref<100000xf32, #tpu.memory_space<vmem>> -> memref<12544xf32, #tpu.memory_space<vmem>>
      %dma_start3A_141 = arith.constant 50176 : i32
      %dma_start3A_142 = tpu.memref_slice %arg3[%select_n3A_78, %select_n3A_94, %dma_start3A_141] : memref<26x32x100000xf32, #tpu.memory_space<hbm>> -> memref<1x1x12544xf32, #tpu.memory_space<hbm>>
      %dma_start3A_143 = tpu.memref_squeeze %dma_start3A_142 : memref<1x1x12544xf32, #tpu.memory_space<hbm>> -> memref<12544xf32, #tpu.memory_space<hbm>>
      tpu.enqueue_dma source(%dma_start3A_143 : memref<12544xf32, #tpu.memory_space<hbm>>) target(%dma_start3A_140 : memref<12544xf32, #tpu.memory_space<vmem>>) target_semaphore(%arg14 : memref<!tpu.dma_semaphore, #tpu.memory_space<semaphore_mem>>)
      %dma_start3A_144 = arith.constant 62720 : i32
      %dma_start3A_145 = tpu.memref_slice %arg5[%dma_start3A_144] : memref<100000xf32, #tpu.memory_space<vmem>> -> memref<12544xf32, #tpu.memory_space<vmem>>
      %dma_start3A_146 = arith.constant 62720 : i32
      %dma_start3A_147 = tpu.memref_slice %arg3[%select_n3A_78, %select_n3A_94, %dma_start3A_146] : memref<26x32x100000xf32, #tpu.memory_space<hbm>> -> memref<1x1x12544xf32, #tpu.memory_space<hbm>>
      %dma_start3A_148 = tpu.memref_squeeze %dma_start3A_147 : memref<1x1x12544xf32, #tpu.memory_space<hbm>> -> memref<12544xf32, #tpu.memory_space<hbm>>
      %dma_start3A_149 = arith.constant 62720 : i32
      %dma_start3A_150 = tpu.memref_slice %arg5[%dma_start3A_149] : memref<100000xf32, #tpu.memory_space<vmem>> -> memref<12544xf32, #tpu.memory_space<vmem>>
      %dma_start3A_151 = arith.constant 62720 : i32
      %dma_start3A_152 = tpu.memref_slice %arg3[%select_n3A_78, %select_n3A_94, %dma_start3A_151] : memref<26x32x100000xf32, #tpu.memory_space<hbm>> -> memref<1x1x12544xf32, #tpu.memory_space<hbm>>
      %dma_start3A_153 = tpu.memref_squeeze %dma_start3A_152 : memref<1x1x12544xf32, #tpu.memory_space<hbm>> -> memref<12544xf32, #tpu.memory_space<hbm>>
      tpu.enqueue_dma source(%dma_start3A_153 : memref<12544xf32, #tpu.memory_space<hbm>>) target(%dma_start3A_150 : memref<12544xf32, #tpu.memory_space<vmem>>) target_semaphore(%arg15 : memref<!tpu.dma_semaphore, #tpu.memory_space<semaphore_mem>>)
      %dma_start3A_154 = arith.constant 75264 : i32
      %dma_start3A_155 = tpu.memref_slice %arg5[%dma_start3A_154] : memref<100000xf32, #tpu.memory_space<vmem>> -> memref<12544xf32, #tpu.memory_space<vmem>>
      %dma_start3A_156 = arith.constant 75264 : i32
      %dma_start3A_157 = tpu.memref_slice %arg3[%select_n3A_78, %select_n3A_94, %dma_start3A_156] : memref<26x32x100000xf32, #tpu.memory_space<hbm>> -> memref<1x1x12544xf32, #tpu.memory_space<hbm>>
      %dma_start3A_158 = tpu.memref_squeeze %dma_start3A_157 : memref<1x1x12544xf32, #tpu.memory_space<hbm>> -> memref<12544xf32, #tpu.memory_space<hbm>>
      %dma_start3A_159 = arith.constant 75264 : i32
      %dma_start3A_160 = tpu.memref_slice %arg5[%dma_start3A_159] : memref<100000xf32, #tpu.memory_space<vmem>> -> memref<12544xf32, #tpu.memory_space<vmem>>
      %dma_start3A_161 = arith.constant 75264 : i32
      %dma_start3A_162 = tpu.memref_slice %arg3[%select_n3A_78, %select_n3A_94, %dma_start3A_161] : memref<26x32x100000xf32, #tpu.memory_space<hbm>> -> memref<1x1x12544xf32, #tpu.memory_space<hbm>>
      %dma_start3A_163 = tpu.memref_squeeze %dma_start3A_162 : memref<1x1x12544xf32, #tpu.memory_space<hbm>> -> memref<12544xf32, #tpu.memory_space<hbm>>
      tpu.enqueue_dma source(%dma_start3A_163 : memref<12544xf32, #tpu.memory_space<hbm>>) target(%dma_start3A_160 : memref<12544xf32, #tpu.memory_space<vmem>>) target_semaphore(%arg16 : memref<!tpu.dma_semaphore, #tpu.memory_space<semaphore_mem>>)
      %dma_start3A_164 = arith.constant 87808 : i32
      %dma_start3A_165 = tpu.memref_slice %arg5[%dma_start3A_164] : memref<100000xf32, #tpu.memory_space<vmem>> -> memref<12160xf32, #tpu.memory_space<vmem>>
      %dma_start3A_166 = arith.constant 87808 : i32
      %dma_start3A_167 = tpu.memref_slice %arg3[%select_n3A_78, %select_n3A_94, %dma_start3A_166] : memref<26x32x100000xf32, #tpu.memory_space<hbm>> -> memref<1x1x12160xf32, #tpu.memory_space<hbm>>
      %dma_start3A_168 = tpu.memref_squeeze %dma_start3A_167 : memref<1x1x12160xf32, #tpu.memory_space<hbm>> -> memref<12160xf32, #tpu.memory_space<hbm>>
      %dma_start3A_169 = arith.constant 87808 : i32
      %dma_start3A_170 = tpu.memref_slice %arg5[%dma_start3A_169] : memref<100000xf32, #tpu.memory_space<vmem>> -> memref<12160xf32, #tpu.memory_space<vmem>>
      %dma_start3A_171 = arith.constant 87808 : i32
      %dma_start3A_172 = tpu.memref_slice %arg3[%select_n3A_78, %select_n3A_94, %dma_start3A_171] : memref<26x32x100000xf32, #tpu.memory_space<hbm>> -> memref<1x1x12160xf32, #tpu.memory_space<hbm>>
      %dma_start3A_173 = tpu.memref_squeeze %dma_start3A_172 : memref<1x1x12160xf32, #tpu.memory_space<hbm>> -> memref<12160xf32, #tpu.memory_space<hbm>>
      tpu.enqueue_dma source(%dma_start3A_173 : memref<12160xf32, #tpu.memory_space<hbm>>) target(%dma_start3A_170 : memref<12160xf32, #tpu.memory_space<vmem>>) target_semaphore(%arg17 : memref<!tpu.dma_semaphore, #tpu.memory_space<semaphore_mem>>)
      %eq3A_174 = arith.constant 0 : i32
      %eq3A_175 = arith.cmpi eq, %scan3A_53, %eq3A_174 : i32
      %eq3A_176 = arith.constant 0 : i32
      %eq3A_177 = arith.cmpi eq, %select_n3A_94, %eq3A_176 : i32
      %or3A = arith.ori %eq3A_175, %eq3A_177 : i1
      %convert_element_type3A = arith.extui %or3A : i1 to i32
      %cond3A = arith.constant 0 : i32
      %cond3A_178 = arith.cmpi ne, %convert_element_type3A, %cond3A : i32
      scf.if %cond3A_178 {
        "tpu.region"() ({
          %run_scoped3A = tpu.sem_alloc : memref<!tpu.dma_semaphore, #tpu.memory_space<semaphore_mem>>
          %dma_start3A_340 = arith.constant 0 : i32
          %dma_start3A_341 = tpu.memref_slice %arg2[%select_n3A_78, %dma_start3A_340] : memref<26x16384xi32, #tpu.memory_space<hbm>> -> memref<1x16384xi32, #tpu.memory_space<hbm>>
          %dma_start3A_342 = tpu.memref_squeeze %dma_start3A_341 : memref<1x16384xi32, #tpu.memory_space<hbm>> -> memref<16384xi32, #tpu.memory_space<hbm>>
          %dma_start3A_343 = arith.constant 0 : i32
          %dma_start3A_344 = tpu.memref_slice %arg2[%select_n3A_78, %dma_start3A_343] : memref<26x16384xi32, #tpu.memory_space<hbm>> -> memref<1x16384xi32, #tpu.memory_space<hbm>>
          %dma_start3A_345 = tpu.memref_squeeze %dma_start3A_344 : memref<1x16384xi32, #tpu.memory_space<hbm>> -> memref<16384xi32, #tpu.memory_space<hbm>>
          tpu.enqueue_dma source(%dma_start3A_345 : memref<16384xi32, #tpu.memory_space<hbm>>) target(%arg6 : memref<16384xi32, #tpu.memory_space<vmem>>) target_semaphore(%run_scoped3A : memref<!tpu.dma_semaphore, #tpu.memory_space<semaphore_mem>>)
          %dma_wait3A_346 = arith.constant 0 : i32
          %dma_wait3A_347 = tpu.memref_slice %arg2[%select_n3A_78, %dma_wait3A_346] : memref<26x16384xi32, #tpu.memory_space<hbm>> -> memref<1x16384xi32, #tpu.memory_space<hbm>>
          %dma_wait3A_348 = tpu.memref_squeeze %dma_wait3A_347 : memref<1x16384xi32, #tpu.memory_space<hbm>> -> memref<16384xi32, #tpu.memory_space<hbm>>
          %dma_wait3A_349 = arith.constant 0 : i32
          %dma_wait3A_350 = tpu.memref_slice %arg2[%select_n3A_78, %dma_wait3A_349] : memref<26x16384xi32, #tpu.memory_space<hbm>> -> memref<1x16384xi32, #tpu.memory_space<hbm>>
          %dma_wait3A_351 = tpu.memref_squeeze %dma_wait3A_350 : memref<1x16384xi32, #tpu.memory_space<hbm>> -> memref<16384xi32, #tpu.memory_space<hbm>>
          tpu.wait_dma2 semaphore(%run_scoped3A : memref<!tpu.dma_semaphore, #tpu.memory_space<semaphore_mem>>) src(%dma_wait3A_351 : memref<16384xi32, #tpu.memory_space<hbm>>) dst(%arg6 : memref<16384xi32, #tpu.memory_space<vmem>>)
          tpu.yield
        }) : () -> ()
      } else {
      }
      "tpu.region"() ({
        %run_scoped3A = tpu.sem_alloc : memref<!tpu.dma_semaphore, #tpu.memory_space<semaphore_mem>>
        %dma_start3A_340 = arith.constant 99968 : i32
        %dma_start3A_341 = tpu.memref_slice %arg3[%select_n3A_78, %select_n3A_94, %dma_start3A_340] : memref<26x32x100000xf32, #tpu.memory_space<hbm>> -> memref<1x1x32xf32, #tpu.memory_space<hbm>>
        %dma_start3A_342 = tpu.memref_squeeze %dma_start3A_341 : memref<1x1x32xf32, #tpu.memory_space<hbm>> -> memref<32xf32, #tpu.memory_space<hbm>>
        %dma_start3A_343 = arith.constant 99968 : i32
        %dma_start3A_344 = tpu.memref_slice %arg3[%select_n3A_78, %select_n3A_94, %dma_start3A_343] : memref<26x32x100000xf32, #tpu.memory_space<hbm>> -> memref<1x1x32xf32, #tpu.memory_space<hbm>>
        %dma_start3A_345 = tpu.memref_squeeze %dma_start3A_344 : memref<1x1x32xf32, #tpu.memory_space<hbm>> -> memref<32xf32, #tpu.memory_space<hbm>>
        tpu.enqueue_dma source(%dma_start3A_345 : memref<32xf32, #tpu.memory_space<hbm>>) target(%arg9 : memref<32xf32, #tpu.memory_space<vmem>>) target_semaphore(%run_scoped3A : memref<!tpu.dma_semaphore, #tpu.memory_space<semaphore_mem>>)
        %dma_wait3A_346 = arith.constant 99968 : i32
        %dma_wait3A_347 = tpu.memref_slice %arg3[%select_n3A_78, %select_n3A_94, %dma_wait3A_346] : memref<26x32x100000xf32, #tpu.memory_space<hbm>> -> memref<1x1x32xf32, #tpu.memory_space<hbm>>
        %dma_wait3A_348 = tpu.memref_squeeze %dma_wait3A_347 : memref<1x1x32xf32, #tpu.memory_space<hbm>> -> memref<32xf32, #tpu.memory_space<hbm>>
        %dma_wait3A_349 = arith.constant 99968 : i32
        %dma_wait3A_350 = tpu.memref_slice %arg3[%select_n3A_78, %select_n3A_94, %dma_wait3A_349] : memref<26x32x100000xf32, #tpu.memory_space<hbm>> -> memref<1x1x32xf32, #tpu.memory_space<hbm>>
        %dma_wait3A_351 = tpu.memref_squeeze %dma_wait3A_350 : memref<1x1x32xf32, #tpu.memory_space<hbm>> -> memref<32xf32, #tpu.memory_space<hbm>>
        tpu.wait_dma2 semaphore(%run_scoped3A : memref<!tpu.dma_semaphore, #tpu.memory_space<semaphore_mem>>) src(%dma_wait3A_351 : memref<32xf32, #tpu.memory_space<hbm>>) dst(%arg9 : memref<32xf32, #tpu.memory_space<vmem>>)
        tpu.yield
      }) : () -> ()
      %get3A = arith.constant 0 : index
      %get3A_179 = tpu.vector_load %arg9[%get3A] {strides = array<i32>} : memref<32xf32, #tpu.memory_space<vmem>>, vector<16xf32>,
      %swap3A = arith.constant 99968 : index
      %swap3A_180 = tpu.vector_load %arg5[%swap3A] {strides = array<i32>} : memref<100000xf32, #tpu.memory_space<vmem>>, vector<16xf32>,
      tpu.vector_store %arg5[%swap3A], %get3A_179 {strides = array<i32>} : memref<100000xf32, #tpu.memory_space<vmem>>, vector<16xf32>,
      %get3A_181 = arith.constant 16 : index
      %get3A_182 = tpu.vector_load %arg9[%get3A_181] {strides = array<i32>} : memref<32xf32, #tpu.memory_space<vmem>>, vector<16xf32>,
      %swap3A_183 = arith.constant 99984 : index
      %swap3A_184 = tpu.vector_load %arg5[%swap3A_183] {strides = array<i32>} : memref<100000xf32, #tpu.memory_space<vmem>>, vector<16xf32>,
      tpu.vector_store %arg5[%swap3A_183], %get3A_182 {strides = array<i32>} : memref<100000xf32, #tpu.memory_space<vmem>>, vector<16xf32>,
      %dma_wait3A_185 = arith.constant 0 : i32
      %dma_wait3A_186 = tpu.memref_slice %arg5[%dma_wait3A_185] : memref<100000xf32, #tpu.memory_space<vmem>> -> memref<12544xf32, #tpu.memory_space<vmem>>
      %dma_wait3A_187 = arith.constant 0 : i32
      %dma_wait3A_188 = tpu.memref_slice %arg3[%select_n3A_78, %select_n3A_94, %dma_wait3A_187] : memref<26x32x100000xf32, #tpu.memory_space<hbm>> -> memref<1x1x12544xf32, #tpu.memory_space<hbm>>
      %dma_wait3A_189 = tpu.memref_squeeze %dma_wait3A_188 : memref<1x1x12544xf32, #tpu.memory_space<hbm>> -> memref<12544xf32, #tpu.memory_space<hbm>>
      %dma_wait3A_190 = arith.constant 0 : i32
      %dma_wait3A_191 = tpu.memref_slice %arg5[%dma_wait3A_190] : memref<100000xf32, #tpu.memory_space<vmem>> -> memref<12544xf32, #tpu.memory_space<vmem>>
      %dma_wait3A_192 = arith.constant 0 : i32
      %dma_wait3A_193 = tpu.memref_slice %arg3[%select_n3A_78, %select_n3A_94, %dma_wait3A_192] : memref<26x32x100000xf32, #tpu.memory_space<hbm>> -> memref<1x1x12544xf32, #tpu.memory_space<hbm>>
      %dma_wait3A_194 = tpu.memref_squeeze %dma_wait3A_193 : memref<1x1x12544xf32, #tpu.memory_space<hbm>> -> memref<12544xf32, #tpu.memory_space<hbm>>
      tpu.wait_dma2 semaphore(%arg10 : memref<!tpu.dma_semaphore, #tpu.memory_space<semaphore_mem>>) src(%dma_wait3A_194 : memref<12544xf32, #tpu.memory_space<hbm>>) dst(%dma_wait3A_191 : memref<12544xf32, #tpu.memory_space<vmem>>)
      %dma_wait3A_195 = arith.constant 12544 : i32
      %dma_wait3A_196 = tpu.memref_slice %arg5[%dma_wait3A_195] : memref<100000xf32, #tpu.memory_space<vmem>> -> memref<12544xf32, #tpu.memory_space<vmem>>
      %dma_wait3A_197 = arith.constant 12544 : i32
      %dma_wait3A_198 = tpu.memref_slice %arg3[%select_n3A_78, %select_n3A_94, %dma_wait3A_197] : memref<26x32x100000xf32, #tpu.memory_space<hbm>> -> memref<1x1x12544xf32, #tpu.memory_space<hbm>>
      %dma_wait3A_199 = tpu.memref_squeeze %dma_wait3A_198 : memref<1x1x12544xf32, #tpu.memory_space<hbm>> -> memref<12544xf32, #tpu.memory_space<hbm>>
      %dma_wait3A_200 = arith.constant 12544 : i32
      %dma_wait3A_201 = tpu.memref_slice %arg5[%dma_wait3A_200] : memref<100000xf32, #tpu.memory_space<vmem>> -> memref<12544xf32, #tpu.memory_space<vmem>>
      %dma_wait3A_202 = arith.constant 12544 : i32
      %dma_wait3A_203 = tpu.memref_slice %arg3[%select_n3A_78, %select_n3A_94, %dma_wait3A_202] : memref<26x32x100000xf32, #tpu.memory_space<hbm>> -> memref<1x1x12544xf32, #tpu.memory_space<hbm>>
      %dma_wait3A_204 = tpu.memref_squeeze %dma_wait3A_203 : memref<1x1x12544xf32, #tpu.memory_space<hbm>> -> memref<12544xf32, #tpu.memory_space<hbm>>
      tpu.wait_dma2 semaphore(%arg11 : memref<!tpu.dma_semaphore, #tpu.memory_space<semaphore_mem>>) src(%dma_wait3A_204 : memref<12544xf32, #tpu.memory_space<hbm>>) dst(%dma_wait3A_201 : memref<12544xf32, #tpu.memory_space<vmem>>)
      %dma_wait3A_205 = arith.constant 25088 : i32
      %dma_wait3A_206 = tpu.memref_slice %arg5[%dma_wait3A_205] : memref<100000xf32, #tpu.memory_space<vmem>> -> memref<12544xf32, #tpu.memory_space<vmem>>
      %dma_wait3A_207 = arith.constant 25088 : i32
      %dma_wait3A_208 = tpu.memref_slice %arg3[%select_n3A_78, %select_n3A_94, %dma_wait3A_207] : memref<26x32x100000xf32, #tpu.memory_space<hbm>> -> memref<1x1x12544xf32, #tpu.memory_space<hbm>>
      %dma_wait3A_209 = tpu.memref_squeeze %dma_wait3A_208 : memref<1x1x12544xf32, #tpu.memory_space<hbm>> -> memref<12544xf32, #tpu.memory_space<hbm>>
      %dma_wait3A_210 = arith.constant 25088 : i32
      %dma_wait3A_211 = tpu.memref_slice %arg5[%dma_wait3A_210] : memref<100000xf32, #tpu.memory_space<vmem>> -> memref<12544xf32, #tpu.memory_space<vmem>>
      %dma_wait3A_212 = arith.constant 25088 : i32
      %dma_wait3A_213 = tpu.memref_slice %arg3[%select_n3A_78, %select_n3A_94, %dma_wait3A_212] : memref<26x32x100000xf32, #tpu.memory_space<hbm>> -> memref<1x1x12544xf32, #tpu.memory_space<hbm>>
      %dma_wait3A_214 = tpu.memref_squeeze %dma_wait3A_213 : memref<1x1x12544xf32, #tpu.memory_space<hbm>> -> memref<12544xf32, #tpu.memory_space<hbm>>
      tpu.wait_dma2 semaphore(%arg12 : memref<!tpu.dma_semaphore, #tpu.memory_space<semaphore_mem>>) src(%dma_wait3A_214 : memref<12544xf32, #tpu.memory_space<hbm>>) dst(%dma_wait3A_211 : memref<12544xf32, #tpu.memory_space<vmem>>)
      %dma_wait3A_215 = arith.constant 37632 : i32
      %dma_wait3A_216 = tpu.memref_slice %arg5[%dma_wait3A_215] : memref<100000xf32, #tpu.memory_space<vmem>> -> memref<12544xf32, #tpu.memory_space<vmem>>
      %dma_wait3A_217 = arith.constant 37632 : i32
      %dma_wait3A_218 = tpu.memref_slice %arg3[%select_n3A_78, %select_n3A_94, %dma_wait3A_217] : memref<26x32x100000xf32, #tpu.memory_space<hbm>> -> memref<1x1x12544xf32, #tpu.memory_space<hbm>>
      %dma_wait3A_219 = tpu.memref_squeeze %dma_wait3A_218 : memref<1x1x12544xf32, #tpu.memory_space<hbm>> -> memref<12544xf32, #tpu.memory_space<hbm>>
      %dma_wait3A_220 = arith.constant 37632 : i32
      %dma_wait3A_221 = tpu.memref_slice %arg5[%dma_wait3A_220] : memref<100000xf32, #tpu.memory_space<vmem>> -> memref<12544xf32, #tpu.memory_space<vmem>>
      %dma_wait3A_222 = arith.constant 37632 : i32
      %dma_wait3A_223 = tpu.memref_slice %arg3[%select_n3A_78, %select_n3A_94, %dma_wait3A_222] : memref<26x32x100000xf32, #tpu.memory_space<hbm>> -> memref<1x1x12544xf32, #tpu.memory_space<hbm>>
      %dma_wait3A_224 = tpu.memref_squeeze %dma_wait3A_223 : memref<1x1x12544xf32, #tpu.memory_space<hbm>> -> memref<12544xf32, #tpu.memory_space<hbm>>
      tpu.wait_dma2 semaphore(%arg13 : memref<!tpu.dma_semaphore, #tpu.memory_space<semaphore_mem>>) src(%dma_wait3A_224 : memref<12544xf32, #tpu.memory_space<hbm>>) dst(%dma_wait3A_221 : memref<12544xf32, #tpu.memory_space<vmem>>)
      %dma_wait3A_225 = arith.constant 50176 : i32
      %dma_wait3A_226 = tpu.memref_slice %arg5[%dma_wait3A_225] : memref<100000xf32, #tpu.memory_space<vmem>> -> memref<12544xf32, #tpu.memory_space<vmem>>
      %dma_wait3A_227 = arith.constant 50176 : i32
      %dma_wait3A_228 = tpu.memref_slice %arg3[%select_n3A_78, %select_n3A_94, %dma_wait3A_227] : memref<26x32x100000xf32, #tpu.memory_space<hbm>> -> memref<1x1x12544xf32, #tpu.memory_space<hbm>>
      %dma_wait3A_229 = tpu.memref_squeeze %dma_wait3A_228 : memref<1x1x12544xf32, #tpu.memory_space<hbm>> -> memref<12544xf32, #tpu.memory_space<hbm>>
      %dma_wait3A_230 = arith.constant 50176 : i32
      %dma_wait3A_231 = tpu.memref_slice %arg5[%dma_wait3A_230] : memref<100000xf32, #tpu.memory_space<vmem>> -> memref<12544xf32, #tpu.memory_space<vmem>>
      %dma_wait3A_232 = arith.constant 50176 : i32
      %dma_wait3A_233 = tpu.memref_slice %arg3[%select_n3A_78, %select_n3A_94, %dma_wait3A_232] : memref<26x32x100000xf32, #tpu.memory_space<hbm>> -> memref<1x1x12544xf32, #tpu.memory_space<hbm>>
      %dma_wait3A_234 = tpu.memref_squeeze %dma_wait3A_233 : memref<1x1x12544xf32, #tpu.memory_space<hbm>> -> memref<12544xf32, #tpu.memory_space<hbm>>
      tpu.wait_dma2 semaphore(%arg14 : memref<!tpu.dma_semaphore, #tpu.memory_space<semaphore_mem>>) src(%dma_wait3A_234 : memref<12544xf32, #tpu.memory_space<hbm>>) dst(%dma_wait3A_231 : memref<12544xf32, #tpu.memory_space<vmem>>)
      %dma_wait3A_235 = arith.constant 62720 : i32
      %dma_wait3A_236 = tpu.memref_slice %arg5[%dma_wait3A_235] : memref<100000xf32, #tpu.memory_space<vmem>> -> memref<12544xf32, #tpu.memory_space<vmem>>
      %dma_wait3A_237 = arith.constant 62720 : i32
      %dma_wait3A_238 = tpu.memref_slice %arg3[%select_n3A_78, %select_n3A_94, %dma_wait3A_237] : memref<26x32x100000xf32, #tpu.memory_space<hbm>> -> memref<1x1x12544xf32, #tpu.memory_space<hbm>>
      %dma_wait3A_239 = tpu.memref_squeeze %dma_wait3A_238 : memref<1x1x12544xf32, #tpu.memory_space<hbm>> -> memref<12544xf32, #tpu.memory_space<hbm>>
      %dma_wait3A_240 = arith.constant 62720 : i32
      %dma_wait3A_241 = tpu.memref_slice %arg5[%dma_wait3A_240] : memref<100000xf32, #tpu.memory_space<vmem>> -> memref<12544xf32, #tpu.memory_space<vmem>>
      %dma_wait3A_242 = arith.constant 62720 : i32
      %dma_wait3A_243 = tpu.memref_slice %arg3[%select_n3A_78, %select_n3A_94, %dma_wait3A_242] : memref<26x32x100000xf32, #tpu.memory_space<hbm>> -> memref<1x1x12544xf32, #tpu.memory_space<hbm>>
      %dma_wait3A_244 = tpu.memref_squeeze %dma_wait3A_243 : memref<1x1x12544xf32, #tpu.memory_space<hbm>> -> memref<12544xf32, #tpu.memory_space<hbm>>
      tpu.wait_dma2 semaphore(%arg15 : memref<!tpu.dma_semaphore, #tpu.memory_space<semaphore_mem>>) src(%dma_wait3A_244 : memref<12544xf32, #tpu.memory_space<hbm>>) dst(%dma_wait3A_241 : memref<12544xf32, #tpu.memory_space<vmem>>)
      %dma_wait3A_245 = arith.constant 75264 : i32
      %dma_wait3A_246 = tpu.memref_slice %arg5[%dma_wait3A_245] : memref<100000xf32, #tpu.memory_space<vmem>> -> memref<12544xf32, #tpu.memory_space<vmem>>
      %dma_wait3A_247 = arith.constant 75264 : i32
      %dma_wait3A_248 = tpu.memref_slice %arg3[%select_n3A_78, %select_n3A_94, %dma_wait3A_247] : memref<26x32x100000xf32, #tpu.memory_space<hbm>> -> memref<1x1x12544xf32, #tpu.memory_space<hbm>>
      %dma_wait3A_249 = tpu.memref_squeeze %dma_wait3A_248 : memref<1x1x12544xf32, #tpu.memory_space<hbm>> -> memref<12544xf32, #tpu.memory_space<hbm>>
      %dma_wait3A_250 = arith.constant 75264 : i32
      %dma_wait3A_251 = tpu.memref_slice %arg5[%dma_wait3A_250] : memref<100000xf32, #tpu.memory_space<vmem>> -> memref<12544xf32, #tpu.memory_space<vmem>>
      %dma_wait3A_252 = arith.constant 75264 : i32
      %dma_wait3A_253 = tpu.memref_slice %arg3[%select_n3A_78, %select_n3A_94, %dma_wait3A_252] : memref<26x32x100000xf32, #tpu.memory_space<hbm>> -> memref<1x1x12544xf32, #tpu.memory_space<hbm>>
      %dma_wait3A_254 = tpu.memref_squeeze %dma_wait3A_253 : memref<1x1x12544xf32, #tpu.memory_space<hbm>> -> memref<12544xf32, #tpu.memory_space<hbm>>
      tpu.wait_dma2 semaphore(%arg16 : memref<!tpu.dma_semaphore, #tpu.memory_space<semaphore_mem>>) src(%dma_wait3A_254 : memref<12544xf32, #tpu.memory_space<hbm>>) dst(%dma_wait3A_251 : memref<12544xf32, #tpu.memory_space<vmem>>)
      %dma_wait3A_255 = arith.constant 87808 : i32
      %dma_wait3A_256 = tpu.memref_slice %arg5[%dma_wait3A_255] : memref<100000xf32, #tpu.memory_space<vmem>> -> memref<12160xf32, #tpu.memory_space<vmem>>
      %dma_wait3A_257 = arith.constant 87808 : i32
      %dma_wait3A_258 = tpu.memref_slice %arg3[%select_n3A_78, %select_n3A_94, %dma_wait3A_257] : memref<26x32x100000xf32, #tpu.memory_space<hbm>> -> memref<1x1x12160xf32, #tpu.memory_space<hbm>>
      %dma_wait3A_259 = tpu.memref_squeeze %dma_wait3A_258 : memref<1x1x12160xf32, #tpu.memory_space<hbm>> -> memref<12160xf32, #tpu.memory_space<hbm>>
      %dma_wait3A_260 = arith.constant 87808 : i32
      %dma_wait3A_261 = tpu.memref_slice %arg5[%dma_wait3A_260] : memref<100000xf32, #tpu.memory_space<vmem>> -> memref<12160xf32, #tpu.memory_space<vmem>>
      %dma_wait3A_262 = arith.constant 87808 : i32
      %dma_wait3A_263 = tpu.memref_slice %arg3[%select_n3A_78, %select_n3A_94, %dma_wait3A_262] : memref<26x32x100000xf32, #tpu.memory_space<hbm>> -> memref<1x1x12160xf32, #tpu.memory_space<hbm>>
      %dma_wait3A_264 = tpu.memref_squeeze %dma_wait3A_263 : memref<1x1x12160xf32, #tpu.memory_space<hbm>> -> memref<12160xf32, #tpu.memory_space<hbm>>
      tpu.wait_dma2 semaphore(%arg17 : memref<!tpu.dma_semaphore, #tpu.memory_space<semaphore_mem>>) src(%dma_wait3A_264 : memref<12160xf32, #tpu.memory_space<hbm>>) dst(%dma_wait3A_261 : memref<12160xf32, #tpu.memory_space<vmem>>)
      %gt3A = arith.constant 0 : i32
      %gt3A_265 = arith.cmpi sgt, %scan3A_53, %gt3A : i32
      %or3A_266 = arith.constant false
      %or3A_267 = arith.ori %gt3A_265, %or3A_266 : i1
      %convert_element_type3A_268 = arith.extui %or3A_267 : i1 to i32
      %cond3A_269 = arith.constant 0 : i32
      %cond3A_270 = arith.cmpi ne, %convert_element_type3A_268, %cond3A_269 : i32
      scf.if %cond3A_270 {
        %sub3A_340 = arith.constant 1 : i32
        %sub3A_341 = arith.subi %add3A_54, %sub3A_340 : i32
        %jit3A_342 = arith.constant 32 : i32
        %div3A_343 = arith.divsi %sub3A_341, %jit3A_342 : i32
        %sign3A_344 = arith.constant 0 : i32
        %sign3A_345 = arith.cmpi sgt, %sub3A_341, %sign3A_344 : i32
        %sign3A_346 = arith.extui %sign3A_345 : i1 to i32
        %sign3A_347 = arith.constant 0 : i32
        %sign3A_348 = arith.cmpi slt, %sub3A_341, %sign3A_347 : i32
        %sign3A_349 = arith.extui %sign3A_348 : i1 to i32
        %sign3A_350 = arith.subi %sign3A_346, %sign3A_349 : i32
        %sign3A_351 = arith.constant 0 : i32
        %sign3A_352 = arith.cmpi sgt, %jit3A_342, %sign3A_351 : i32
        %sign3A_353 = arith.extui %sign3A_352 : i1 to i32
        %sign3A_354 = arith.constant 0 : i32
        %sign3A_355 = arith.cmpi slt, %jit3A_342, %sign3A_354 : i32
        %sign3A_356 = arith.extui %sign3A_355 : i1 to i32
        %sign3A_357 = arith.subi %sign3A_353, %sign3A_356 : i32
        %ne3A_358 = arith.cmpi ne, %sign3A_350, %sign3A_357 : i32
        %rem3A_359 = arith.remsi %sub3A_341, %jit3A_342 : i32
        %ne3A_360 = arith.constant 0 : i32
        %ne3A_361 = arith.cmpi ne, %rem3A_359, %ne3A_360 : i32
        %and3A_362 = arith.andi %ne3A_358, %ne3A_361 : i1
        %sub3A_363 = arith.constant 1 : i32
        %sub3A_364 = arith.subi %div3A_343, %sub3A_363 : i32
        %select_n3A_365 = arith.select %and3A_362, %sub3A_364, %div3A_343 : i32
        %jit3A_366 = arith.constant 32 : i32
        %eq3A_367 = arith.constant 0 : i32
        %eq3A_368 = arith.cmpi eq, %jit3A_366, %eq3A_367 : i32
        %jit3A_369 = arith.constant 1 : i32
        %select_n3A_370 = arith.select %eq3A_368, %jit3A_369, %jit3A_366 : i32
        %rem3A_371 = arith.remsi %sub3A_341, %select_n3A_370 : i32
        %ne3A_372 = arith.constant 0 : i32
        %ne3A_373 = arith.cmpi ne, %rem3A_371, %ne3A_372 : i32
        %lt3A_374 = arith.constant 0 : i32
        %lt3A_375 = arith.cmpi slt, %rem3A_371, %lt3A_374 : i32
        %lt3A_376 = arith.constant 0 : i32
        %lt3A_377 = arith.cmpi slt, %select_n3A_370, %lt3A_376 : i32
        %ne3A_378 = arith.xori %lt3A_375, %lt3A_377 : i1
        %and3A_379 = arith.andi %ne3A_378, %ne3A_373 : i1
        %add3A_380 = arith.addi %rem3A_371, %select_n3A_370 : i32
        %select_n3A_381 = arith.select %and3A_379, %add3A_380, %rem3A_371 : i32
        %dma_wait3A_382 = arith.constant 8192 : i32
        %dma_wait3A_383 = tpu.memref_slice %arg4[%select_n3A_365, %select_n3A_381, %dma_wait3A_382] : memref<26x32x16384xf32, #tpu.memory_space<hbm>> -> memref<1x1x4096xf32, #tpu.memory_space<hbm>>
        %dma_wait3A_384 = tpu.memref_squeeze %dma_wait3A_383 : memref<1x1x4096xf32, #tpu.memory_space<hbm>> -> memref<4096xf32, #tpu.memory_space<hbm>>
        %dma_wait3A_385 = arith.constant 8192 : i32
        %dma_wait3A_386 = tpu.memref_slice %arg4[%select_n3A_365, %select_n3A_381, %dma_wait3A_385] : memref<26x32x16384xf32, #tpu.memory_space<hbm>> -> memref<1x1x4096xf32, #tpu.memory_space<hbm>>
        %dma_wait3A_387 = tpu.memref_squeeze %dma_wait3A_386 : memref<1x1x4096xf32, #tpu.memory_space<hbm>> -> memref<4096xf32, #tpu.memory_space<hbm>>
        tpu.wait_dma2 semaphore(%arg18 : memref<!tpu.dma_semaphore, #tpu.memory_space<semaphore_mem>>) src(%arg7 : memref<4096xf32, #tpu.memory_space<vmem>>) dst(%dma_wait3A_387 : memref<4096xf32, #tpu.memory_space<hbm>>)
      } else {
      }
      %scan3A_271 = arith.constant 0 : i32
      %scan3A_272 = arith.constant 0 : i32
      %scan3A_273 = arith.constant 256 : i32
      %scan3A_274 = arith.addi %scan3A_272, %scan3A_273 : i32
      %scan3A_275 = arith.constant 32 : i32
      scf.for %scan3A_340 = %scan3A_272 to %scan3A_274 step %scan3A_275  : i32 {
        %mul3A_341 = arith.constant 16 : i32
        %mul3A_342 = arith.muli %scan3A_340, %mul3A_341 : i32
        %add3A_343 = arith.constant 0 : i32
        %add3A_344 = arith.addi %add3A_343, %mul3A_342 : i32
        %get3A_345 = arith.index_cast %add3A_344 : i32 to index
        %get3A_346 = tpu.vector_load %arg6[%get3A_345] {strides = array<i32>} : memref<16384xi32, #tpu.memory_space<vmem>>, vector<16xi32>,
        %gather3A = tpu.vector_load_idx %arg5[%get3A_346] : memref<100000xf32, #tpu.memory_space<vmem>>[vector<16xi32>], vector<16xf32>,
        %mul3A_347 = arith.constant 16 : i32
        %mul3A_348 = arith.muli %scan3A_340, %mul3A_347 : i32
        %swap3A_349 = arith.index_cast %mul3A_348 : i32 to index
        %swap3A_350 = tpu.vector_load %arg7[%swap3A_349] {strides = array<i32>} : memref<4096xf32, #tpu.memory_space<vmem>>, vector<16xf32>,
        tpu.vector_store %arg7[%swap3A_349], %gather3A {strides = array<i32>} : memref<4096xf32, #tpu.memory_space<vmem>>, vector<16xf32>,
        %scan3A_351 = arith.constant 1 : i32
        %scan3A_352 = arith.addi %scan3A_340, %scan3A_351 : i32
        %mul3A_353 = arith.constant 16 : i32
        %mul3A_354 = arith.muli %scan3A_352, %mul3A_353 : i32
        %add3A_355 = arith.constant 0 : i32
        %add3A_356 = arith.addi %add3A_355, %mul3A_354 : i32
        %get3A_357 = arith.index_cast %add3A_356 : i32 to index
        %get3A_358 = tpu.vector_load %arg6[%get3A_357] {strides = array<i32>} : memref<16384xi32, #tpu.memory_space<vmem>>, vector<16xi32>,
        %gather3A_359 = tpu.vector_load_idx %arg5[%get3A_358] : memref<100000xf32, #tpu.memory_space<vmem>>[vector<16xi32>], vector<16xf32>,
        %mul3A_360 = arith.constant 16 : i32
        %mul3A_361 = arith.muli %scan3A_352, %mul3A_360 : i32
        %swap3A_362 = arith.index_cast %mul3A_361 : i32 to index
        %swap3A_363 = tpu.vector_load %arg7[%swap3A_362] {strides = array<i32>} : memref<4096xf32, #tpu.memory_space<vmem>>, vector<16xf32>,
        tpu.vector_store %arg7[%swap3A_362], %gather3A_359 {strides = array<i32>} : memref<4096xf32, #tpu.memory_space<vmem>>, vector<16xf32>,
        %scan3A_364 = arith.constant 2 : i32
        %scan3A_365 = arith.addi %scan3A_340, %scan3A_364 : i32
        %mul3A_366 = arith.constant 16 : i32
        %mul3A_367 = arith.muli %scan3A_365, %mul3A_366 : i32
        %add3A_368 = arith.constant 0 : i32
        %add3A_369 = arith.addi %add3A_368, %mul3A_367 : i32
        %get3A_370 = arith.index_cast %add3A_369 : i32 to index
        %get3A_371 = tpu.vector_load %arg6[%get3A_370] {strides = array<i32>} : memref<16384xi32, #tpu.memory_space<vmem>>, vector<16xi32>,
        %gather3A_372 = tpu.vector_load_idx %arg5[%get3A_371] : memref<100000xf32, #tpu.memory_space<vmem>>[vector<16xi32>], vector<16xf32>,
        %mul3A_373 = arith.constant 16 : i32
        %mul3A_374 = arith.muli %scan3A_365, %mul3A_373 : i32
        %swap3A_375 = arith.index_cast %mul3A_374 : i32 to index
        %swap3A_376 = tpu.vector_load %arg7[%swap3A_375] {strides = array<i32>} : memref<4096xf32, #tpu.memory_space<vmem>>, vector<16xf32>,
        tpu.vector_store %arg7[%swap3A_375], %gather3A_372 {strides = array<i32>} : memref<4096xf32, #tpu.memory_space<vmem>>, vector<16xf32>,
        %scan3A_377 = arith.constant 3 : i32
        %scan3A_378 = arith.addi %scan3A_340, %scan3A_377 : i32
        %mul3A_379 = arith.constant 16 : i32
        %mul3A_380 = arith.muli %scan3A_378, %mul3A_379 : i32
        %add3A_381 = arith.constant 0 : i32
        %add3A_382 = arith.addi %add3A_381, %mul3A_380 : i32
        %get3A_383 = arith.index_cast %add3A_382 : i32 to index
        %get3A_384 = tpu.vector_load %arg6[%get3A_383] {strides = array<i32>} : memref<16384xi32, #tpu.memory_space<vmem>>, vector<16xi32>,
        %gather3A_385 = tpu.vector_load_idx %arg5[%get3A_384] : memref<100000xf32, #tpu.memory_space<vmem>>[vector<16xi32>], vector<16xf32>,
        %mul3A_386 = arith.constant 16 : i32
        %mul3A_387 = arith.muli %scan3A_378, %mul3A_386 : i32
        %swap3A_388 = arith.index_cast %mul3A_387 : i32 to index
        %swap3A_389 = tpu.vector_load %arg7[%swap3A_388] {strides = array<i32>} : memref<4096xf32, #tpu.memory_space<vmem>>, vector<16xf32>,
        tpu.vector_store %arg7[%swap3A_388], %gather3A_385 {strides = array<i32>} : memref<4096xf32, #tpu.memory_space<vmem>>, vector<16xf32>,
        %scan3A_390 = arith.constant 4 : i32
        %scan3A_391 = arith.addi %scan3A_340, %scan3A_390 : i32
        %mul3A_392 = arith.constant 16 : i32
        %mul3A_393 = arith.muli %scan3A_391, %mul3A_392 : i32
        %add3A_394 = arith.constant 0 : i32
        %add3A_395 = arith.addi %add3A_394, %mul3A_393 : i32
        %get3A_396 = arith.index_cast %add3A_395 : i32 to index
        %get3A_397 = tpu.vector_load %arg6[%get3A_396] {strides = array<i32>} : memref<16384xi32, #tpu.memory_space<vmem>>, vector<16xi32>,
        %gather3A_398 = tpu.vector_load_idx %arg5[%get3A_397] : memref<100000xf32, #tpu.memory_space<vmem>>[vector<16xi32>], vector<16xf32>,
        %mul3A_399 = arith.constant 16 : i32
        %mul3A_400 = arith.muli %scan3A_391, %mul3A_399 : i32
        %swap3A_401 = arith.index_cast %mul3A_400 : i32 to index
        %swap3A_402 = tpu.vector_load %arg7[%swap3A_401] {strides = array<i32>} : memref<4096xf32, #tpu.memory_space<vmem>>, vector<16xf32>,
        tpu.vector_store %arg7[%swap3A_401], %gather3A_398 {strides = array<i32>} : memref<4096xf32, #tpu.memory_space<vmem>>, vector<16xf32>,
        %scan3A_403 = arith.constant 5 : i32
        %scan3A_404 = arith.addi %scan3A_340, %scan3A_403 : i32
        %mul3A_405 = arith.constant 16 : i32
        %mul3A_406 = arith.muli %scan3A_404, %mul3A_405 : i32
        %add3A_407 = arith.constant 0 : i32
        %add3A_408 = arith.addi %add3A_407, %mul3A_406 : i32
        %get3A_409 = arith.index_cast %add3A_408 : i32 to index
        %get3A_410 = tpu.vector_load %arg6[%get3A_409] {strides = array<i32>} : memref<16384xi32, #tpu.memory_space<vmem>>, vector<16xi32>,
        %gather3A_411 = tpu.vector_load_idx %arg5[%get3A_410] : memref<100000xf32, #tpu.memory_space<vmem>>[vector<16xi32>], vector<16xf32>,
        %mul3A_412 = arith.constant 16 : i32
        %mul3A_413 = arith.muli %scan3A_404, %mul3A_412 : i32
        %swap3A_414 = arith.index_cast %mul3A_413 : i32 to index
        %swap3A_415 = tpu.vector_load %arg7[%swap3A_414] {strides = array<i32>} : memref<4096xf32, #tpu.memory_space<vmem>>, vector<16xf32>,
        tpu.vector_store %arg7[%swap3A_414], %gather3A_411 {strides = array<i32>} : memref<4096xf32, #tpu.memory_space<vmem>>, vector<16xf32>,
        %scan3A_416 = arith.constant 6 : i32
        %scan3A_417 = arith.addi %scan3A_340, %scan3A_416 : i32
        %mul3A_418 = arith.constant 16 : i32
        %mul3A_419 = arith.muli %scan3A_417, %mul3A_418 : i32
        %add3A_420 = arith.constant 0 : i32
        %add3A_421 = arith.addi %add3A_420, %mul3A_419 : i32
        %get3A_422 = arith.index_cast %add3A_421 : i32 to index
        %get3A_423 = tpu.vector_load %arg6[%get3A_422] {strides = array<i32>} : memref<16384xi32, #tpu.memory_space<vmem>>, vector<16xi32>,
        %gather3A_424 = tpu.vector_load_idx %arg5[%get3A_423] : memref<100000xf32, #tpu.memory_space<vmem>>[vector<16xi32>], vector<16xf32>,
        %mul3A_425 = arith.constant 16 : i32
        %mul3A_426 = arith.muli %scan3A_417, %mul3A_425 : i32
        %swap3A_427 = arith.index_cast %mul3A_426 : i32 to index
        %swap3A_428 = tpu.vector_load %arg7[%swap3A_427] {strides = array<i32>} : memref<4096xf32, #tpu.memory_space<vmem>>, vector<16xf32>,
        tpu.vector_store %arg7[%swap3A_427], %gather3A_424 {strides = array<i32>} : memref<4096xf32, #tpu.memory_space<vmem>>, vector<16xf32>,
        %scan3A_429 = arith.constant 7 : i32
        %scan3A_430 = arith.addi %scan3A_340, %scan3A_429 : i32
        %mul3A_431 = arith.constant 16 : i32
        %mul3A_432 = arith.muli %scan3A_430, %mul3A_431 : i32
        %add3A_433 = arith.constant 0 : i32
        %add3A_434 = arith.addi %add3A_433, %mul3A_432 : i32
        %get3A_435 = arith.index_cast %add3A_434 : i32 to index
        %get3A_436 = tpu.vector_load %arg6[%get3A_435] {strides = array<i32>} : memref<16384xi32, #tpu.memory_space<vmem>>, vector<16xi32>,
        %gather3A_437 = tpu.vector_load_idx %arg5[%get3A_436] : memref<100000xf32, #tpu.memory_space<vmem>>[vector<16xi32>], vector<16xf32>,
        %mul3A_438 = arith.constant 16 : i32
        %mul3A_439 = arith.muli %scan3A_430, %mul3A_438 : i32
        %swap3A_440 = arith.index_cast %mul3A_439 : i32 to index
        %swap3A_441 = tpu.vector_load %arg7[%swap3A_440] {strides = array<i32>} : memref<4096xf32, #tpu.memory_space<vmem>>, vector<16xf32>,
        tpu.vector_store %arg7[%swap3A_440], %gather3A_437 {strides = array<i32>} : memref<4096xf32, #tpu.memory_space<vmem>>, vector<16xf32>,
        %scan3A_442 = arith.constant 8 : i32
        %scan3A_443 = arith.addi %scan3A_340, %scan3A_442 : i32
        %mul3A_444 = arith.constant 16 : i32
        %mul3A_445 = arith.muli %scan3A_443, %mul3A_444 : i32
        %add3A_446 = arith.constant 0 : i32
        %add3A_447 = arith.addi %add3A_446, %mul3A_445 : i32
        %get3A_448 = arith.index_cast %add3A_447 : i32 to index
        %get3A_449 = tpu.vector_load %arg6[%get3A_448] {strides = array<i32>} : memref<16384xi32, #tpu.memory_space<vmem>>, vector<16xi32>,
        %gather3A_450 = tpu.vector_load_idx %arg5[%get3A_449] : memref<100000xf32, #tpu.memory_space<vmem>>[vector<16xi32>], vector<16xf32>,
        %mul3A_451 = arith.constant 16 : i32
        %mul3A_452 = arith.muli %scan3A_443, %mul3A_451 : i32
        %swap3A_453 = arith.index_cast %mul3A_452 : i32 to index
        %swap3A_454 = tpu.vector_load %arg7[%swap3A_453] {strides = array<i32>} : memref<4096xf32, #tpu.memory_space<vmem>>, vector<16xf32>,
        tpu.vector_store %arg7[%swap3A_453], %gather3A_450 {strides = array<i32>} : memref<4096xf32, #tpu.memory_space<vmem>>, vector<16xf32>,
        %scan3A_455 = arith.constant 9 : i32
        %scan3A_456 = arith.addi %scan3A_340, %scan3A_455 : i32
        %mul3A_457 = arith.constant 16 : i32
        %mul3A_458 = arith.muli %scan3A_456, %mul3A_457 : i32
        %add3A_459 = arith.constant 0 : i32
        %add3A_460 = arith.addi %add3A_459, %mul3A_458 : i32
        %get3A_461 = arith.index_cast %add3A_460 : i32 to index
        %get3A_462 = tpu.vector_load %arg6[%get3A_461] {strides = array<i32>} : memref<16384xi32, #tpu.memory_space<vmem>>, vector<16xi32>,
        %gather3A_463 = tpu.vector_load_idx %arg5[%get3A_462] : memref<100000xf32, #tpu.memory_space<vmem>>[vector<16xi32>], vector<16xf32>,
        %mul3A_464 = arith.constant 16 : i32
        %mul3A_465 = arith.muli %scan3A_456, %mul3A_464 : i32
        %swap3A_466 = arith.index_cast %mul3A_465 : i32 to index
        %swap3A_467 = tpu.vector_load %arg7[%swap3A_466] {strides = array<i32>} : memref<4096xf32, #tpu.memory_space<vmem>>, vector<16xf32>,
        tpu.vector_store %arg7[%swap3A_466], %gather3A_463 {strides = array<i32>} : memref<4096xf32, #tpu.memory_space<vmem>>, vector<16xf32>,
        %scan3A_468 = arith.constant 10 : i32
        %scan3A_469 = arith.addi %scan3A_340, %scan3A_468 : i32
        %mul3A_470 = arith.constant 16 : i32
        %mul3A_471 = arith.muli %scan3A_469, %mul3A_470 : i32
        %add3A_472 = arith.constant 0 : i32
        %add3A_473 = arith.addi %add3A_472, %mul3A_471 : i32
        %get3A_474 = arith.index_cast %add3A_473 : i32 to index
        %get3A_475 = tpu.vector_load %arg6[%get3A_474] {strides = array<i32>} : memref<16384xi32, #tpu.memory_space<vmem>>, vector<16xi32>,
        %gather3A_476 = tpu.vector_load_idx %arg5[%get3A_475] : memref<100000xf32, #tpu.memory_space<vmem>>[vector<16xi32>], vector<16xf32>,
        %mul3A_477 = arith.constant 16 : i32
        %mul3A_478 = arith.muli %scan3A_469, %mul3A_477 : i32
        %swap3A_479 = arith.index_cast %mul3A_478 : i32 to index
        %swap3A_480 = tpu.vector_load %arg7[%swap3A_479] {strides = array<i32>} : memref<4096xf32, #tpu.memory_space<vmem>>, vector<16xf32>,
        tpu.vector_store %arg7[%swap3A_479], %gather3A_476 {strides = array<i32>} : memref<4096xf32, #tpu.memory_space<vmem>>, vector<16xf32>,
        %scan3A_481 = arith.constant 11 : i32
        %scan3A_482 = arith.addi %scan3A_340, %scan3A_481 : i32
        %mul3A_483 = arith.constant 16 : i32
        %mul3A_484 = arith.muli %scan3A_482, %mul3A_483 : i32
        %add3A_485 = arith.constant 0 : i32
        %add3A_486 = arith.addi %add3A_485, %mul3A_484 : i32
        %get3A_487 = arith.index_cast %add3A_486 : i32 to index
        %get3A_488 = tpu.vector_load %arg6[%get3A_487] {strides = array<i32>} : memref<16384xi32, #tpu.memory_space<vmem>>, vector<16xi32>,
        %gather3A_489 = tpu.vector_load_idx %arg5[%get3A_488] : memref<100000xf32, #tpu.memory_space<vmem>>[vector<16xi32>], vector<16xf32>,
        %mul3A_490 = arith.constant 16 : i32
        %mul3A_491 = arith.muli %scan3A_482, %mul3A_490 : i32
        %swap3A_492 = arith.index_cast %mul3A_491 : i32 to index
        %swap3A_493 = tpu.vector_load %arg7[%swap3A_492] {strides = array<i32>} : memref<4096xf32, #tpu.memory_space<vmem>>, vector<16xf32>,
        tpu.vector_store %arg7[%swap3A_492], %gather3A_489 {strides = array<i32>} : memref<4096xf32, #tpu.memory_space<vmem>>, vector<16xf32>,
        %scan3A_494 = arith.constant 12 : i32
        %scan3A_495 = arith.addi %scan3A_340, %scan3A_494 : i32
        %mul3A_496 = arith.constant 16 : i32
        %mul3A_497 = arith.muli %scan3A_495, %mul3A_496 : i32
        %add3A_498 = arith.constant 0 : i32
        %add3A_499 = arith.addi %add3A_498, %mul3A_497 : i32
        %get3A_500 = arith.index_cast %add3A_499 : i32 to index
        %get3A_501 = tpu.vector_load %arg6[%get3A_500] {strides = array<i32>} : memref<16384xi32, #tpu.memory_space<vmem>>, vector<16xi32>,
        %gather3A_502 = tpu.vector_load_idx %arg5[%get3A_501] : memref<100000xf32, #tpu.memory_space<vmem>>[vector<16xi32>], vector<16xf32>,
        %mul3A_503 = arith.constant 16 : i32
        %mul3A_504 = arith.muli %scan3A_495, %mul3A_503 : i32
        %swap3A_505 = arith.index_cast %mul3A_504 : i32 to index
        %swap3A_506 = tpu.vector_load %arg7[%swap3A_505] {strides = array<i32>} : memref<4096xf32, #tpu.memory_space<vmem>>, vector<16xf32>,
        tpu.vector_store %arg7[%swap3A_505], %gather3A_502 {strides = array<i32>} : memref<4096xf32, #tpu.memory_space<vmem>>, vector<16xf32>,
        %scan3A_507 = arith.constant 13 : i32
        %scan3A_508 = arith.addi %scan3A_340, %scan3A_507 : i32
        %mul3A_509 = arith.constant 16 : i32
        %mul3A_510 = arith.muli %scan3A_508, %mul3A_509 : i32
        %add3A_511 = arith.constant 0 : i32
        %add3A_512 = arith.addi %add3A_511, %mul3A_510 : i32
        %get3A_513 = arith.index_cast %add3A_512 : i32 to index
        %get3A_514 = tpu.vector_load %arg6[%get3A_513] {strides = array<i32>} : memref<16384xi32, #tpu.memory_space<vmem>>, vector<16xi32>,
        %gather3A_515 = tpu.vector_load_idx %arg5[%get3A_514] : memref<100000xf32, #tpu.memory_space<vmem>>[vector<16xi32>], vector<16xf32>,
        %mul3A_516 = arith.constant 16 : i32
        %mul3A_517 = arith.muli %scan3A_508, %mul3A_516 : i32
        %swap3A_518 = arith.index_cast %mul3A_517 : i32 to index
        %swap3A_519 = tpu.vector_load %arg7[%swap3A_518] {strides = array<i32>} : memref<4096xf32, #tpu.memory_space<vmem>>, vector<16xf32>,
        tpu.vector_store %arg7[%swap3A_518], %gather3A_515 {strides = array<i32>} : memref<4096xf32, #tpu.memory_space<vmem>>, vector<16xf32>,
        %scan3A_520 = arith.constant 14 : i32
        %scan3A_521 = arith.addi %scan3A_340, %scan3A_520 : i32
        %mul3A_522 = arith.constant 16 : i32
        %mul3A_523 = arith.muli %scan3A_521, %mul3A_522 : i32
        %add3A_524 = arith.constant 0 : i32
        %add3A_525 = arith.addi %add3A_524, %mul3A_523 : i32
        %get3A_526 = arith.index_cast %add3A_525 : i32 to index
        %get3A_527 = tpu.vector_load %arg6[%get3A_526] {strides = array<i32>} : memref<16384xi32, #tpu.memory_space<vmem>>, vector<16xi32>,
        %gather3A_528 = tpu.vector_load_idx %arg5[%get3A_527] : memref<100000xf32, #tpu.memory_space<vmem>>[vector<16xi32>], vector<16xf32>,
        %mul3A_529 = arith.constant 16 : i32
        %mul3A_530 = arith.muli %scan3A_521, %mul3A_529 : i32
        %swap3A_531 = arith.index_cast %mul3A_530 : i32 to index
        %swap3A_532 = tpu.vector_load %arg7[%swap3A_531] {strides = array<i32>} : memref<4096xf32, #tpu.memory_space<vmem>>, vector<16xf32>,
        tpu.vector_store %arg7[%swap3A_531], %gather3A_528 {strides = array<i32>} : memref<4096xf32, #tpu.memory_space<vmem>>, vector<16xf32>,
        %scan3A_533 = arith.constant 15 : i32
        %scan3A_534 = arith.addi %scan3A_340, %scan3A_533 : i32
        %mul3A_535 = arith.constant 16 : i32
        %mul3A_536 = arith.muli %scan3A_534, %mul3A_535 : i32
        %add3A_537 = arith.constant 0 : i32
        %add3A_538 = arith.addi %add3A_537, %mul3A_536 : i32
        %get3A_539 = arith.index_cast %add3A_538 : i32 to index
        %get3A_540 = tpu.vector_load %arg6[%get3A_539] {strides = array<i32>} : memref<16384xi32, #tpu.memory_space<vmem>>, vector<16xi32>,
        %gather3A_541 = tpu.vector_load_idx %arg5[%get3A_540] : memref<100000xf32, #tpu.memory_space<vmem>>[vector<16xi32>], vector<16xf32>,
        %mul3A_542 = arith.constant 16 : i32
        %mul3A_543 = arith.muli %scan3A_534, %mul3A_542 : i32
        %swap3A_544 = arith.index_cast %mul3A_543 : i32 to index
        %swap3A_545 = tpu.vector_load %arg7[%swap3A_544] {strides = array<i32>} : memref<4096xf32, #tpu.memory_space<vmem>>, vector<16xf32>,
        tpu.vector_store %arg7[%swap3A_544], %gather3A_541 {strides = array<i32>} : memref<4096xf32, #tpu.memory_space<vmem>>, vector<16xf32>,
        %scan3A_546 = arith.constant 16 : i32
        %scan3A_547 = arith.addi %scan3A_340, %scan3A_546 : i32
        %mul3A_548 = arith.constant 16 : i32
        %mul3A_549 = arith.muli %scan3A_547, %mul3A_548 : i32
        %add3A_550 = arith.constant 0 : i32
        %add3A_551 = arith.addi %add3A_550, %mul3A_549 : i32
        %get3A_552 = arith.index_cast %add3A_551 : i32 to index
        %get3A_553 = tpu.vector_load %arg6[%get3A_552] {strides = array<i32>} : memref<16384xi32, #tpu.memory_space<vmem>>, vector<16xi32>,
        %gather3A_554 = tpu.vector_load_idx %arg5[%get3A_553] : memref<100000xf32, #tpu.memory_space<vmem>>[vector<16xi32>], vector<16xf32>,
        %mul3A_555 = arith.constant 16 : i32
        %mul3A_556 = arith.muli %scan3A_547, %mul3A_555 : i32
        %swap3A_557 = arith.index_cast %mul3A_556 : i32 to index
        %swap3A_558 = tpu.vector_load %arg7[%swap3A_557] {strides = array<i32>} : memref<4096xf32, #tpu.memory_space<vmem>>, vector<16xf32>,
        tpu.vector_store %arg7[%swap3A_557], %gather3A_554 {strides = array<i32>} : memref<4096xf32, #tpu.memory_space<vmem>>, vector<16xf32>,
        %scan3A_559 = arith.constant 17 : i32
        %scan3A_560 = arith.addi %scan3A_340, %scan3A_559 : i32
        %mul3A_561 = arith.constant 16 : i32
        %mul3A_562 = arith.muli %scan3A_560, %mul3A_561 : i32
        %add3A_563 = arith.constant 0 : i32
        %add3A_564 = arith.addi %add3A_563, %mul3A_562 : i32
        %get3A_565 = arith.index_cast %add3A_564 : i32 to index
        %get3A_566 = tpu.vector_load %arg6[%get3A_565] {strides = array<i32>} : memref<16384xi32, #tpu.memory_space<vmem>>, vector<16xi32>,
        %gather3A_567 = tpu.vector_load_idx %arg5[%get3A_566] : memref<100000xf32, #tpu.memory_space<vmem>>[vector<16xi32>], vector<16xf32>,
        %mul3A_568 = arith.constant 16 : i32
        %mul3A_569 = arith.muli %scan3A_560, %mul3A_568 : i32
        %swap3A_570 = arith.index_cast %mul3A_569 : i32 to index
        %swap3A_571 = tpu.vector_load %arg7[%swap3A_570] {strides = array<i32>} : memref<4096xf32, #tpu.memory_space<vmem>>, vector<16xf32>,
        tpu.vector_store %arg7[%swap3A_570], %gather3A_567 {strides = array<i32>} : memref<4096xf32, #tpu.memory_space<vmem>>, vector<16xf32>,
        %scan3A_572 = arith.constant 18 : i32
        %scan3A_573 = arith.addi %scan3A_340, %scan3A_572 : i32
        %mul3A_574 = arith.constant 16 : i32
        %mul3A_575 = arith.muli %scan3A_573, %mul3A_574 : i32
        %add3A_576 = arith.constant 0 : i32
        %add3A_577 = arith.addi %add3A_576, %mul3A_575 : i32
        %get3A_578 = arith.index_cast %add3A_577 : i32 to index
        %get3A_579 = tpu.vector_load %arg6[%get3A_578] {strides = array<i32>} : memref<16384xi32, #tpu.memory_space<vmem>>, vector<16xi32>,
        %gather3A_580 = tpu.vector_load_idx %arg5[%get3A_579] : memref<100000xf32, #tpu.memory_space<vmem>>[vector<16xi32>], vector<16xf32>,
        %mul3A_581 = arith.constant 16 : i32
        %mul3A_582 = arith.muli %scan3A_573, %mul3A_581 : i32
        %swap3A_583 = arith.index_cast %mul3A_582 : i32 to index
        %swap3A_584 = tpu.vector_load %arg7[%swap3A_583] {strides = array<i32>} : memref<4096xf32, #tpu.memory_space<vmem>>, vector<16xf32>,
        tpu.vector_store %arg7[%swap3A_583], %gather3A_580 {strides = array<i32>} : memref<4096xf32, #tpu.memory_space<vmem>>, vector<16xf32>,
        %scan3A_585 = arith.constant 19 : i32
        %scan3A_586 = arith.addi %scan3A_340, %scan3A_585 : i32
        %mul3A_587 = arith.constant 16 : i32
        %mul3A_588 = arith.muli %scan3A_586, %mul3A_587 : i32
        %add3A_589 = arith.constant 0 : i32
        %add3A_590 = arith.addi %add3A_589, %mul3A_588 : i32
        %get3A_591 = arith.index_cast %add3A_590 : i32 to index
        %get3A_592 = tpu.vector_load %arg6[%get3A_591] {strides = array<i32>} : memref<16384xi32, #tpu.memory_space<vmem>>, vector<16xi32>,
        %gather3A_593 = tpu.vector_load_idx %arg5[%get3A_592] : memref<100000xf32, #tpu.memory_space<vmem>>[vector<16xi32>], vector<16xf32>,
        %mul3A_594 = arith.constant 16 : i32
        %mul3A_595 = arith.muli %scan3A_586, %mul3A_594 : i32
        %swap3A_596 = arith.index_cast %mul3A_595 : i32 to index
        %swap3A_597 = tpu.vector_load %arg7[%swap3A_596] {strides = array<i32>} : memref<4096xf32, #tpu.memory_space<vmem>>, vector<16xf32>,
        tpu.vector_store %arg7[%swap3A_596], %gather3A_593 {strides = array<i32>} : memref<4096xf32, #tpu.memory_space<vmem>>, vector<16xf32>,
        %scan3A_598 = arith.constant 20 : i32
        %scan3A_599 = arith.addi %scan3A_340, %scan3A_598 : i32
        %mul3A_600 = arith.constant 16 : i32
        %mul3A_601 = arith.muli %scan3A_599, %mul3A_600 : i32
        %add3A_602 = arith.constant 0 : i32
        %add3A_603 = arith.addi %add3A_602, %mul3A_601 : i32
        %get3A_604 = arith.index_cast %add3A_603 : i32 to index
        %get3A_605 = tpu.vector_load %arg6[%get3A_604] {strides = array<i32>} : memref<16384xi32, #tpu.memory_space<vmem>>, vector<16xi32>,
        %gather3A_606 = tpu.vector_load_idx %arg5[%get3A_605] : memref<100000xf32, #tpu.memory_space<vmem>>[vector<16xi32>], vector<16xf32>,
        %mul3A_607 = arith.constant 16 : i32
        %mul3A_608 = arith.muli %scan3A_599, %mul3A_607 : i32
        %swap3A_609 = arith.index_cast %mul3A_608 : i32 to index
        %swap3A_610 = tpu.vector_load %arg7[%swap3A_609] {strides = array<i32>} : memref<4096xf32, #tpu.memory_space<vmem>>, vector<16xf32>,
        tpu.vector_store %arg7[%swap3A_609], %gather3A_606 {strides = array<i32>} : memref<4096xf32, #tpu.memory_space<vmem>>, vector<16xf32>,
        %scan3A_611 = arith.constant 21 : i32
        %scan3A_612 = arith.addi %scan3A_340, %scan3A_611 : i32
        %mul3A_613 = arith.constant 16 : i32
        %mul3A_614 = arith.muli %scan3A_612, %mul3A_613 : i32
        %add3A_615 = arith.constant 0 : i32
        %add3A_616 = arith.addi %add3A_615, %mul3A_614 : i32
        %get3A_617 = arith.index_cast %add3A_616 : i32 to index
        %get3A_618 = tpu.vector_load %arg6[%get3A_617] {strides = array<i32>} : memref<16384xi32, #tpu.memory_space<vmem>>, vector<16xi32>,
        %gather3A_619 = tpu.vector_load_idx %arg5[%get3A_618] : memref<100000xf32, #tpu.memory_space<vmem>>[vector<16xi32>], vector<16xf32>,
        %mul3A_620 = arith.constant 16 : i32
        %mul3A_621 = arith.muli %scan3A_612, %mul3A_620 : i32
        %swap3A_622 = arith.index_cast %mul3A_621 : i32 to index
        %swap3A_623 = tpu.vector_load %arg7[%swap3A_622] {strides = array<i32>} : memref<4096xf32, #tpu.memory_space<vmem>>, vector<16xf32>,
        tpu.vector_store %arg7[%swap3A_622], %gather3A_619 {strides = array<i32>} : memref<4096xf32, #tpu.memory_space<vmem>>, vector<16xf32>,
        %scan3A_624 = arith.constant 22 : i32
        %scan3A_625 = arith.addi %scan3A_340, %scan3A_624 : i32
        %mul3A_626 = arith.constant 16 : i32
        %mul3A_627 = arith.muli %scan3A_625, %mul3A_626 : i32
        %add3A_628 = arith.constant 0 : i32
        %add3A_629 = arith.addi %add3A_628, %mul3A_627 : i32
        %get3A_630 = arith.index_cast %add3A_629 : i32 to index
        %get3A_631 = tpu.vector_load %arg6[%get3A_630] {strides = array<i32>} : memref<16384xi32, #tpu.memory_space<vmem>>, vector<16xi32>,
        %gather3A_632 = tpu.vector_load_idx %arg5[%get3A_631] : memref<100000xf32, #tpu.memory_space<vmem>>[vector<16xi32>], vector<16xf32>,
        %mul3A_633 = arith.constant 16 : i32
        %mul3A_634 = arith.muli %scan3A_625, %mul3A_633 : i32
        %swap3A_635 = arith.index_cast %mul3A_634 : i32 to index
        %swap3A_636 = tpu.vector_load %arg7[%swap3A_635] {strides = array<i32>} : memref<4096xf32, #tpu.memory_space<vmem>>, vector<16xf32>,
        tpu.vector_store %arg7[%swap3A_635], %gather3A_632 {strides = array<i32>} : memref<4096xf32, #tpu.memory_space<vmem>>, vector<16xf32>,
        %scan3A_637 = arith.constant 23 : i32
        %scan3A_638 = arith.addi %scan3A_340, %scan3A_637 : i32
        %mul3A_639 = arith.constant 16 : i32
        %mul3A_640 = arith.muli %scan3A_638, %mul3A_639 : i32
        %add3A_641 = arith.constant 0 : i32
        %add3A_642 = arith.addi %add3A_641, %mul3A_640 : i32
        %get3A_643 = arith.index_cast %add3A_642 : i32 to index
        %get3A_644 = tpu.vector_load %arg6[%get3A_643] {strides = array<i32>} : memref<16384xi32, #tpu.memory_space<vmem>>, vector<16xi32>,
        %gather3A_645 = tpu.vector_load_idx %arg5[%get3A_644] : memref<100000xf32, #tpu.memory_space<vmem>>[vector<16xi32>], vector<16xf32>,
        %mul3A_646 = arith.constant 16 : i32
        %mul3A_647 = arith.muli %scan3A_638, %mul3A_646 : i32
        %swap3A_648 = arith.index_cast %mul3A_647 : i32 to index
        %swap3A_649 = tpu.vector_load %arg7[%swap3A_648] {strides = array<i32>} : memref<4096xf32, #tpu.memory_space<vmem>>, vector<16xf32>,
        tpu.vector_store %arg7[%swap3A_648], %gather3A_645 {strides = array<i32>} : memref<4096xf32, #tpu.memory_space<vmem>>, vector<16xf32>,
        %scan3A_650 = arith.constant 24 : i32
        %scan3A_651 = arith.addi %scan3A_340, %scan3A_650 : i32
        %mul3A_652 = arith.constant 16 : i32
        %mul3A_653 = arith.muli %scan3A_651, %mul3A_652 : i32
        %add3A_654 = arith.constant 0 : i32
        %add3A_655 = arith.addi %add3A_654, %mul3A_653 : i32
        %get3A_656 = arith.index_cast %add3A_655 : i32 to index
        %get3A_657 = tpu.vector_load %arg6[%get3A_656] {strides = array<i32>} : memref<16384xi32, #tpu.memory_space<vmem>>, vector<16xi32>,
        %gather3A_658 = tpu.vector_load_idx %arg5[%get3A_657] : memref<100000xf32, #tpu.memory_space<vmem>>[vector<16xi32>], vector<16xf32>,
        %mul3A_659 = arith.constant 16 : i32
        %mul3A_660 = arith.muli %scan3A_651, %mul3A_659 : i32
        %swap3A_661 = arith.index_cast %mul3A_660 : i32 to index
        %swap3A_662 = tpu.vector_load %arg7[%swap3A_661] {strides = array<i32>} : memref<4096xf32, #tpu.memory_space<vmem>>, vector<16xf32>,
        tpu.vector_store %arg7[%swap3A_661], %gather3A_658 {strides = array<i32>} : memref<4096xf32, #tpu.memory_space<vmem>>, vector<16xf32>,
        %scan3A_663 = arith.constant 25 : i32
        %scan3A_664 = arith.addi %scan3A_340, %scan3A_663 : i32
        %mul3A_665 = arith.constant 16 : i32
        %mul3A_666 = arith.muli %scan3A_664, %mul3A_665 : i32
        %add3A_667 = arith.constant 0 : i32
        %add3A_668 = arith.addi %add3A_667, %mul3A_666 : i32
        %get3A_669 = arith.index_cast %add3A_668 : i32 to index
        %get3A_670 = tpu.vector_load %arg6[%get3A_669] {strides = array<i32>} : memref<16384xi32, #tpu.memory_space<vmem>>, vector<16xi32>,
        %gather3A_671 = tpu.vector_load_idx %arg5[%get3A_670] : memref<100000xf32, #tpu.memory_space<vmem>>[vector<16xi32>], vector<16xf32>,
        %mul3A_672 = arith.constant 16 : i32
        %mul3A_673 = arith.muli %scan3A_664, %mul3A_672 : i32
        %swap3A_674 = arith.index_cast %mul3A_673 : i32 to index
        %swap3A_675 = tpu.vector_load %arg7[%swap3A_674] {strides = array<i32>} : memref<4096xf32, #tpu.memory_space<vmem>>, vector<16xf32>,
        tpu.vector_store %arg7[%swap3A_674], %gather3A_671 {strides = array<i32>} : memref<4096xf32, #tpu.memory_space<vmem>>, vector<16xf32>,
        %scan3A_676 = arith.constant 26 : i32
        %scan3A_677 = arith.addi %scan3A_340, %scan3A_676 : i32
        %mul3A_678 = arith.constant 16 : i32
        %mul3A_679 = arith.muli %scan3A_677, %mul3A_678 : i32
        %add3A_680 = arith.constant 0 : i32
        %add3A_681 = arith.addi %add3A_680, %mul3A_679 : i32
        %get3A_682 = arith.index_cast %add3A_681 : i32 to index
        %get3A_683 = tpu.vector_load %arg6[%get3A_682] {strides = array<i32>} : memref<16384xi32, #tpu.memory_space<vmem>>, vector<16xi32>,
        %gather3A_684 = tpu.vector_load_idx %arg5[%get3A_683] : memref<100000xf32, #tpu.memory_space<vmem>>[vector<16xi32>], vector<16xf32>,
        %mul3A_685 = arith.constant 16 : i32
        %mul3A_686 = arith.muli %scan3A_677, %mul3A_685 : i32
        %swap3A_687 = arith.index_cast %mul3A_686 : i32 to index
        %swap3A_688 = tpu.vector_load %arg7[%swap3A_687] {strides = array<i32>} : memref<4096xf32, #tpu.memory_space<vmem>>, vector<16xf32>,
        tpu.vector_store %arg7[%swap3A_687], %gather3A_684 {strides = array<i32>} : memref<4096xf32, #tpu.memory_space<vmem>>, vector<16xf32>,
        %scan3A_689 = arith.constant 27 : i32
        %scan3A_690 = arith.addi %scan3A_340, %scan3A_689 : i32
        %mul3A_691 = arith.constant 16 : i32
        %mul3A_692 = arith.muli %scan3A_690, %mul3A_691 : i32
        %add3A_693 = arith.constant 0 : i32
        %add3A_694 = arith.addi %add3A_693, %mul3A_692 : i32
        %get3A_695 = arith.index_cast %add3A_694 : i32 to index
        %get3A_696 = tpu.vector_load %arg6[%get3A_695] {strides = array<i32>} : memref<16384xi32, #tpu.memory_space<vmem>>, vector<16xi32>,
        %gather3A_697 = tpu.vector_load_idx %arg5[%get3A_696] : memref<100000xf32, #tpu.memory_space<vmem>>[vector<16xi32>], vector<16xf32>,
        %mul3A_698 = arith.constant 16 : i32
        %mul3A_699 = arith.muli %scan3A_690, %mul3A_698 : i32
        %swap3A_700 = arith.index_cast %mul3A_699 : i32 to index
        %swap3A_701 = tpu.vector_load %arg7[%swap3A_700] {strides = array<i32>} : memref<4096xf32, #tpu.memory_space<vmem>>, vector<16xf32>,
        tpu.vector_store %arg7[%swap3A_700], %gather3A_697 {strides = array<i32>} : memref<4096xf32, #tpu.memory_space<vmem>>, vector<16xf32>,
        %scan3A_702 = arith.constant 28 : i32
        %scan3A_703 = arith.addi %scan3A_340, %scan3A_702 : i32
        %mul3A_704 = arith.constant 16 : i32
        %mul3A_705 = arith.muli %scan3A_703, %mul3A_704 : i32
        %add3A_706 = arith.constant 0 : i32
        %add3A_707 = arith.addi %add3A_706, %mul3A_705 : i32
        %get3A_708 = arith.index_cast %add3A_707 : i32 to index
        %get3A_709 = tpu.vector_load %arg6[%get3A_708] {strides = array<i32>} : memref<16384xi32, #tpu.memory_space<vmem>>, vector<16xi32>,
        %gather3A_710 = tpu.vector_load_idx %arg5[%get3A_709] : memref<100000xf32, #tpu.memory_space<vmem>>[vector<16xi32>], vector<16xf32>,
        %mul3A_711 = arith.constant 16 : i32
        %mul3A_712 = arith.muli %scan3A_703, %mul3A_711 : i32
        %swap3A_713 = arith.index_cast %mul3A_712 : i32 to index
        %swap3A_714 = tpu.vector_load %arg7[%swap3A_713] {strides = array<i32>} : memref<4096xf32, #tpu.memory_space<vmem>>, vector<16xf32>,
        tpu.vector_store %arg7[%swap3A_713], %gather3A_710 {strides = array<i32>} : memref<4096xf32, #tpu.memory_space<vmem>>, vector<16xf32>,
        %scan3A_715 = arith.constant 29 : i32
        %scan3A_716 = arith.addi %scan3A_340, %scan3A_715 : i32
        %mul3A_717 = arith.constant 16 : i32
        %mul3A_718 = arith.muli %scan3A_716, %mul3A_717 : i32
        %add3A_719 = arith.constant 0 : i32
        %add3A_720 = arith.addi %add3A_719, %mul3A_718 : i32
        %get3A_721 = arith.index_cast %add3A_720 : i32 to index
        %get3A_722 = tpu.vector_load %arg6[%get3A_721] {strides = array<i32>} : memref<16384xi32, #tpu.memory_space<vmem>>, vector<16xi32>,
        %gather3A_723 = tpu.vector_load_idx %arg5[%get3A_722] : memref<100000xf32, #tpu.memory_space<vmem>>[vector<16xi32>], vector<16xf32>,
        %mul3A_724 = arith.constant 16 : i32
        %mul3A_725 = arith.muli %scan3A_716, %mul3A_724 : i32
        %swap3A_726 = arith.index_cast %mul3A_725 : i32 to index
        %swap3A_727 = tpu.vector_load %arg7[%swap3A_726] {strides = array<i32>} : memref<4096xf32, #tpu.memory_space<vmem>>, vector<16xf32>,
        tpu.vector_store %arg7[%swap3A_726], %gather3A_723 {strides = array<i32>} : memref<4096xf32, #tpu.memory_space<vmem>>, vector<16xf32>,
        %scan3A_728 = arith.constant 30 : i32
        %scan3A_729 = arith.addi %scan3A_340, %scan3A_728 : i32
        %mul3A_730 = arith.constant 16 : i32
        %mul3A_731 = arith.muli %scan3A_729, %mul3A_730 : i32
        %add3A_732 = arith.constant 0 : i32
        %add3A_733 = arith.addi %add3A_732, %mul3A_731 : i32
        %get3A_734 = arith.index_cast %add3A_733 : i32 to index
        %get3A_735 = tpu.vector_load %arg6[%get3A_734] {strides = array<i32>} : memref<16384xi32, #tpu.memory_space<vmem>>, vector<16xi32>,
        %gather3A_736 = tpu.vector_load_idx %arg5[%get3A_735] : memref<100000xf32, #tpu.memory_space<vmem>>[vector<16xi32>], vector<16xf32>,
        %mul3A_737 = arith.constant 16 : i32
        %mul3A_738 = arith.muli %scan3A_729, %mul3A_737 : i32
        %swap3A_739 = arith.index_cast %mul3A_738 : i32 to index
        %swap3A_740 = tpu.vector_load %arg7[%swap3A_739] {strides = array<i32>} : memref<4096xf32, #tpu.memory_space<vmem>>, vector<16xf32>,
        tpu.vector_store %arg7[%swap3A_739], %gather3A_736 {strides = array<i32>} : memref<4096xf32, #tpu.memory_space<vmem>>, vector<16xf32>,
        %scan3A_741 = arith.constant 31 : i32
        %scan3A_742 = arith.addi %scan3A_340, %scan3A_741 : i32
        %mul3A_743 = arith.constant 16 : i32
        %mul3A_744 = arith.muli %scan3A_742, %mul3A_743 : i32
        %add3A_745 = arith.constant 0 : i32
        %add3A_746 = arith.addi %add3A_745, %mul3A_744 : i32
        %get3A_747 = arith.index_cast %add3A_746 : i32 to index
        %get3A_748 = tpu.vector_load %arg6[%get3A_747] {strides = array<i32>} : memref<16384xi32, #tpu.memory_space<vmem>>, vector<16xi32>,
        %gather3A_749 = tpu.vector_load_idx %arg5[%get3A_748] : memref<100000xf32, #tpu.memory_space<vmem>>[vector<16xi32>], vector<16xf32>,
        %mul3A_750 = arith.constant 16 : i32
        %mul3A_751 = arith.muli %scan3A_742, %mul3A_750 : i32
        %swap3A_752 = arith.index_cast %mul3A_751 : i32 to index
        %swap3A_753 = tpu.vector_load %arg7[%swap3A_752] {strides = array<i32>} : memref<4096xf32, #tpu.memory_space<vmem>>, vector<16xf32>,
        tpu.vector_store %arg7[%swap3A_752], %gather3A_749 {strides = array<i32>} : memref<4096xf32, #tpu.memory_space<vmem>>, vector<16xf32>,
      }
      %scan3A_276 = arith.constant 256 : i32
      %dma_start3A_277 = arith.constant 0 : i32
      %dma_start3A_278 = tpu.memref_slice %arg4[%select_n3A_78, %select_n3A_94, %dma_start3A_277] : memref<26x32x16384xf32, #tpu.memory_space<hbm>> -> memref<1x1x4096xf32, #tpu.memory_space<hbm>>
      %dma_start3A_279 = tpu.memref_squeeze %dma_start3A_278 : memref<1x1x4096xf32, #tpu.memory_space<hbm>> -> memref<4096xf32, #tpu.memory_space<hbm>>
      %dma_start3A_280 = arith.constant 0 : i32
      %dma_start3A_281 = tpu.memref_slice %arg4[%select_n3A_78, %select_n3A_94, %dma_start3A_280] : memref<26x32x16384xf32, #tpu.memory_space<hbm>> -> memref<1x1x4096xf32, #tpu.memory_space<hbm>>
      %dma_start3A_282 = tpu.memref_squeeze %dma_start3A_281 : memref<1x1x4096xf32, #tpu.memory_space<hbm>> -> memref<4096xf32, #tpu.memory_space<hbm>>
      tpu.enqueue_dma source(%arg7 : memref<4096xf32, #tpu.memory_space<vmem>>) target(%dma_start3A_282 : memref<4096xf32, #tpu.memory_space<hbm>>) target_semaphore(%arg18 : memref<!tpu.dma_semaphore, #tpu.memory_space<semaphore_mem>>)
      %gt3A_283 = arith.constant 0 : i32
      %gt3A_284 = arith.cmpi sgt, %scan3A_53, %gt3A_283 : i32
      %or3A_285 = arith.constant false
      %or3A_286 = arith.ori %gt3A_284, %or3A_285 : i1
      %convert_element_type3A_287 = arith.extui %or3A_286 : i1 to i32
      %cond3A_288 = arith.constant 0 : i32
      %cond3A_289 = arith.cmpi ne, %convert_element_type3A_287, %cond3A_288 : i32
      scf.if %cond3A_289 {
        %sub3A_340 = arith.constant 1 : i32
        %sub3A_341 = arith.subi %add3A_54, %sub3A_340 : i32
        %jit3A_342 = arith.constant 32 : i32
        %div3A_343 = arith.divsi %sub3A_341, %jit3A_342 : i32
        %sign3A_344 = arith.constant 0 : i32
        %sign3A_345 = arith.cmpi sgt, %sub3A_341, %sign3A_344 : i32
        %sign3A_346 = arith.extui %sign3A_345 : i1 to i32
        %sign3A_347 = arith.constant 0 : i32
        %sign3A_348 = arith.cmpi slt, %sub3A_341, %sign3A_347 : i32
        %sign3A_349 = arith.extui %sign3A_348 : i1 to i32
        %sign3A_350 = arith.subi %sign3A_346, %sign3A_349 : i32
        %sign3A_351 = arith.constant 0 : i32
        %sign3A_352 = arith.cmpi sgt, %jit3A_342, %sign3A_351 : i32
        %sign3A_353 = arith.extui %sign3A_352 : i1 to i32
        %sign3A_354 = arith.constant 0 : i32
        %sign3A_355 = arith.cmpi slt, %jit3A_342, %sign3A_354 : i32
        %sign3A_356 = arith.extui %sign3A_355 : i1 to i32
        %sign3A_357 = arith.subi %sign3A_353, %sign3A_356 : i32
        %ne3A_358 = arith.cmpi ne, %sign3A_350, %sign3A_357 : i32
        %rem3A_359 = arith.remsi %sub3A_341, %jit3A_342 : i32
        %ne3A_360 = arith.constant 0 : i32
        %ne3A_361 = arith.cmpi ne, %rem3A_359, %ne3A_360 : i32
        %and3A_362 = arith.andi %ne3A_358, %ne3A_361 : i1
        %sub3A_363 = arith.constant 1 : i32
        %sub3A_364 = arith.subi %div3A_343, %sub3A_363 : i32
        %select_n3A_365 = arith.select %and3A_362, %sub3A_364, %div3A_343 : i32
        %jit3A_366 = arith.constant 32 : i32
        %eq3A_367 = arith.constant 0 : i32
        %eq3A_368 = arith.cmpi eq, %jit3A_366, %eq3A_367 : i32
        %jit3A_369 = arith.constant 1 : i32
        %select_n3A_370 = arith.select %eq3A_368, %jit3A_369, %jit3A_366 : i32
        %rem3A_371 = arith.remsi %sub3A_341, %select_n3A_370 : i32
        %ne3A_372 = arith.constant 0 : i32
        %ne3A_373 = arith.cmpi ne, %rem3A_371, %ne3A_372 : i32
        %lt3A_374 = arith.constant 0 : i32
        %lt3A_375 = arith.cmpi slt, %rem3A_371, %lt3A_374 : i32
        %lt3A_376 = arith.constant 0 : i32
        %lt3A_377 = arith.cmpi slt, %select_n3A_370, %lt3A_376 : i32
        %ne3A_378 = arith.xori %lt3A_375, %lt3A_377 : i1
        %and3A_379 = arith.andi %ne3A_378, %ne3A_373 : i1
        %add3A_380 = arith.addi %rem3A_371, %select_n3A_370 : i32
        %select_n3A_381 = arith.select %and3A_379, %add3A_380, %rem3A_371 : i32
        %dma_wait3A_382 = arith.constant 12288 : i32
        %dma_wait3A_383 = tpu.memref_slice %arg4[%select_n3A_365, %select_n3A_381, %dma_wait3A_382] : memref<26x32x16384xf32, #tpu.memory_space<hbm>> -> memref<1x1x4096xf32, #tpu.memory_space<hbm>>
        %dma_wait3A_384 = tpu.memref_squeeze %dma_wait3A_383 : memref<1x1x4096xf32, #tpu.memory_space<hbm>> -> memref<4096xf32, #tpu.memory_space<hbm>>
        %dma_wait3A_385 = arith.constant 12288 : i32
        %dma_wait3A_386 = tpu.memref_slice %arg4[%select_n3A_365, %select_n3A_381, %dma_wait3A_385] : memref<26x32x16384xf32, #tpu.memory_space<hbm>> -> memref<1x1x4096xf32, #tpu.memory_space<hbm>>
        %dma_wait3A_387 = tpu.memref_squeeze %dma_wait3A_386 : memref<1x1x4096xf32, #tpu.memory_space<hbm>> -> memref<4096xf32, #tpu.memory_space<hbm>>
        tpu.wait_dma2 semaphore(%arg19 : memref<!tpu.dma_semaphore, #tpu.memory_space<semaphore_mem>>) src(%arg8 : memref<4096xf32, #tpu.memory_space<vmem>>) dst(%dma_wait3A_387 : memref<4096xf32, #tpu.memory_space<hbm>>)
      } else {
      }
      %scan3A_290 = arith.constant 0 : i32
      %scan3A_291 = arith.constant 0 : i32
      %scan3A_292 = arith.constant 256 : i32
      %scan3A_293 = arith.addi %scan3A_291, %scan3A_292 : i32
      %scan3A_294 = arith.constant 32 : i32
      scf.for %scan3A_340 = %scan3A_291 to %scan3A_293 step %scan3A_294  : i32 {
        %mul3A_341 = arith.constant 16 : i32
        %mul3A_342 = arith.muli %scan3A_340, %mul3A_341 : i32
        %add3A_343 = arith.constant 4096 : i32
        %add3A_344 = arith.addi %add3A_343, %mul3A_342 : i32
        %get3A_345 = arith.index_cast %add3A_344 : i32 to index
        %get3A_346 = tpu.vector_load %arg6[%get3A_345] {strides = array<i32>} : memref<16384xi32, #tpu.memory_space<vmem>>, vector<16xi32>,
        %gather3A = tpu.vector_load_idx %arg5[%get3A_346] : memref<100000xf32, #tpu.memory_space<vmem>>[vector<16xi32>], vector<16xf32>,
        %mul3A_347 = arith.constant 16 : i32
        %mul3A_348 = arith.muli %scan3A_340, %mul3A_347 : i32
        %swap3A_349 = arith.index_cast %mul3A_348 : i32 to index
        %swap3A_350 = tpu.vector_load %arg8[%swap3A_349] {strides = array<i32>} : memref<4096xf32, #tpu.memory_space<vmem>>, vector<16xf32>,
        tpu.vector_store %arg8[%swap3A_349], %gather3A {strides = array<i32>} : memref<4096xf32, #tpu.memory_space<vmem>>, vector<16xf32>,
        %scan3A_351 = arith.constant 1 : i32
        %scan3A_352 = arith.addi %scan3A_340, %scan3A_351 : i32
        %mul3A_353 = arith.constant 16 : i32
        %mul3A_354 = arith.muli %scan3A_352, %mul3A_353 : i32
        %add3A_355 = arith.constant 4096 : i32
        %add3A_356 = arith.addi %add3A_355, %mul3A_354 : i32
        %get3A_357 = arith.index_cast %add3A_356 : i32 to index
        %get3A_358 = tpu.vector_load %arg6[%get3A_357] {strides = array<i32>} : memref<16384xi32, #tpu.memory_space<vmem>>, vector<16xi32>,
        %gather3A_359 = tpu.vector_load_idx %arg5[%get3A_358] : memref<100000xf32, #tpu.memory_space<vmem>>[vector<16xi32>], vector<16xf32>,
        %mul3A_360 = arith.constant 16 : i32
        %mul3A_361 = arith.muli %scan3A_352, %mul3A_360 : i32
        %swap3A_362 = arith.index_cast %mul3A_361 : i32 to index
        %swap3A_363 = tpu.vector_load %arg8[%swap3A_362] {strides = array<i32>} : memref<4096xf32, #tpu.memory_space<vmem>>, vector<16xf32>,
        tpu.vector_store %arg8[%swap3A_362], %gather3A_359 {strides = array<i32>} : memref<4096xf32, #tpu.memory_space<vmem>>, vector<16xf32>,
        %scan3A_364 = arith.constant 2 : i32
        %scan3A_365 = arith.addi %scan3A_340, %scan3A_364 : i32
        %mul3A_366 = arith.constant 16 : i32
        %mul3A_367 = arith.muli %scan3A_365, %mul3A_366 : i32
        %add3A_368 = arith.constant 4096 : i32
        %add3A_369 = arith.addi %add3A_368, %mul3A_367 : i32
        %get3A_370 = arith.index_cast %add3A_369 : i32 to index
        %get3A_371 = tpu.vector_load %arg6[%get3A_370] {strides = array<i32>} : memref<16384xi32, #tpu.memory_space<vmem>>, vector<16xi32>,
        %gather3A_372 = tpu.vector_load_idx %arg5[%get3A_371] : memref<100000xf32, #tpu.memory_space<vmem>>[vector<16xi32>], vector<16xf32>,
        %mul3A_373 = arith.constant 16 : i32
        %mul3A_374 = arith.muli %scan3A_365, %mul3A_373 : i32
        %swap3A_375 = arith.index_cast %mul3A_374 : i32 to index
        %swap3A_376 = tpu.vector_load %arg8[%swap3A_375] {strides = array<i32>} : memref<4096xf32, #tpu.memory_space<vmem>>, vector<16xf32>,
        tpu.vector_store %arg8[%swap3A_375], %gather3A_372 {strides = array<i32>} : memref<4096xf32, #tpu.memory_space<vmem>>, vector<16xf32>,
        %scan3A_377 = arith.constant 3 : i32
        %scan3A_378 = arith.addi %scan3A_340, %scan3A_377 : i32
        %mul3A_379 = arith.constant 16 : i32
        %mul3A_380 = arith.muli %scan3A_378, %mul3A_379 : i32
        %add3A_381 = arith.constant 4096 : i32
        %add3A_382 = arith.addi %add3A_381, %mul3A_380 : i32
        %get3A_383 = arith.index_cast %add3A_382 : i32 to index
        %get3A_384 = tpu.vector_load %arg6[%get3A_383] {strides = array<i32>} : memref<16384xi32, #tpu.memory_space<vmem>>, vector<16xi32>,
        %gather3A_385 = tpu.vector_load_idx %arg5[%get3A_384] : memref<100000xf32, #tpu.memory_space<vmem>>[vector<16xi32>], vector<16xf32>,
        %mul3A_386 = arith.constant 16 : i32
        %mul3A_387 = arith.muli %scan3A_378, %mul3A_386 : i32
        %swap3A_388 = arith.index_cast %mul3A_387 : i32 to index
        %swap3A_389 = tpu.vector_load %arg8[%swap3A_388] {strides = array<i32>} : memref<4096xf32, #tpu.memory_space<vmem>>, vector<16xf32>,
        tpu.vector_store %arg8[%swap3A_388], %gather3A_385 {strides = array<i32>} : memref<4096xf32, #tpu.memory_space<vmem>>, vector<16xf32>,
        %scan3A_390 = arith.constant 4 : i32
        %scan3A_391 = arith.addi %scan3A_340, %scan3A_390 : i32
        %mul3A_392 = arith.constant 16 : i32
        %mul3A_393 = arith.muli %scan3A_391, %mul3A_392 : i32
        %add3A_394 = arith.constant 4096 : i32
        %add3A_395 = arith.addi %add3A_394, %mul3A_393 : i32
        %get3A_396 = arith.index_cast %add3A_395 : i32 to index
        %get3A_397 = tpu.vector_load %arg6[%get3A_396] {strides = array<i32>} : memref<16384xi32, #tpu.memory_space<vmem>>, vector<16xi32>,
        %gather3A_398 = tpu.vector_load_idx %arg5[%get3A_397] : memref<100000xf32, #tpu.memory_space<vmem>>[vector<16xi32>], vector<16xf32>,
        %mul3A_399 = arith.constant 16 : i32
        %mul3A_400 = arith.muli %scan3A_391, %mul3A_399 : i32
        %swap3A_401 = arith.index_cast %mul3A_400 : i32 to index
        %swap3A_402 = tpu.vector_load %arg8[%swap3A_401] {strides = array<i32>} : memref<4096xf32, #tpu.memory_space<vmem>>, vector<16xf32>,
        tpu.vector_store %arg8[%swap3A_401], %gather3A_398 {strides = array<i32>} : memref<4096xf32, #tpu.memory_space<vmem>>, vector<16xf32>,
        %scan3A_403 = arith.constant 5 : i32
        %scan3A_404 = arith.addi %scan3A_340, %scan3A_403 : i32
        %mul3A_405 = arith.constant 16 : i32
        %mul3A_406 = arith.muli %scan3A_404, %mul3A_405 : i32
        %add3A_407 = arith.constant 4096 : i32
        %add3A_408 = arith.addi %add3A_407, %mul3A_406 : i32
        %get3A_409 = arith.index_cast %add3A_408 : i32 to index
        %get3A_410 = tpu.vector_load %arg6[%get3A_409] {strides = array<i32>} : memref<16384xi32, #tpu.memory_space<vmem>>, vector<16xi32>,
        %gather3A_411 = tpu.vector_load_idx %arg5[%get3A_410] : memref<100000xf32, #tpu.memory_space<vmem>>[vector<16xi32>], vector<16xf32>,
        %mul3A_412 = arith.constant 16 : i32
        %mul3A_413 = arith.muli %scan3A_404, %mul3A_412 : i32
        %swap3A_414 = arith.index_cast %mul3A_413 : i32 to index
        %swap3A_415 = tpu.vector_load %arg8[%swap3A_414] {strides = array<i32>} : memref<4096xf32, #tpu.memory_space<vmem>>, vector<16xf32>,
        tpu.vector_store %arg8[%swap3A_414], %gather3A_411 {strides = array<i32>} : memref<4096xf32, #tpu.memory_space<vmem>>, vector<16xf32>,
        %scan3A_416 = arith.constant 6 : i32
        %scan3A_417 = arith.addi %scan3A_340, %scan3A_416 : i32
        %mul3A_418 = arith.constant 16 : i32
        %mul3A_419 = arith.muli %scan3A_417, %mul3A_418 : i32
        %add3A_420 = arith.constant 4096 : i32
        %add3A_421 = arith.addi %add3A_420, %mul3A_419 : i32
        %get3A_422 = arith.index_cast %add3A_421 : i32 to index
        %get3A_423 = tpu.vector_load %arg6[%get3A_422] {strides = array<i32>} : memref<16384xi32, #tpu.memory_space<vmem>>, vector<16xi32>,
        %gather3A_424 = tpu.vector_load_idx %arg5[%get3A_423] : memref<100000xf32, #tpu.memory_space<vmem>>[vector<16xi32>], vector<16xf32>,
        %mul3A_425 = arith.constant 16 : i32
        %mul3A_426 = arith.muli %scan3A_417, %mul3A_425 : i32
        %swap3A_427 = arith.index_cast %mul3A_426 : i32 to index
        %swap3A_428 = tpu.vector_load %arg8[%swap3A_427] {strides = array<i32>} : memref<4096xf32, #tpu.memory_space<vmem>>, vector<16xf32>,
        tpu.vector_store %arg8[%swap3A_427], %gather3A_424 {strides = array<i32>} : memref<4096xf32, #tpu.memory_space<vmem>>, vector<16xf32>,
        %scan3A_429 = arith.constant 7 : i32
        %scan3A_430 = arith.addi %scan3A_340, %scan3A_429 : i32
        %mul3A_431 = arith.constant 16 : i32
        %mul3A_432 = arith.muli %scan3A_430, %mul3A_431 : i32
        %add3A_433 = arith.constant 4096 : i32
        %add3A_434 = arith.addi %add3A_433, %mul3A_432 : i32
        %get3A_435 = arith.index_cast %add3A_434 : i32 to index
        %get3A_436 = tpu.vector_load %arg6[%get3A_435] {strides = array<i32>} : memref<16384xi32, #tpu.memory_space<vmem>>, vector<16xi32>,
        %gather3A_437 = tpu.vector_load_idx %arg5[%get3A_436] : memref<100000xf32, #tpu.memory_space<vmem>>[vector<16xi32>], vector<16xf32>,
        %mul3A_438 = arith.constant 16 : i32
        %mul3A_439 = arith.muli %scan3A_430, %mul3A_438 : i32
        %swap3A_440 = arith.index_cast %mul3A_439 : i32 to index
        %swap3A_441 = tpu.vector_load %arg8[%swap3A_440] {strides = array<i32>} : memref<4096xf32, #tpu.memory_space<vmem>>, vector<16xf32>,
        tpu.vector_store %arg8[%swap3A_440], %gather3A_437 {strides = array<i32>} : memref<4096xf32, #tpu.memory_space<vmem>>, vector<16xf32>,
        %scan3A_442 = arith.constant 8 : i32
        %scan3A_443 = arith.addi %scan3A_340, %scan3A_442 : i32
        %mul3A_444 = arith.constant 16 : i32
        %mul3A_445 = arith.muli %scan3A_443, %mul3A_444 : i32
        %add3A_446 = arith.constant 4096 : i32
        %add3A_447 = arith.addi %add3A_446, %mul3A_445 : i32
        %get3A_448 = arith.index_cast %add3A_447 : i32 to index
        %get3A_449 = tpu.vector_load %arg6[%get3A_448] {strides = array<i32>} : memref<16384xi32, #tpu.memory_space<vmem>>, vector<16xi32>,
        %gather3A_450 = tpu.vector_load_idx %arg5[%get3A_449] : memref<100000xf32, #tpu.memory_space<vmem>>[vector<16xi32>], vector<16xf32>,
        %mul3A_451 = arith.constant 16 : i32
        %mul3A_452 = arith.muli %scan3A_443, %mul3A_451 : i32
        %swap3A_453 = arith.index_cast %mul3A_452 : i32 to index
        %swap3A_454 = tpu.vector_load %arg8[%swap3A_453] {strides = array<i32>} : memref<4096xf32, #tpu.memory_space<vmem>>, vector<16xf32>,
        tpu.vector_store %arg8[%swap3A_453], %gather3A_450 {strides = array<i32>} : memref<4096xf32, #tpu.memory_space<vmem>>, vector<16xf32>,
        %scan3A_455 = arith.constant 9 : i32
        %scan3A_456 = arith.addi %scan3A_340, %scan3A_455 : i32
        %mul3A_457 = arith.constant 16 : i32
        %mul3A_458 = arith.muli %scan3A_456, %mul3A_457 : i32
        %add3A_459 = arith.constant 4096 : i32
        %add3A_460 = arith.addi %add3A_459, %mul3A_458 : i32
        %get3A_461 = arith.index_cast %add3A_460 : i32 to index
        %get3A_462 = tpu.vector_load %arg6[%get3A_461] {strides = array<i32>} : memref<16384xi32, #tpu.memory_space<vmem>>, vector<16xi32>,
        %gather3A_463 = tpu.vector_load_idx %arg5[%get3A_462] : memref<100000xf32, #tpu.memory_space<vmem>>[vector<16xi32>], vector<16xf32>,
        %mul3A_464 = arith.constant 16 : i32
        %mul3A_465 = arith.muli %scan3A_456, %mul3A_464 : i32
        %swap3A_466 = arith.index_cast %mul3A_465 : i32 to index
        %swap3A_467 = tpu.vector_load %arg8[%swap3A_466] {strides = array<i32>} : memref<4096xf32, #tpu.memory_space<vmem>>, vector<16xf32>,
        tpu.vector_store %arg8[%swap3A_466], %gather3A_463 {strides = array<i32>} : memref<4096xf32, #tpu.memory_space<vmem>>, vector<16xf32>,
        %scan3A_468 = arith.constant 10 : i32
        %scan3A_469 = arith.addi %scan3A_340, %scan3A_468 : i32
        %mul3A_470 = arith.constant 16 : i32
        %mul3A_471 = arith.muli %scan3A_469, %mul3A_470 : i32
        %add3A_472 = arith.constant 4096 : i32
        %add3A_473 = arith.addi %add3A_472, %mul3A_471 : i32
        %get3A_474 = arith.index_cast %add3A_473 : i32 to index
        %get3A_475 = tpu.vector_load %arg6[%get3A_474] {strides = array<i32>} : memref<16384xi32, #tpu.memory_space<vmem>>, vector<16xi32>,
        %gather3A_476 = tpu.vector_load_idx %arg5[%get3A_475] : memref<100000xf32, #tpu.memory_space<vmem>>[vector<16xi32>], vector<16xf32>,
        %mul3A_477 = arith.constant 16 : i32
        %mul3A_478 = arith.muli %scan3A_469, %mul3A_477 : i32
        %swap3A_479 = arith.index_cast %mul3A_478 : i32 to index
        %swap3A_480 = tpu.vector_load %arg8[%swap3A_479] {strides = array<i32>} : memref<4096xf32, #tpu.memory_space<vmem>>, vector<16xf32>,
        tpu.vector_store %arg8[%swap3A_479], %gather3A_476 {strides = array<i32>} : memref<4096xf32, #tpu.memory_space<vmem>>, vector<16xf32>,
        %scan3A_481 = arith.constant 11 : i32
        %scan3A_482 = arith.addi %scan3A_340, %scan3A_481 : i32
        %mul3A_483 = arith.constant 16 : i32
        %mul3A_484 = arith.muli %scan3A_482, %mul3A_483 : i32
        %add3A_485 = arith.constant 4096 : i32
        %add3A_486 = arith.addi %add3A_485, %mul3A_484 : i32
        %get3A_487 = arith.index_cast %add3A_486 : i32 to index
        %get3A_488 = tpu.vector_load %arg6[%get3A_487] {strides = array<i32>} : memref<16384xi32, #tpu.memory_space<vmem>>, vector<16xi32>,
        %gather3A_489 = tpu.vector_load_idx %arg5[%get3A_488] : memref<100000xf32, #tpu.memory_space<vmem>>[vector<16xi32>], vector<16xf32>,
        %mul3A_490 = arith.constant 16 : i32
        %mul3A_491 = arith.muli %scan3A_482, %mul3A_490 : i32
        %swap3A_492 = arith.index_cast %mul3A_491 : i32 to index
        %swap3A_493 = tpu.vector_load %arg8[%swap3A_492] {strides = array<i32>} : memref<4096xf32, #tpu.memory_space<vmem>>, vector<16xf32>,
        tpu.vector_store %arg8[%swap3A_492], %gather3A_489 {strides = array<i32>} : memref<4096xf32, #tpu.memory_space<vmem>>, vector<16xf32>,
        %scan3A_494 = arith.constant 12 : i32
        %scan3A_495 = arith.addi %scan3A_340, %scan3A_494 : i32
        %mul3A_496 = arith.constant 16 : i32
        %mul3A_497 = arith.muli %scan3A_495, %mul3A_496 : i32
        %add3A_498 = arith.constant 4096 : i32
        %add3A_499 = arith.addi %add3A_498, %mul3A_497 : i32
        %get3A_500 = arith.index_cast %add3A_499 : i32 to index
        %get3A_501 = tpu.vector_load %arg6[%get3A_500] {strides = array<i32>} : memref<16384xi32, #tpu.memory_space<vmem>>, vector<16xi32>,
        %gather3A_502 = tpu.vector_load_idx %arg5[%get3A_501] : memref<100000xf32, #tpu.memory_space<vmem>>[vector<16xi32>], vector<16xf32>,
        %mul3A_503 = arith.constant 16 : i32
        %mul3A_504 = arith.muli %scan3A_495, %mul3A_503 : i32
        %swap3A_505 = arith.index_cast %mul3A_504 : i32 to index
        %swap3A_506 = tpu.vector_load %arg8[%swap3A_505] {strides = array<i32>} : memref<4096xf32, #tpu.memory_space<vmem>>, vector<16xf32>,
        tpu.vector_store %arg8[%swap3A_505], %gather3A_502 {strides = array<i32>} : memref<4096xf32, #tpu.memory_space<vmem>>, vector<16xf32>,
        %scan3A_507 = arith.constant 13 : i32
        %scan3A_508 = arith.addi %scan3A_340, %scan3A_507 : i32
        %mul3A_509 = arith.constant 16 : i32
        %mul3A_510 = arith.muli %scan3A_508, %mul3A_509 : i32
        %add3A_511 = arith.constant 4096 : i32
        %add3A_512 = arith.addi %add3A_511, %mul3A_510 : i32
        %get3A_513 = arith.index_cast %add3A_512 : i32 to index
        %get3A_514 = tpu.vector_load %arg6[%get3A_513] {strides = array<i32>} : memref<16384xi32, #tpu.memory_space<vmem>>, vector<16xi32>,
        %gather3A_515 = tpu.vector_load_idx %arg5[%get3A_514] : memref<100000xf32, #tpu.memory_space<vmem>>[vector<16xi32>], vector<16xf32>,
        %mul3A_516 = arith.constant 16 : i32
        %mul3A_517 = arith.muli %scan3A_508, %mul3A_516 : i32
        %swap3A_518 = arith.index_cast %mul3A_517 : i32 to index
        %swap3A_519 = tpu.vector_load %arg8[%swap3A_518] {strides = array<i32>} : memref<4096xf32, #tpu.memory_space<vmem>>, vector<16xf32>,
        tpu.vector_store %arg8[%swap3A_518], %gather3A_515 {strides = array<i32>} : memref<4096xf32, #tpu.memory_space<vmem>>, vector<16xf32>,
        %scan3A_520 = arith.constant 14 : i32
        %scan3A_521 = arith.addi %scan3A_340, %scan3A_520 : i32
        %mul3A_522 = arith.constant 16 : i32
        %mul3A_523 = arith.muli %scan3A_521, %mul3A_522 : i32
        %add3A_524 = arith.constant 4096 : i32
        %add3A_525 = arith.addi %add3A_524, %mul3A_523 : i32
        %get3A_526 = arith.index_cast %add3A_525 : i32 to index
        %get3A_527 = tpu.vector_load %arg6[%get3A_526] {strides = array<i32>} : memref<16384xi32, #tpu.memory_space<vmem>>, vector<16xi32>,
        %gather3A_528 = tpu.vector_load_idx %arg5[%get3A_527] : memref<100000xf32, #tpu.memory_space<vmem>>[vector<16xi32>], vector<16xf32>,
        %mul3A_529 = arith.constant 16 : i32
        %mul3A_530 = arith.muli %scan3A_521, %mul3A_529 : i32
        %swap3A_531 = arith.index_cast %mul3A_530 : i32 to index
        %swap3A_532 = tpu.vector_load %arg8[%swap3A_531] {strides = array<i32>} : memref<4096xf32, #tpu.memory_space<vmem>>, vector<16xf32>,
        tpu.vector_store %arg8[%swap3A_531], %gather3A_528 {strides = array<i32>} : memref<4096xf32, #tpu.memory_space<vmem>>, vector<16xf32>,
        %scan3A_533 = arith.constant 15 : i32
        %scan3A_534 = arith.addi %scan3A_340, %scan3A_533 : i32
        %mul3A_535 = arith.constant 16 : i32
        %mul3A_536 = arith.muli %scan3A_534, %mul3A_535 : i32
        %add3A_537 = arith.constant 4096 : i32
        %add3A_538 = arith.addi %add3A_537, %mul3A_536 : i32
        %get3A_539 = arith.index_cast %add3A_538 : i32 to index
        %get3A_540 = tpu.vector_load %arg6[%get3A_539] {strides = array<i32>} : memref<16384xi32, #tpu.memory_space<vmem>>, vector<16xi32>,
        %gather3A_541 = tpu.vector_load_idx %arg5[%get3A_540] : memref<100000xf32, #tpu.memory_space<vmem>>[vector<16xi32>], vector<16xf32>,
        %mul3A_542 = arith.constant 16 : i32
        %mul3A_543 = arith.muli %scan3A_534, %mul3A_542 : i32
        %swap3A_544 = arith.index_cast %mul3A_543 : i32 to index
        %swap3A_545 = tpu.vector_load %arg8[%swap3A_544] {strides = array<i32>} : memref<4096xf32, #tpu.memory_space<vmem>>, vector<16xf32>,
        tpu.vector_store %arg8[%swap3A_544], %gather3A_541 {strides = array<i32>} : memref<4096xf32, #tpu.memory_space<vmem>>, vector<16xf32>,
        %scan3A_546 = arith.constant 16 : i32
        %scan3A_547 = arith.addi %scan3A_340, %scan3A_546 : i32
        %mul3A_548 = arith.constant 16 : i32
        %mul3A_549 = arith.muli %scan3A_547, %mul3A_548 : i32
        %add3A_550 = arith.constant 4096 : i32
        %add3A_551 = arith.addi %add3A_550, %mul3A_549 : i32
        %get3A_552 = arith.index_cast %add3A_551 : i32 to index
        %get3A_553 = tpu.vector_load %arg6[%get3A_552] {strides = array<i32>} : memref<16384xi32, #tpu.memory_space<vmem>>, vector<16xi32>,
        %gather3A_554 = tpu.vector_load_idx %arg5[%get3A_553] : memref<100000xf32, #tpu.memory_space<vmem>>[vector<16xi32>], vector<16xf32>,
        %mul3A_555 = arith.constant 16 : i32
        %mul3A_556 = arith.muli %scan3A_547, %mul3A_555 : i32
        %swap3A_557 = arith.index_cast %mul3A_556 : i32 to index
        %swap3A_558 = tpu.vector_load %arg8[%swap3A_557] {strides = array<i32>} : memref<4096xf32, #tpu.memory_space<vmem>>, vector<16xf32>,
        tpu.vector_store %arg8[%swap3A_557], %gather3A_554 {strides = array<i32>} : memref<4096xf32, #tpu.memory_space<vmem>>, vector<16xf32>,
        %scan3A_559 = arith.constant 17 : i32
        %scan3A_560 = arith.addi %scan3A_340, %scan3A_559 : i32
        %mul3A_561 = arith.constant 16 : i32
        %mul3A_562 = arith.muli %scan3A_560, %mul3A_561 : i32
        %add3A_563 = arith.constant 4096 : i32
        %add3A_564 = arith.addi %add3A_563, %mul3A_562 : i32
        %get3A_565 = arith.index_cast %add3A_564 : i32 to index
        %get3A_566 = tpu.vector_load %arg6[%get3A_565] {strides = array<i32>} : memref<16384xi32, #tpu.memory_space<vmem>>, vector<16xi32>,
        %gather3A_567 = tpu.vector_load_idx %arg5[%get3A_566] : memref<100000xf32, #tpu.memory_space<vmem>>[vector<16xi32>], vector<16xf32>,
        %mul3A_568 = arith.constant 16 : i32
        %mul3A_569 = arith.muli %scan3A_560, %mul3A_568 : i32
        %swap3A_570 = arith.index_cast %mul3A_569 : i32 to index
        %swap3A_571 = tpu.vector_load %arg8[%swap3A_570] {strides = array<i32>} : memref<4096xf32, #tpu.memory_space<vmem>>, vector<16xf32>,
        tpu.vector_store %arg8[%swap3A_570], %gather3A_567 {strides = array<i32>} : memref<4096xf32, #tpu.memory_space<vmem>>, vector<16xf32>,
        %scan3A_572 = arith.constant 18 : i32
        %scan3A_573 = arith.addi %scan3A_340, %scan3A_572 : i32
        %mul3A_574 = arith.constant 16 : i32
        %mul3A_575 = arith.muli %scan3A_573, %mul3A_574 : i32
        %add3A_576 = arith.constant 4096 : i32
        %add3A_577 = arith.addi %add3A_576, %mul3A_575 : i32
        %get3A_578 = arith.index_cast %add3A_577 : i32 to index
        %get3A_579 = tpu.vector_load %arg6[%get3A_578] {strides = array<i32>} : memref<16384xi32, #tpu.memory_space<vmem>>, vector<16xi32>,
        %gather3A_580 = tpu.vector_load_idx %arg5[%get3A_579] : memref<100000xf32, #tpu.memory_space<vmem>>[vector<16xi32>], vector<16xf32>,
        %mul3A_581 = arith.constant 16 : i32
        %mul3A_582 = arith.muli %scan3A_573, %mul3A_581 : i32
        %swap3A_583 = arith.index_cast %mul3A_582 : i32 to index
        %swap3A_584 = tpu.vector_load %arg8[%swap3A_583] {strides = array<i32>} : memref<4096xf32, #tpu.memory_space<vmem>>, vector<16xf32>,
        tpu.vector_store %arg8[%swap3A_583], %gather3A_580 {strides = array<i32>} : memref<4096xf32, #tpu.memory_space<vmem>>, vector<16xf32>,
        %scan3A_585 = arith.constant 19 : i32
        %scan3A_586 = arith.addi %scan3A_340, %scan3A_585 : i32
        %mul3A_587 = arith.constant 16 : i32
        %mul3A_588 = arith.muli %scan3A_586, %mul3A_587 : i32
        %add3A_589 = arith.constant 4096 : i32
        %add3A_590 = arith.addi %add3A_589, %mul3A_588 : i32
        %get3A_591 = arith.index_cast %add3A_590 : i32 to index
        %get3A_592 = tpu.vector_load %arg6[%get3A_591] {strides = array<i32>} : memref<16384xi32, #tpu.memory_space<vmem>>, vector<16xi32>,
        %gather3A_593 = tpu.vector_load_idx %arg5[%get3A_592] : memref<100000xf32, #tpu.memory_space<vmem>>[vector<16xi32>], vector<16xf32>,
        %mul3A_594 = arith.constant 16 : i32
        %mul3A_595 = arith.muli %scan3A_586, %mul3A_594 : i32
        %swap3A_596 = arith.index_cast %mul3A_595 : i32 to index
        %swap3A_597 = tpu.vector_load %arg8[%swap3A_596] {strides = array<i32>} : memref<4096xf32, #tpu.memory_space<vmem>>, vector<16xf32>,
        tpu.vector_store %arg8[%swap3A_596], %gather3A_593 {strides = array<i32>} : memref<4096xf32, #tpu.memory_space<vmem>>, vector<16xf32>,
        %scan3A_598 = arith.constant 20 : i32
        %scan3A_599 = arith.addi %scan3A_340, %scan3A_598 : i32
        %mul3A_600 = arith.constant 16 : i32
        %mul3A_601 = arith.muli %scan3A_599, %mul3A_600 : i32
        %add3A_602 = arith.constant 4096 : i32
        %add3A_603 = arith.addi %add3A_602, %mul3A_601 : i32
        %get3A_604 = arith.index_cast %add3A_603 : i32 to index
        %get3A_605 = tpu.vector_load %arg6[%get3A_604] {strides = array<i32>} : memref<16384xi32, #tpu.memory_space<vmem>>, vector<16xi32>,
        %gather3A_606 = tpu.vector_load_idx %arg5[%get3A_605] : memref<100000xf32, #tpu.memory_space<vmem>>[vector<16xi32>], vector<16xf32>,
        %mul3A_607 = arith.constant 16 : i32
        %mul3A_608 = arith.muli %scan3A_599, %mul3A_607 : i32
        %swap3A_609 = arith.index_cast %mul3A_608 : i32 to index
        %swap3A_610 = tpu.vector_load %arg8[%swap3A_609] {strides = array<i32>} : memref<4096xf32, #tpu.memory_space<vmem>>, vector<16xf32>,
        tpu.vector_store %arg8[%swap3A_609], %gather3A_606 {strides = array<i32>} : memref<4096xf32, #tpu.memory_space<vmem>>, vector<16xf32>,
        %scan3A_611 = arith.constant 21 : i32
        %scan3A_612 = arith.addi %scan3A_340, %scan3A_611 : i32
        %mul3A_613 = arith.constant 16 : i32
        %mul3A_614 = arith.muli %scan3A_612, %mul3A_613 : i32
        %add3A_615 = arith.constant 4096 : i32
        %add3A_616 = arith.addi %add3A_615, %mul3A_614 : i32
        %get3A_617 = arith.index_cast %add3A_616 : i32 to index
        %get3A_618 = tpu.vector_load %arg6[%get3A_617] {strides = array<i32>} : memref<16384xi32, #tpu.memory_space<vmem>>, vector<16xi32>,
        %gather3A_619 = tpu.vector_load_idx %arg5[%get3A_618] : memref<100000xf32, #tpu.memory_space<vmem>>[vector<16xi32>], vector<16xf32>,
        %mul3A_620 = arith.constant 16 : i32
        %mul3A_621 = arith.muli %scan3A_612, %mul3A_620 : i32
        %swap3A_622 = arith.index_cast %mul3A_621 : i32 to index
        %swap3A_623 = tpu.vector_load %arg8[%swap3A_622] {strides = array<i32>} : memref<4096xf32, #tpu.memory_space<vmem>>, vector<16xf32>,
        tpu.vector_store %arg8[%swap3A_622], %gather3A_619 {strides = array<i32>} : memref<4096xf32, #tpu.memory_space<vmem>>, vector<16xf32>,
        %scan3A_624 = arith.constant 22 : i32
        %scan3A_625 = arith.addi %scan3A_340, %scan3A_624 : i32
        %mul3A_626 = arith.constant 16 : i32
        %mul3A_627 = arith.muli %scan3A_625, %mul3A_626 : i32
        %add3A_628 = arith.constant 4096 : i32
        %add3A_629 = arith.addi %add3A_628, %mul3A_627 : i32
        %get3A_630 = arith.index_cast %add3A_629 : i32 to index
        %get3A_631 = tpu.vector_load %arg6[%get3A_630] {strides = array<i32>} : memref<16384xi32, #tpu.memory_space<vmem>>, vector<16xi32>,
        %gather3A_632 = tpu.vector_load_idx %arg5[%get3A_631] : memref<100000xf32, #tpu.memory_space<vmem>>[vector<16xi32>], vector<16xf32>,
        %mul3A_633 = arith.constant 16 : i32
        %mul3A_634 = arith.muli %scan3A_625, %mul3A_633 : i32
        %swap3A_635 = arith.index_cast %mul3A_634 : i32 to index
        %swap3A_636 = tpu.vector_load %arg8[%swap3A_635] {strides = array<i32>} : memref<4096xf32, #tpu.memory_space<vmem>>, vector<16xf32>,
        tpu.vector_store %arg8[%swap3A_635], %gather3A_632 {strides = array<i32>} : memref<4096xf32, #tpu.memory_space<vmem>>, vector<16xf32>,
        %scan3A_637 = arith.constant 23 : i32
        %scan3A_638 = arith.addi %scan3A_340, %scan3A_637 : i32
        %mul3A_639 = arith.constant 16 : i32
        %mul3A_640 = arith.muli %scan3A_638, %mul3A_639 : i32
        %add3A_641 = arith.constant 4096 : i32
        %add3A_642 = arith.addi %add3A_641, %mul3A_640 : i32
        %get3A_643 = arith.index_cast %add3A_642 : i32 to index
        %get3A_644 = tpu.vector_load %arg6[%get3A_643] {strides = array<i32>} : memref<16384xi32, #tpu.memory_space<vmem>>, vector<16xi32>,
        %gather3A_645 = tpu.vector_load_idx %arg5[%get3A_644] : memref<100000xf32, #tpu.memory_space<vmem>>[vector<16xi32>], vector<16xf32>,
        %mul3A_646 = arith.constant 16 : i32
        %mul3A_647 = arith.muli %scan3A_638, %mul3A_646 : i32
        %swap3A_648 = arith.index_cast %mul3A_647 : i32 to index
        %swap3A_649 = tpu.vector_load %arg8[%swap3A_648] {strides = array<i32>} : memref<4096xf32, #tpu.memory_space<vmem>>, vector<16xf32>,
        tpu.vector_store %arg8[%swap3A_648], %gather3A_645 {strides = array<i32>} : memref<4096xf32, #tpu.memory_space<vmem>>, vector<16xf32>,
        %scan3A_650 = arith.constant 24 : i32
        %scan3A_651 = arith.addi %scan3A_340, %scan3A_650 : i32
        %mul3A_652 = arith.constant 16 : i32
        %mul3A_653 = arith.muli %scan3A_651, %mul3A_652 : i32
        %add3A_654 = arith.constant 4096 : i32
        %add3A_655 = arith.addi %add3A_654, %mul3A_653 : i32
        %get3A_656 = arith.index_cast %add3A_655 : i32 to index
        %get3A_657 = tpu.vector_load %arg6[%get3A_656] {strides = array<i32>} : memref<16384xi32, #tpu.memory_space<vmem>>, vector<16xi32>,
        %gather3A_658 = tpu.vector_load_idx %arg5[%get3A_657] : memref<100000xf32, #tpu.memory_space<vmem>>[vector<16xi32>], vector<16xf32>,
        %mul3A_659 = arith.constant 16 : i32
        %mul3A_660 = arith.muli %scan3A_651, %mul3A_659 : i32
        %swap3A_661 = arith.index_cast %mul3A_660 : i32 to index
        %swap3A_662 = tpu.vector_load %arg8[%swap3A_661] {strides = array<i32>} : memref<4096xf32, #tpu.memory_space<vmem>>, vector<16xf32>,
        tpu.vector_store %arg8[%swap3A_661], %gather3A_658 {strides = array<i32>} : memref<4096xf32, #tpu.memory_space<vmem>>, vector<16xf32>,
        %scan3A_663 = arith.constant 25 : i32
        %scan3A_664 = arith.addi %scan3A_340, %scan3A_663 : i32
        %mul3A_665 = arith.constant 16 : i32
        %mul3A_666 = arith.muli %scan3A_664, %mul3A_665 : i32
        %add3A_667 = arith.constant 4096 : i32
        %add3A_668 = arith.addi %add3A_667, %mul3A_666 : i32
        %get3A_669 = arith.index_cast %add3A_668 : i32 to index
        %get3A_670 = tpu.vector_load %arg6[%get3A_669] {strides = array<i32>} : memref<16384xi32, #tpu.memory_space<vmem>>, vector<16xi32>,
        %gather3A_671 = tpu.vector_load_idx %arg5[%get3A_670] : memref<100000xf32, #tpu.memory_space<vmem>>[vector<16xi32>], vector<16xf32>,
        %mul3A_672 = arith.constant 16 : i32
        %mul3A_673 = arith.muli %scan3A_664, %mul3A_672 : i32
        %swap3A_674 = arith.index_cast %mul3A_673 : i32 to index
        %swap3A_675 = tpu.vector_load %arg8[%swap3A_674] {strides = array<i32>} : memref<4096xf32, #tpu.memory_space<vmem>>, vector<16xf32>,
        tpu.vector_store %arg8[%swap3A_674], %gather3A_671 {strides = array<i32>} : memref<4096xf32, #tpu.memory_space<vmem>>, vector<16xf32>,
        %scan3A_676 = arith.constant 26 : i32
        %scan3A_677 = arith.addi %scan3A_340, %scan3A_676 : i32
        %mul3A_678 = arith.constant 16 : i32
        %mul3A_679 = arith.muli %scan3A_677, %mul3A_678 : i32
        %add3A_680 = arith.constant 4096 : i32
        %add3A_681 = arith.addi %add3A_680, %mul3A_679 : i32
        %get3A_682 = arith.index_cast %add3A_681 : i32 to index
        %get3A_683 = tpu.vector_load %arg6[%get3A_682] {strides = array<i32>} : memref<16384xi32, #tpu.memory_space<vmem>>, vector<16xi32>,
        %gather3A_684 = tpu.vector_load_idx %arg5[%get3A_683] : memref<100000xf32, #tpu.memory_space<vmem>>[vector<16xi32>], vector<16xf32>,
        %mul3A_685 = arith.constant 16 : i32
        %mul3A_686 = arith.muli %scan3A_677, %mul3A_685 : i32
        %swap3A_687 = arith.index_cast %mul3A_686 : i32 to index
        %swap3A_688 = tpu.vector_load %arg8[%swap3A_687] {strides = array<i32>} : memref<4096xf32, #tpu.memory_space<vmem>>, vector<16xf32>,
        tpu.vector_store %arg8[%swap3A_687], %gather3A_684 {strides = array<i32>} : memref<4096xf32, #tpu.memory_space<vmem>>, vector<16xf32>,
        %scan3A_689 = arith.constant 27 : i32
        %scan3A_690 = arith.addi %scan3A_340, %scan3A_689 : i32
        %mul3A_691 = arith.constant 16 : i32
        %mul3A_692 = arith.muli %scan3A_690, %mul3A_691 : i32
        %add3A_693 = arith.constant 4096 : i32
        %add3A_694 = arith.addi %add3A_693, %mul3A_692 : i32
        %get3A_695 = arith.index_cast %add3A_694 : i32 to index
        %get3A_696 = tpu.vector_load %arg6[%get3A_695] {strides = array<i32>} : memref<16384xi32, #tpu.memory_space<vmem>>, vector<16xi32>,
        %gather3A_697 = tpu.vector_load_idx %arg5[%get3A_696] : memref<100000xf32, #tpu.memory_space<vmem>>[vector<16xi32>], vector<16xf32>,
        %mul3A_698 = arith.constant 16 : i32
        %mul3A_699 = arith.muli %scan3A_690, %mul3A_698 : i32
        %swap3A_700 = arith.index_cast %mul3A_699 : i32 to index
        %swap3A_701 = tpu.vector_load %arg8[%swap3A_700] {strides = array<i32>} : memref<4096xf32, #tpu.memory_space<vmem>>, vector<16xf32>,
        tpu.vector_store %arg8[%swap3A_700], %gather3A_697 {strides = array<i32>} : memref<4096xf32, #tpu.memory_space<vmem>>, vector<16xf32>,
        %scan3A_702 = arith.constant 28 : i32
        %scan3A_703 = arith.addi %scan3A_340, %scan3A_702 : i32
        %mul3A_704 = arith.constant 16 : i32
        %mul3A_705 = arith.muli %scan3A_703, %mul3A_704 : i32
        %add3A_706 = arith.constant 4096 : i32
        %add3A_707 = arith.addi %add3A_706, %mul3A_705 : i32
        %get3A_708 = arith.index_cast %add3A_707 : i32 to index
        %get3A_709 = tpu.vector_load %arg6[%get3A_708] {strides = array<i32>} : memref<16384xi32, #tpu.memory_space<vmem>>, vector<16xi32>,
        %gather3A_710 = tpu.vector_load_idx %arg5[%get3A_709] : memref<100000xf32, #tpu.memory_space<vmem>>[vector<16xi32>], vector<16xf32>,
        %mul3A_711 = arith.constant 16 : i32
        %mul3A_712 = arith.muli %scan3A_703, %mul3A_711 : i32
        %swap3A_713 = arith.index_cast %mul3A_712 : i32 to index
        %swap3A_714 = tpu.vector_load %arg8[%swap3A_713] {strides = array<i32>} : memref<4096xf32, #tpu.memory_space<vmem>>, vector<16xf32>,
        tpu.vector_store %arg8[%swap3A_713], %gather3A_710 {strides = array<i32>} : memref<4096xf32, #tpu.memory_space<vmem>>, vector<16xf32>,
        %scan3A_715 = arith.constant 29 : i32
        %scan3A_716 = arith.addi %scan3A_340, %scan3A_715 : i32
        %mul3A_717 = arith.constant 16 : i32
        %mul3A_718 = arith.muli %scan3A_716, %mul3A_717 : i32
        %add3A_719 = arith.constant 4096 : i32
        %add3A_720 = arith.addi %add3A_719, %mul3A_718 : i32
        %get3A_721 = arith.index_cast %add3A_720 : i32 to index
        %get3A_722 = tpu.vector_load %arg6[%get3A_721] {strides = array<i32>} : memref<16384xi32, #tpu.memory_space<vmem>>, vector<16xi32>,
        %gather3A_723 = tpu.vector_load_idx %arg5[%get3A_722] : memref<100000xf32, #tpu.memory_space<vmem>>[vector<16xi32>], vector<16xf32>,
        %mul3A_724 = arith.constant 16 : i32
        %mul3A_725 = arith.muli %scan3A_716, %mul3A_724 : i32
        %swap3A_726 = arith.index_cast %mul3A_725 : i32 to index
        %swap3A_727 = tpu.vector_load %arg8[%swap3A_726] {strides = array<i32>} : memref<4096xf32, #tpu.memory_space<vmem>>, vector<16xf32>,
        tpu.vector_store %arg8[%swap3A_726], %gather3A_723 {strides = array<i32>} : memref<4096xf32, #tpu.memory_space<vmem>>, vector<16xf32>,
        %scan3A_728 = arith.constant 30 : i32
        %scan3A_729 = arith.addi %scan3A_340, %scan3A_728 : i32
        %mul3A_730 = arith.constant 16 : i32
        %mul3A_731 = arith.muli %scan3A_729, %mul3A_730 : i32
        %add3A_732 = arith.constant 4096 : i32
        %add3A_733 = arith.addi %add3A_732, %mul3A_731 : i32
        %get3A_734 = arith.index_cast %add3A_733 : i32 to index
        %get3A_735 = tpu.vector_load %arg6[%get3A_734] {strides = array<i32>} : memref<16384xi32, #tpu.memory_space<vmem>>, vector<16xi32>,
        %gather3A_736 = tpu.vector_load_idx %arg5[%get3A_735] : memref<100000xf32, #tpu.memory_space<vmem>>[vector<16xi32>], vector<16xf32>,
        %mul3A_737 = arith.constant 16 : i32
        %mul3A_738 = arith.muli %scan3A_729, %mul3A_737 : i32
        %swap3A_739 = arith.index_cast %mul3A_738 : i32 to index
        %swap3A_740 = tpu.vector_load %arg8[%swap3A_739] {strides = array<i32>} : memref<4096xf32, #tpu.memory_space<vmem>>, vector<16xf32>,
        tpu.vector_store %arg8[%swap3A_739], %gather3A_736 {strides = array<i32>} : memref<4096xf32, #tpu.memory_space<vmem>>, vector<16xf32>,
        %scan3A_741 = arith.constant 31 : i32
        %scan3A_742 = arith.addi %scan3A_340, %scan3A_741 : i32
        %mul3A_743 = arith.constant 16 : i32
        %mul3A_744 = arith.muli %scan3A_742, %mul3A_743 : i32
        %add3A_745 = arith.constant 4096 : i32
        %add3A_746 = arith.addi %add3A_745, %mul3A_744 : i32
        %get3A_747 = arith.index_cast %add3A_746 : i32 to index
        %get3A_748 = tpu.vector_load %arg6[%get3A_747] {strides = array<i32>} : memref<16384xi32, #tpu.memory_space<vmem>>, vector<16xi32>,
        %gather3A_749 = tpu.vector_load_idx %arg5[%get3A_748] : memref<100000xf32, #tpu.memory_space<vmem>>[vector<16xi32>], vector<16xf32>,
        %mul3A_750 = arith.constant 16 : i32
        %mul3A_751 = arith.muli %scan3A_742, %mul3A_750 : i32
        %swap3A_752 = arith.index_cast %mul3A_751 : i32 to index
        %swap3A_753 = tpu.vector_load %arg8[%swap3A_752] {strides = array<i32>} : memref<4096xf32, #tpu.memory_space<vmem>>, vector<16xf32>,
        tpu.vector_store %arg8[%swap3A_752], %gather3A_749 {strides = array<i32>} : memref<4096xf32, #tpu.memory_space<vmem>>, vector<16xf32>,
      }
      %scan3A_295 = arith.constant 256 : i32
      %dma_start3A_296 = arith.constant 4096 : i32
      %dma_start3A_297 = tpu.memref_slice %arg4[%select_n3A_78, %select_n3A_94, %dma_start3A_296] : memref<26x32x16384xf32, #tpu.memory_space<hbm>> -> memref<1x1x4096xf32, #tpu.memory_space<hbm>>
      %dma_start3A_298 = tpu.memref_squeeze %dma_start3A_297 : memref<1x1x4096xf32, #tpu.memory_space<hbm>> -> memref<4096xf32, #tpu.memory_space<hbm>>
      %dma_start3A_299 = arith.constant 4096 : i32
      %dma_start3A_300 = tpu.memref_slice %arg4[%select_n3A_78, %select_n3A_94, %dma_start3A_299] : memref<26x32x16384xf32, #tpu.memory_space<hbm>> -> memref<1x1x4096xf32, #tpu.memory_space<hbm>>
      %dma_start3A_301 = tpu.memref_squeeze %dma_start3A_300 : memref<1x1x4096xf32, #tpu.memory_space<hbm>> -> memref<4096xf32, #tpu.memory_space<hbm>>
      tpu.enqueue_dma source(%arg8 : memref<4096xf32, #tpu.memory_space<vmem>>) target(%dma_start3A_301 : memref<4096xf32, #tpu.memory_space<hbm>>) target_semaphore(%arg19 : memref<!tpu.dma_semaphore, #tpu.memory_space<semaphore_mem>>)
      %gt3A_302 = arith.constant 0 : i32
      %gt3A_303 = arith.cmpi sgt, %scan3A_53, %gt3A_302 : i32
      %or3A_304 = arith.constant true
      %or3A_305 = arith.ori %gt3A_303, %or3A_304 : i1
      %convert_element_type3A_306 = arith.extui %or3A_305 : i1 to i32
      %cond3A_307 = arith.constant 0 : i32
      %cond3A_308 = arith.cmpi ne, %convert_element_type3A_306, %cond3A_307 : i32
      scf.if %cond3A_308 {
        %jit3A_340 = arith.constant 32 : i32
        %div3A_341 = arith.divsi %add3A_54, %jit3A_340 : i32
        %sign3A_342 = arith.constant 0 : i32
        %sign3A_343 = arith.cmpi sgt, %add3A_54, %sign3A_342 : i32
        %sign3A_344 = arith.extui %sign3A_343 : i1 to i32
        %sign3A_345 = arith.constant 0 : i32
        %sign3A_346 = arith.cmpi slt, %add3A_54, %sign3A_345 : i32
        %sign3A_347 = arith.extui %sign3A_346 : i1 to i32
        %sign3A_348 = arith.subi %sign3A_344, %sign3A_347 : i32
        %sign3A_349 = arith.constant 0 : i32
        %sign3A_350 = arith.cmpi sgt, %jit3A_340, %sign3A_349 : i32
        %sign3A_351 = arith.extui %sign3A_350 : i1 to i32
        %sign3A_352 = arith.constant 0 : i32
        %sign3A_353 = arith.cmpi slt, %jit3A_340, %sign3A_352 : i32
        %sign3A_354 = arith.extui %sign3A_353 : i1 to i32
        %sign3A_355 = arith.subi %sign3A_351, %sign3A_354 : i32
        %ne3A_356 = arith.cmpi ne, %sign3A_348, %sign3A_355 : i32
        %rem3A_357 = arith.remsi %add3A_54, %jit3A_340 : i32
        %ne3A_358 = arith.constant 0 : i32
        %ne3A_359 = arith.cmpi ne, %rem3A_357, %ne3A_358 : i32
        %and3A_360 = arith.andi %ne3A_356, %ne3A_359 : i1
        %sub3A_361 = arith.constant 1 : i32
        %sub3A_362 = arith.subi %div3A_341, %sub3A_361 : i32
        %select_n3A_363 = arith.select %and3A_360, %sub3A_362, %div3A_341 : i32
        %jit3A_364 = arith.constant 32 : i32
        %eq3A_365 = arith.constant 0 : i32
        %eq3A_366 = arith.cmpi eq, %jit3A_364, %eq3A_365 : i32
        %jit3A_367 = arith.constant 1 : i32
        %select_n3A_368 = arith.select %eq3A_366, %jit3A_367, %jit3A_364 : i32
        %rem3A_369 = arith.remsi %add3A_54, %select_n3A_368 : i32
        %ne3A_370 = arith.constant 0 : i32
        %ne3A_371 = arith.cmpi ne, %rem3A_369, %ne3A_370 : i32
        %lt3A_372 = arith.constant 0 : i32
        %lt3A_373 = arith.cmpi slt, %rem3A_369, %lt3A_372 : i32
        %lt3A_374 = arith.constant 0 : i32
        %lt3A_375 = arith.cmpi slt, %select_n3A_368, %lt3A_374 : i32
        %ne3A_376 = arith.xori %lt3A_373, %lt3A_375 : i1
        %and3A_377 = arith.andi %ne3A_376, %ne3A_371 : i1
        %add3A_378 = arith.addi %rem3A_369, %select_n3A_368 : i32
        %select_n3A_379 = arith.select %and3A_377, %add3A_378, %rem3A_369 : i32
        %dma_wait3A_380 = arith.constant 0 : i32
        %dma_wait3A_381 = tpu.memref_slice %arg4[%select_n3A_363, %select_n3A_379, %dma_wait3A_380] : memref<26x32x16384xf32, #tpu.memory_space<hbm>> -> memref<1x1x4096xf32, #tpu.memory_space<hbm>>
        %dma_wait3A_382 = tpu.memref_squeeze %dma_wait3A_381 : memref<1x1x4096xf32, #tpu.memory_space<hbm>> -> memref<4096xf32, #tpu.memory_space<hbm>>
        %dma_wait3A_383 = arith.constant 0 : i32
        %dma_wait3A_384 = tpu.memref_slice %arg4[%select_n3A_363, %select_n3A_379, %dma_wait3A_383] : memref<26x32x16384xf32, #tpu.memory_space<hbm>> -> memref<1x1x4096xf32, #tpu.memory_space<hbm>>
        %dma_wait3A_385 = tpu.memref_squeeze %dma_wait3A_384 : memref<1x1x4096xf32, #tpu.memory_space<hbm>> -> memref<4096xf32, #tpu.memory_space<hbm>>
        tpu.wait_dma2 semaphore(%arg18 : memref<!tpu.dma_semaphore, #tpu.memory_space<semaphore_mem>>) src(%arg7 : memref<4096xf32, #tpu.memory_space<vmem>>) dst(%dma_wait3A_385 : memref<4096xf32, #tpu.memory_space<hbm>>)
      } else {
      }
      %scan3A_309 = arith.constant 0 : i32
      %scan3A_310 = arith.constant 0 : i32
      %scan3A_311 = arith.constant 256 : i32
      %scan3A_312 = arith.addi %scan3A_310, %scan3A_311 : i32
      %scan3A_313 = arith.constant 32 : i32
      scf.for %scan3A_340 = %scan3A_310 to %scan3A_312 step %scan3A_313  : i32 {
        %mul3A_341 = arith.constant 16 : i32
        %mul3A_342 = arith.muli %scan3A_340, %mul3A_341 : i32
        %add3A_343 = arith.constant 8192 : i32
        %add3A_344 = arith.addi %add3A_343, %mul3A_342 : i32
        %get3A_345 = arith.index_cast %add3A_344 : i32 to index
        %get3A_346 = tpu.vector_load %arg6[%get3A_345] {strides = array<i32>} : memref<16384xi32, #tpu.memory_space<vmem>>, vector<16xi32>,
        %gather3A = tpu.vector_load_idx %arg5[%get3A_346] : memref<100000xf32, #tpu.memory_space<vmem>>[vector<16xi32>], vector<16xf32>,
        %mul3A_347 = arith.constant 16 : i32
        %mul3A_348 = arith.muli %scan3A_340, %mul3A_347 : i32
        %swap3A_349 = arith.index_cast %mul3A_348 : i32 to index
        %swap3A_350 = tpu.vector_load %arg7[%swap3A_349] {strides = array<i32>} : memref<4096xf32, #tpu.memory_space<vmem>>, vector<16xf32>,
        tpu.vector_store %arg7[%swap3A_349], %gather3A {strides = array<i32>} : memref<4096xf32, #tpu.memory_space<vmem>>, vector<16xf32>,
        %scan3A_351 = arith.constant 1 : i32
        %scan3A_352 = arith.addi %scan3A_340, %scan3A_351 : i32
        %mul3A_353 = arith.constant 16 : i32
        %mul3A_354 = arith.muli %scan3A_352, %mul3A_353 : i32
        %add3A_355 = arith.constant 8192 : i32
        %add3A_356 = arith.addi %add3A_355, %mul3A_354 : i32
        %get3A_357 = arith.index_cast %add3A_356 : i32 to index
        %get3A_358 = tpu.vector_load %arg6[%get3A_357] {strides = array<i32>} : memref<16384xi32, #tpu.memory_space<vmem>>, vector<16xi32>,
        %gather3A_359 = tpu.vector_load_idx %arg5[%get3A_358] : memref<100000xf32, #tpu.memory_space<vmem>>[vector<16xi32>], vector<16xf32>,
        %mul3A_360 = arith.constant 16 : i32
        %mul3A_361 = arith.muli %scan3A_352, %mul3A_360 : i32
        %swap3A_362 = arith.index_cast %mul3A_361 : i32 to index
        %swap3A_363 = tpu.vector_load %arg7[%swap3A_362] {strides = array<i32>} : memref<4096xf32, #tpu.memory_space<vmem>>, vector<16xf32>,
        tpu.vector_store %arg7[%swap3A_362], %gather3A_359 {strides = array<i32>} : memref<4096xf32, #tpu.memory_space<vmem>>, vector<16xf32>,
        %scan3A_364 = arith.constant 2 : i32
        %scan3A_365 = arith.addi %scan3A_340, %scan3A_364 : i32
        %mul3A_366 = arith.constant 16 : i32
        %mul3A_367 = arith.muli %scan3A_365, %mul3A_366 : i32
        %add3A_368 = arith.constant 8192 : i32
        %add3A_369 = arith.addi %add3A_368, %mul3A_367 : i32
        %get3A_370 = arith.index_cast %add3A_369 : i32 to index
        %get3A_371 = tpu.vector_load %arg6[%get3A_370] {strides = array<i32>} : memref<16384xi32, #tpu.memory_space<vmem>>, vector<16xi32>,
        %gather3A_372 = tpu.vector_load_idx %arg5[%get3A_371] : memref<100000xf32, #tpu.memory_space<vmem>>[vector<16xi32>], vector<16xf32>,
        %mul3A_373 = arith.constant 16 : i32
        %mul3A_374 = arith.muli %scan3A_365, %mul3A_373 : i32
        %swap3A_375 = arith.index_cast %mul3A_374 : i32 to index
        %swap3A_376 = tpu.vector_load %arg7[%swap3A_375] {strides = array<i32>} : memref<4096xf32, #tpu.memory_space<vmem>>, vector<16xf32>,
        tpu.vector_store %arg7[%swap3A_375], %gather3A_372 {strides = array<i32>} : memref<4096xf32, #tpu.memory_space<vmem>>, vector<16xf32>,
        %scan3A_377 = arith.constant 3 : i32
        %scan3A_378 = arith.addi %scan3A_340, %scan3A_377 : i32
        %mul3A_379 = arith.constant 16 : i32
        %mul3A_380 = arith.muli %scan3A_378, %mul3A_379 : i32
        %add3A_381 = arith.constant 8192 : i32
        %add3A_382 = arith.addi %add3A_381, %mul3A_380 : i32
        %get3A_383 = arith.index_cast %add3A_382 : i32 to index
        %get3A_384 = tpu.vector_load %arg6[%get3A_383] {strides = array<i32>} : memref<16384xi32, #tpu.memory_space<vmem>>, vector<16xi32>,
        %gather3A_385 = tpu.vector_load_idx %arg5[%get3A_384] : memref<100000xf32, #tpu.memory_space<vmem>>[vector<16xi32>], vector<16xf32>,
        %mul3A_386 = arith.constant 16 : i32
        %mul3A_387 = arith.muli %scan3A_378, %mul3A_386 : i32
        %swap3A_388 = arith.index_cast %mul3A_387 : i32 to index
        %swap3A_389 = tpu.vector_load %arg7[%swap3A_388] {strides = array<i32>} : memref<4096xf32, #tpu.memory_space<vmem>>, vector<16xf32>,
        tpu.vector_store %arg7[%swap3A_388], %gather3A_385 {strides = array<i32>} : memref<4096xf32, #tpu.memory_space<vmem>>, vector<16xf32>,
        %scan3A_390 = arith.constant 4 : i32
        %scan3A_391 = arith.addi %scan3A_340, %scan3A_390 : i32
        %mul3A_392 = arith.constant 16 : i32
        %mul3A_393 = arith.muli %scan3A_391, %mul3A_392 : i32
        %add3A_394 = arith.constant 8192 : i32
        %add3A_395 = arith.addi %add3A_394, %mul3A_393 : i32
        %get3A_396 = arith.index_cast %add3A_395 : i32 to index
        %get3A_397 = tpu.vector_load %arg6[%get3A_396] {strides = array<i32>} : memref<16384xi32, #tpu.memory_space<vmem>>, vector<16xi32>,
        %gather3A_398 = tpu.vector_load_idx %arg5[%get3A_397] : memref<100000xf32, #tpu.memory_space<vmem>>[vector<16xi32>], vector<16xf32>,
        %mul3A_399 = arith.constant 16 : i32
        %mul3A_400 = arith.muli %scan3A_391, %mul3A_399 : i32
        %swap3A_401 = arith.index_cast %mul3A_400 : i32 to index
        %swap3A_402 = tpu.vector_load %arg7[%swap3A_401] {strides = array<i32>} : memref<4096xf32, #tpu.memory_space<vmem>>, vector<16xf32>,
        tpu.vector_store %arg7[%swap3A_401], %gather3A_398 {strides = array<i32>} : memref<4096xf32, #tpu.memory_space<vmem>>, vector<16xf32>,
        %scan3A_403 = arith.constant 5 : i32
        %scan3A_404 = arith.addi %scan3A_340, %scan3A_403 : i32
        %mul3A_405 = arith.constant 16 : i32
        %mul3A_406 = arith.muli %scan3A_404, %mul3A_405 : i32
        %add3A_407 = arith.constant 8192 : i32
        %add3A_408 = arith.addi %add3A_407, %mul3A_406 : i32
        %get3A_409 = arith.index_cast %add3A_408 : i32 to index
        %get3A_410 = tpu.vector_load %arg6[%get3A_409] {strides = array<i32>} : memref<16384xi32, #tpu.memory_space<vmem>>, vector<16xi32>,
        %gather3A_411 = tpu.vector_load_idx %arg5[%get3A_410] : memref<100000xf32, #tpu.memory_space<vmem>>[vector<16xi32>], vector<16xf32>,
        %mul3A_412 = arith.constant 16 : i32
        %mul3A_413 = arith.muli %scan3A_404, %mul3A_412 : i32
        %swap3A_414 = arith.index_cast %mul3A_413 : i32 to index
        %swap3A_415 = tpu.vector_load %arg7[%swap3A_414] {strides = array<i32>} : memref<4096xf32, #tpu.memory_space<vmem>>, vector<16xf32>,
        tpu.vector_store %arg7[%swap3A_414], %gather3A_411 {strides = array<i32>} : memref<4096xf32, #tpu.memory_space<vmem>>, vector<16xf32>,
        %scan3A_416 = arith.constant 6 : i32
        %scan3A_417 = arith.addi %scan3A_340, %scan3A_416 : i32
        %mul3A_418 = arith.constant 16 : i32
        %mul3A_419 = arith.muli %scan3A_417, %mul3A_418 : i32
        %add3A_420 = arith.constant 8192 : i32
        %add3A_421 = arith.addi %add3A_420, %mul3A_419 : i32
        %get3A_422 = arith.index_cast %add3A_421 : i32 to index
        %get3A_423 = tpu.vector_load %arg6[%get3A_422] {strides = array<i32>} : memref<16384xi32, #tpu.memory_space<vmem>>, vector<16xi32>,
        %gather3A_424 = tpu.vector_load_idx %arg5[%get3A_423] : memref<100000xf32, #tpu.memory_space<vmem>>[vector<16xi32>], vector<16xf32>,
        %mul3A_425 = arith.constant 16 : i32
        %mul3A_426 = arith.muli %scan3A_417, %mul3A_425 : i32
        %swap3A_427 = arith.index_cast %mul3A_426 : i32 to index
        %swap3A_428 = tpu.vector_load %arg7[%swap3A_427] {strides = array<i32>} : memref<4096xf32, #tpu.memory_space<vmem>>, vector<16xf32>,
        tpu.vector_store %arg7[%swap3A_427], %gather3A_424 {strides = array<i32>} : memref<4096xf32, #tpu.memory_space<vmem>>, vector<16xf32>,
        %scan3A_429 = arith.constant 7 : i32
        %scan3A_430 = arith.addi %scan3A_340, %scan3A_429 : i32
        %mul3A_431 = arith.constant 16 : i32
        %mul3A_432 = arith.muli %scan3A_430, %mul3A_431 : i32
        %add3A_433 = arith.constant 8192 : i32
        %add3A_434 = arith.addi %add3A_433, %mul3A_432 : i32
        %get3A_435 = arith.index_cast %add3A_434 : i32 to index
        %get3A_436 = tpu.vector_load %arg6[%get3A_435] {strides = array<i32>} : memref<16384xi32, #tpu.memory_space<vmem>>, vector<16xi32>,
        %gather3A_437 = tpu.vector_load_idx %arg5[%get3A_436] : memref<100000xf32, #tpu.memory_space<vmem>>[vector<16xi32>], vector<16xf32>,
        %mul3A_438 = arith.constant 16 : i32
        %mul3A_439 = arith.muli %scan3A_430, %mul3A_438 : i32
        %swap3A_440 = arith.index_cast %mul3A_439 : i32 to index
        %swap3A_441 = tpu.vector_load %arg7[%swap3A_440] {strides = array<i32>} : memref<4096xf32, #tpu.memory_space<vmem>>, vector<16xf32>,
        tpu.vector_store %arg7[%swap3A_440], %gather3A_437 {strides = array<i32>} : memref<4096xf32, #tpu.memory_space<vmem>>, vector<16xf32>,
        %scan3A_442 = arith.constant 8 : i32
        %scan3A_443 = arith.addi %scan3A_340, %scan3A_442 : i32
        %mul3A_444 = arith.constant 16 : i32
        %mul3A_445 = arith.muli %scan3A_443, %mul3A_444 : i32
        %add3A_446 = arith.constant 8192 : i32
        %add3A_447 = arith.addi %add3A_446, %mul3A_445 : i32
        %get3A_448 = arith.index_cast %add3A_447 : i32 to index
        %get3A_449 = tpu.vector_load %arg6[%get3A_448] {strides = array<i32>} : memref<16384xi32, #tpu.memory_space<vmem>>, vector<16xi32>,
        %gather3A_450 = tpu.vector_load_idx %arg5[%get3A_449] : memref<100000xf32, #tpu.memory_space<vmem>>[vector<16xi32>], vector<16xf32>,
        %mul3A_451 = arith.constant 16 : i32
        %mul3A_452 = arith.muli %scan3A_443, %mul3A_451 : i32
        %swap3A_453 = arith.index_cast %mul3A_452 : i32 to index
        %swap3A_454 = tpu.vector_load %arg7[%swap3A_453] {strides = array<i32>} : memref<4096xf32, #tpu.memory_space<vmem>>, vector<16xf32>,
        tpu.vector_store %arg7[%swap3A_453], %gather3A_450 {strides = array<i32>} : memref<4096xf32, #tpu.memory_space<vmem>>, vector<16xf32>,
        %scan3A_455 = arith.constant 9 : i32
        %scan3A_456 = arith.addi %scan3A_340, %scan3A_455 : i32
        %mul3A_457 = arith.constant 16 : i32
        %mul3A_458 = arith.muli %scan3A_456, %mul3A_457 : i32
        %add3A_459 = arith.constant 8192 : i32
        %add3A_460 = arith.addi %add3A_459, %mul3A_458 : i32
        %get3A_461 = arith.index_cast %add3A_460 : i32 to index
        %get3A_462 = tpu.vector_load %arg6[%get3A_461] {strides = array<i32>} : memref<16384xi32, #tpu.memory_space<vmem>>, vector<16xi32>,
        %gather3A_463 = tpu.vector_load_idx %arg5[%get3A_462] : memref<100000xf32, #tpu.memory_space<vmem>>[vector<16xi32>], vector<16xf32>,
        %mul3A_464 = arith.constant 16 : i32
        %mul3A_465 = arith.muli %scan3A_456, %mul3A_464 : i32
        %swap3A_466 = arith.index_cast %mul3A_465 : i32 to index
        %swap3A_467 = tpu.vector_load %arg7[%swap3A_466] {strides = array<i32>} : memref<4096xf32, #tpu.memory_space<vmem>>, vector<16xf32>,
        tpu.vector_store %arg7[%swap3A_466], %gather3A_463 {strides = array<i32>} : memref<4096xf32, #tpu.memory_space<vmem>>, vector<16xf32>,
        %scan3A_468 = arith.constant 10 : i32
        %scan3A_469 = arith.addi %scan3A_340, %scan3A_468 : i32
        %mul3A_470 = arith.constant 16 : i32
        %mul3A_471 = arith.muli %scan3A_469, %mul3A_470 : i32
        %add3A_472 = arith.constant 8192 : i32
        %add3A_473 = arith.addi %add3A_472, %mul3A_471 : i32
        %get3A_474 = arith.index_cast %add3A_473 : i32 to index
        %get3A_475 = tpu.vector_load %arg6[%get3A_474] {strides = array<i32>} : memref<16384xi32, #tpu.memory_space<vmem>>, vector<16xi32>,
        %gather3A_476 = tpu.vector_load_idx %arg5[%get3A_475] : memref<100000xf32, #tpu.memory_space<vmem>>[vector<16xi32>], vector<16xf32>,
        %mul3A_477 = arith.constant 16 : i32
        %mul3A_478 = arith.muli %scan3A_469, %mul3A_477 : i32
        %swap3A_479 = arith.index_cast %mul3A_478 : i32 to index
        %swap3A_480 = tpu.vector_load %arg7[%swap3A_479] {strides = array<i32>} : memref<4096xf32, #tpu.memory_space<vmem>>, vector<16xf32>,
        tpu.vector_store %arg7[%swap3A_479], %gather3A_476 {strides = array<i32>} : memref<4096xf32, #tpu.memory_space<vmem>>, vector<16xf32>,
        %scan3A_481 = arith.constant 11 : i32
        %scan3A_482 = arith.addi %scan3A_340, %scan3A_481 : i32
        %mul3A_483 = arith.constant 16 : i32
        %mul3A_484 = arith.muli %scan3A_482, %mul3A_483 : i32
        %add3A_485 = arith.constant 8192 : i32
        %add3A_486 = arith.addi %add3A_485, %mul3A_484 : i32
        %get3A_487 = arith.index_cast %add3A_486 : i32 to index
        %get3A_488 = tpu.vector_load %arg6[%get3A_487] {strides = array<i32>} : memref<16384xi32, #tpu.memory_space<vmem>>, vector<16xi32>,
        %gather3A_489 = tpu.vector_load_idx %arg5[%get3A_488] : memref<100000xf32, #tpu.memory_space<vmem>>[vector<16xi32>], vector<16xf32>,
        %mul3A_490 = arith.constant 16 : i32
        %mul3A_491 = arith.muli %scan3A_482, %mul3A_490 : i32
        %swap3A_492 = arith.index_cast %mul3A_491 : i32 to index
        %swap3A_493 = tpu.vector_load %arg7[%swap3A_492] {strides = array<i32>} : memref<4096xf32, #tpu.memory_space<vmem>>, vector<16xf32>,
        tpu.vector_store %arg7[%swap3A_492], %gather3A_489 {strides = array<i32>} : memref<4096xf32, #tpu.memory_space<vmem>>, vector<16xf32>,
        %scan3A_494 = arith.constant 12 : i32
        %scan3A_495 = arith.addi %scan3A_340, %scan3A_494 : i32
        %mul3A_496 = arith.constant 16 : i32
        %mul3A_497 = arith.muli %scan3A_495, %mul3A_496 : i32
        %add3A_498 = arith.constant 8192 : i32
        %add3A_499 = arith.addi %add3A_498, %mul3A_497 : i32
        %get3A_500 = arith.index_cast %add3A_499 : i32 to index
        %get3A_501 = tpu.vector_load %arg6[%get3A_500] {strides = array<i32>} : memref<16384xi32, #tpu.memory_space<vmem>>, vector<16xi32>,
        %gather3A_502 = tpu.vector_load_idx %arg5[%get3A_501] : memref<100000xf32, #tpu.memory_space<vmem>>[vector<16xi32>], vector<16xf32>,
        %mul3A_503 = arith.constant 16 : i32
        %mul3A_504 = arith.muli %scan3A_495, %mul3A_503 : i32
        %swap3A_505 = arith.index_cast %mul3A_504 : i32 to index
        %swap3A_506 = tpu.vector_load %arg7[%swap3A_505] {strides = array<i32>} : memref<4096xf32, #tpu.memory_space<vmem>>, vector<16xf32>,
        tpu.vector_store %arg7[%swap3A_505], %gather3A_502 {strides = array<i32>} : memref<4096xf32, #tpu.memory_space<vmem>>, vector<16xf32>,
        %scan3A_507 = arith.constant 13 : i32
        %scan3A_508 = arith.addi %scan3A_340, %scan3A_507 : i32
        %mul3A_509 = arith.constant 16 : i32
        %mul3A_510 = arith.muli %scan3A_508, %mul3A_509 : i32
        %add3A_511 = arith.constant 8192 : i32
        %add3A_512 = arith.addi %add3A_511, %mul3A_510 : i32
        %get3A_513 = arith.index_cast %add3A_512 : i32 to index
        %get3A_514 = tpu.vector_load %arg6[%get3A_513] {strides = array<i32>} : memref<16384xi32, #tpu.memory_space<vmem>>, vector<16xi32>,
        %gather3A_515 = tpu.vector_load_idx %arg5[%get3A_514] : memref<100000xf32, #tpu.memory_space<vmem>>[vector<16xi32>], vector<16xf32>,
        %mul3A_516 = arith.constant 16 : i32
        %mul3A_517 = arith.muli %scan3A_508, %mul3A_516 : i32
        %swap3A_518 = arith.index_cast %mul3A_517 : i32 to index
        %swap3A_519 = tpu.vector_load %arg7[%swap3A_518] {strides = array<i32>} : memref<4096xf32, #tpu.memory_space<vmem>>, vector<16xf32>,
        tpu.vector_store %arg7[%swap3A_518], %gather3A_515 {strides = array<i32>} : memref<4096xf32, #tpu.memory_space<vmem>>, vector<16xf32>,
        %scan3A_520 = arith.constant 14 : i32
        %scan3A_521 = arith.addi %scan3A_340, %scan3A_520 : i32
        %mul3A_522 = arith.constant 16 : i32
        %mul3A_523 = arith.muli %scan3A_521, %mul3A_522 : i32
        %add3A_524 = arith.constant 8192 : i32
        %add3A_525 = arith.addi %add3A_524, %mul3A_523 : i32
        %get3A_526 = arith.index_cast %add3A_525 : i32 to index
        %get3A_527 = tpu.vector_load %arg6[%get3A_526] {strides = array<i32>} : memref<16384xi32, #tpu.memory_space<vmem>>, vector<16xi32>,
        %gather3A_528 = tpu.vector_load_idx %arg5[%get3A_527] : memref<100000xf32, #tpu.memory_space<vmem>>[vector<16xi32>], vector<16xf32>,
        %mul3A_529 = arith.constant 16 : i32
        %mul3A_530 = arith.muli %scan3A_521, %mul3A_529 : i32
        %swap3A_531 = arith.index_cast %mul3A_530 : i32 to index
        %swap3A_532 = tpu.vector_load %arg7[%swap3A_531] {strides = array<i32>} : memref<4096xf32, #tpu.memory_space<vmem>>, vector<16xf32>,
        tpu.vector_store %arg7[%swap3A_531], %gather3A_528 {strides = array<i32>} : memref<4096xf32, #tpu.memory_space<vmem>>, vector<16xf32>,
        %scan3A_533 = arith.constant 15 : i32
        %scan3A_534 = arith.addi %scan3A_340, %scan3A_533 : i32
        %mul3A_535 = arith.constant 16 : i32
        %mul3A_536 = arith.muli %scan3A_534, %mul3A_535 : i32
        %add3A_537 = arith.constant 8192 : i32
        %add3A_538 = arith.addi %add3A_537, %mul3A_536 : i32
        %get3A_539 = arith.index_cast %add3A_538 : i32 to index
        %get3A_540 = tpu.vector_load %arg6[%get3A_539] {strides = array<i32>} : memref<16384xi32, #tpu.memory_space<vmem>>, vector<16xi32>,
        %gather3A_541 = tpu.vector_load_idx %arg5[%get3A_540] : memref<100000xf32, #tpu.memory_space<vmem>>[vector<16xi32>], vector<16xf32>,
        %mul3A_542 = arith.constant 16 : i32
        %mul3A_543 = arith.muli %scan3A_534, %mul3A_542 : i32
        %swap3A_544 = arith.index_cast %mul3A_543 : i32 to index
        %swap3A_545 = tpu.vector_load %arg7[%swap3A_544] {strides = array<i32>} : memref<4096xf32, #tpu.memory_space<vmem>>, vector<16xf32>,
        tpu.vector_store %arg7[%swap3A_544], %gather3A_541 {strides = array<i32>} : memref<4096xf32, #tpu.memory_space<vmem>>, vector<16xf32>,
        %scan3A_546 = arith.constant 16 : i32
        %scan3A_547 = arith.addi %scan3A_340, %scan3A_546 : i32
        %mul3A_548 = arith.constant 16 : i32
        %mul3A_549 = arith.muli %scan3A_547, %mul3A_548 : i32
        %add3A_550 = arith.constant 8192 : i32
        %add3A_551 = arith.addi %add3A_550, %mul3A_549 : i32
        %get3A_552 = arith.index_cast %add3A_551 : i32 to index
        %get3A_553 = tpu.vector_load %arg6[%get3A_552] {strides = array<i32>} : memref<16384xi32, #tpu.memory_space<vmem>>, vector<16xi32>,
        %gather3A_554 = tpu.vector_load_idx %arg5[%get3A_553] : memref<100000xf32, #tpu.memory_space<vmem>>[vector<16xi32>], vector<16xf32>,
        %mul3A_555 = arith.constant 16 : i32
        %mul3A_556 = arith.muli %scan3A_547, %mul3A_555 : i32
        %swap3A_557 = arith.index_cast %mul3A_556 : i32 to index
        %swap3A_558 = tpu.vector_load %arg7[%swap3A_557] {strides = array<i32>} : memref<4096xf32, #tpu.memory_space<vmem>>, vector<16xf32>,
        tpu.vector_store %arg7[%swap3A_557], %gather3A_554 {strides = array<i32>} : memref<4096xf32, #tpu.memory_space<vmem>>, vector<16xf32>,
        %scan3A_559 = arith.constant 17 : i32
        %scan3A_560 = arith.addi %scan3A_340, %scan3A_559 : i32
        %mul3A_561 = arith.constant 16 : i32
        %mul3A_562 = arith.muli %scan3A_560, %mul3A_561 : i32
        %add3A_563 = arith.constant 8192 : i32
        %add3A_564 = arith.addi %add3A_563, %mul3A_562 : i32
        %get3A_565 = arith.index_cast %add3A_564 : i32 to index
        %get3A_566 = tpu.vector_load %arg6[%get3A_565] {strides = array<i32>} : memref<16384xi32, #tpu.memory_space<vmem>>, vector<16xi32>,
        %gather3A_567 = tpu.vector_load_idx %arg5[%get3A_566] : memref<100000xf32, #tpu.memory_space<vmem>>[vector<16xi32>], vector<16xf32>,
        %mul3A_568 = arith.constant 16 : i32
        %mul3A_569 = arith.muli %scan3A_560, %mul3A_568 : i32
        %swap3A_570 = arith.index_cast %mul3A_569 : i32 to index
        %swap3A_571 = tpu.vector_load %arg7[%swap3A_570] {strides = array<i32>} : memref<4096xf32, #tpu.memory_space<vmem>>, vector<16xf32>,
        tpu.vector_store %arg7[%swap3A_570], %gather3A_567 {strides = array<i32>} : memref<4096xf32, #tpu.memory_space<vmem>>, vector<16xf32>,
        %scan3A_572 = arith.constant 18 : i32
        %scan3A_573 = arith.addi %scan3A_340, %scan3A_572 : i32
        %mul3A_574 = arith.constant 16 : i32
        %mul3A_575 = arith.muli %scan3A_573, %mul3A_574 : i32
        %add3A_576 = arith.constant 8192 : i32
        %add3A_577 = arith.addi %add3A_576, %mul3A_575 : i32
        %get3A_578 = arith.index_cast %add3A_577 : i32 to index
        %get3A_579 = tpu.vector_load %arg6[%get3A_578] {strides = array<i32>} : memref<16384xi32, #tpu.memory_space<vmem>>, vector<16xi32>,
        %gather3A_580 = tpu.vector_load_idx %arg5[%get3A_579] : memref<100000xf32, #tpu.memory_space<vmem>>[vector<16xi32>], vector<16xf32>,
        %mul3A_581 = arith.constant 16 : i32
        %mul3A_582 = arith.muli %scan3A_573, %mul3A_581 : i32
        %swap3A_583 = arith.index_cast %mul3A_582 : i32 to index
        %swap3A_584 = tpu.vector_load %arg7[%swap3A_583] {strides = array<i32>} : memref<4096xf32, #tpu.memory_space<vmem>>, vector<16xf32>,
        tpu.vector_store %arg7[%swap3A_583], %gather3A_580 {strides = array<i32>} : memref<4096xf32, #tpu.memory_space<vmem>>, vector<16xf32>,
        %scan3A_585 = arith.constant 19 : i32
        %scan3A_586 = arith.addi %scan3A_340, %scan3A_585 : i32
        %mul3A_587 = arith.constant 16 : i32
        %mul3A_588 = arith.muli %scan3A_586, %mul3A_587 : i32
        %add3A_589 = arith.constant 8192 : i32
        %add3A_590 = arith.addi %add3A_589, %mul3A_588 : i32
        %get3A_591 = arith.index_cast %add3A_590 : i32 to index
        %get3A_592 = tpu.vector_load %arg6[%get3A_591] {strides = array<i32>} : memref<16384xi32, #tpu.memory_space<vmem>>, vector<16xi32>,
        %gather3A_593 = tpu.vector_load_idx %arg5[%get3A_592] : memref<100000xf32, #tpu.memory_space<vmem>>[vector<16xi32>], vector<16xf32>,
        %mul3A_594 = arith.constant 16 : i32
        %mul3A_595 = arith.muli %scan3A_586, %mul3A_594 : i32
        %swap3A_596 = arith.index_cast %mul3A_595 : i32 to index
        %swap3A_597 = tpu.vector_load %arg7[%swap3A_596] {strides = array<i32>} : memref<4096xf32, #tpu.memory_space<vmem>>, vector<16xf32>,
        tpu.vector_store %arg7[%swap3A_596], %gather3A_593 {strides = array<i32>} : memref<4096xf32, #tpu.memory_space<vmem>>, vector<16xf32>,
        %scan3A_598 = arith.constant 20 : i32
        %scan3A_599 = arith.addi %scan3A_340, %scan3A_598 : i32
        %mul3A_600 = arith.constant 16 : i32
        %mul3A_601 = arith.muli %scan3A_599, %mul3A_600 : i32
        %add3A_602 = arith.constant 8192 : i32
        %add3A_603 = arith.addi %add3A_602, %mul3A_601 : i32
        %get3A_604 = arith.index_cast %add3A_603 : i32 to index
        %get3A_605 = tpu.vector_load %arg6[%get3A_604] {strides = array<i32>} : memref<16384xi32, #tpu.memory_space<vmem>>, vector<16xi32>,
        %gather3A_606 = tpu.vector_load_idx %arg5[%get3A_605] : memref<100000xf32, #tpu.memory_space<vmem>>[vector<16xi32>], vector<16xf32>,
        %mul3A_607 = arith.constant 16 : i32
        %mul3A_608 = arith.muli %scan3A_599, %mul3A_607 : i32
        %swap3A_609 = arith.index_cast %mul3A_608 : i32 to index
        %swap3A_610 = tpu.vector_load %arg7[%swap3A_609] {strides = array<i32>} : memref<4096xf32, #tpu.memory_space<vmem>>, vector<16xf32>,
        tpu.vector_store %arg7[%swap3A_609], %gather3A_606 {strides = array<i32>} : memref<4096xf32, #tpu.memory_space<vmem>>, vector<16xf32>,
        %scan3A_611 = arith.constant 21 : i32
        %scan3A_612 = arith.addi %scan3A_340, %scan3A_611 : i32
        %mul3A_613 = arith.constant 16 : i32
        %mul3A_614 = arith.muli %scan3A_612, %mul3A_613 : i32
        %add3A_615 = arith.constant 8192 : i32
        %add3A_616 = arith.addi %add3A_615, %mul3A_614 : i32
        %get3A_617 = arith.index_cast %add3A_616 : i32 to index
        %get3A_618 = tpu.vector_load %arg6[%get3A_617] {strides = array<i32>} : memref<16384xi32, #tpu.memory_space<vmem>>, vector<16xi32>,
        %gather3A_619 = tpu.vector_load_idx %arg5[%get3A_618] : memref<100000xf32, #tpu.memory_space<vmem>>[vector<16xi32>], vector<16xf32>,
        %mul3A_620 = arith.constant 16 : i32
        %mul3A_621 = arith.muli %scan3A_612, %mul3A_620 : i32
        %swap3A_622 = arith.index_cast %mul3A_621 : i32 to index
        %swap3A_623 = tpu.vector_load %arg7[%swap3A_622] {strides = array<i32>} : memref<4096xf32, #tpu.memory_space<vmem>>, vector<16xf32>,
        tpu.vector_store %arg7[%swap3A_622], %gather3A_619 {strides = array<i32>} : memref<4096xf32, #tpu.memory_space<vmem>>, vector<16xf32>,
        %scan3A_624 = arith.constant 22 : i32
        %scan3A_625 = arith.addi %scan3A_340, %scan3A_624 : i32
        %mul3A_626 = arith.constant 16 : i32
        %mul3A_627 = arith.muli %scan3A_625, %mul3A_626 : i32
        %add3A_628 = arith.constant 8192 : i32
        %add3A_629 = arith.addi %add3A_628, %mul3A_627 : i32
        %get3A_630 = arith.index_cast %add3A_629 : i32 to index
        %get3A_631 = tpu.vector_load %arg6[%get3A_630] {strides = array<i32>} : memref<16384xi32, #tpu.memory_space<vmem>>, vector<16xi32>,
        %gather3A_632 = tpu.vector_load_idx %arg5[%get3A_631] : memref<100000xf32, #tpu.memory_space<vmem>>[vector<16xi32>], vector<16xf32>,
        %mul3A_633 = arith.constant 16 : i32
        %mul3A_634 = arith.muli %scan3A_625, %mul3A_633 : i32
        %swap3A_635 = arith.index_cast %mul3A_634 : i32 to index
        %swap3A_636 = tpu.vector_load %arg7[%swap3A_635] {strides = array<i32>} : memref<4096xf32, #tpu.memory_space<vmem>>, vector<16xf32>,
        tpu.vector_store %arg7[%swap3A_635], %gather3A_632 {strides = array<i32>} : memref<4096xf32, #tpu.memory_space<vmem>>, vector<16xf32>,
        %scan3A_637 = arith.constant 23 : i32
        %scan3A_638 = arith.addi %scan3A_340, %scan3A_637 : i32
        %mul3A_639 = arith.constant 16 : i32
        %mul3A_640 = arith.muli %scan3A_638, %mul3A_639 : i32
        %add3A_641 = arith.constant 8192 : i32
        %add3A_642 = arith.addi %add3A_641, %mul3A_640 : i32
        %get3A_643 = arith.index_cast %add3A_642 : i32 to index
        %get3A_644 = tpu.vector_load %arg6[%get3A_643] {strides = array<i32>} : memref<16384xi32, #tpu.memory_space<vmem>>, vector<16xi32>,
        %gather3A_645 = tpu.vector_load_idx %arg5[%get3A_644] : memref<100000xf32, #tpu.memory_space<vmem>>[vector<16xi32>], vector<16xf32>,
        %mul3A_646 = arith.constant 16 : i32
        %mul3A_647 = arith.muli %scan3A_638, %mul3A_646 : i32
        %swap3A_648 = arith.index_cast %mul3A_647 : i32 to index
        %swap3A_649 = tpu.vector_load %arg7[%swap3A_648] {strides = array<i32>} : memref<4096xf32, #tpu.memory_space<vmem>>, vector<16xf32>,
        tpu.vector_store %arg7[%swap3A_648], %gather3A_645 {strides = array<i32>} : memref<4096xf32, #tpu.memory_space<vmem>>, vector<16xf32>,
        %scan3A_650 = arith.constant 24 : i32
        %scan3A_651 = arith.addi %scan3A_340, %scan3A_650 : i32
        %mul3A_652 = arith.constant 16 : i32
        %mul3A_653 = arith.muli %scan3A_651, %mul3A_652 : i32
        %add3A_654 = arith.constant 8192 : i32
        %add3A_655 = arith.addi %add3A_654, %mul3A_653 : i32
        %get3A_656 = arith.index_cast %add3A_655 : i32 to index
        %get3A_657 = tpu.vector_load %arg6[%get3A_656] {strides = array<i32>} : memref<16384xi32, #tpu.memory_space<vmem>>, vector<16xi32>,
        %gather3A_658 = tpu.vector_load_idx %arg5[%get3A_657] : memref<100000xf32, #tpu.memory_space<vmem>>[vector<16xi32>], vector<16xf32>,
        %mul3A_659 = arith.constant 16 : i32
        %mul3A_660 = arith.muli %scan3A_651, %mul3A_659 : i32
        %swap3A_661 = arith.index_cast %mul3A_660 : i32 to index
        %swap3A_662 = tpu.vector_load %arg7[%swap3A_661] {strides = array<i32>} : memref<4096xf32, #tpu.memory_space<vmem>>, vector<16xf32>,
        tpu.vector_store %arg7[%swap3A_661], %gather3A_658 {strides = array<i32>} : memref<4096xf32, #tpu.memory_space<vmem>>, vector<16xf32>,
        %scan3A_663 = arith.constant 25 : i32
        %scan3A_664 = arith.addi %scan3A_340, %scan3A_663 : i32
        %mul3A_665 = arith.constant 16 : i32
        %mul3A_666 = arith.muli %scan3A_664, %mul3A_665 : i32
        %add3A_667 = arith.constant 8192 : i32
        %add3A_668 = arith.addi %add3A_667, %mul3A_666 : i32
        %get3A_669 = arith.index_cast %add3A_668 : i32 to index
        %get3A_670 = tpu.vector_load %arg6[%get3A_669] {strides = array<i32>} : memref<16384xi32, #tpu.memory_space<vmem>>, vector<16xi32>,
        %gather3A_671 = tpu.vector_load_idx %arg5[%get3A_670] : memref<100000xf32, #tpu.memory_space<vmem>>[vector<16xi32>], vector<16xf32>,
        %mul3A_672 = arith.constant 16 : i32
        %mul3A_673 = arith.muli %scan3A_664, %mul3A_672 : i32
        %swap3A_674 = arith.index_cast %mul3A_673 : i32 to index
        %swap3A_675 = tpu.vector_load %arg7[%swap3A_674] {strides = array<i32>} : memref<4096xf32, #tpu.memory_space<vmem>>, vector<16xf32>,
        tpu.vector_store %arg7[%swap3A_674], %gather3A_671 {strides = array<i32>} : memref<4096xf32, #tpu.memory_space<vmem>>, vector<16xf32>,
        %scan3A_676 = arith.constant 26 : i32
        %scan3A_677 = arith.addi %scan3A_340, %scan3A_676 : i32
        %mul3A_678 = arith.constant 16 : i32
        %mul3A_679 = arith.muli %scan3A_677, %mul3A_678 : i32
        %add3A_680 = arith.constant 8192 : i32
        %add3A_681 = arith.addi %add3A_680, %mul3A_679 : i32
        %get3A_682 = arith.index_cast %add3A_681 : i32 to index
        %get3A_683 = tpu.vector_load %arg6[%get3A_682] {strides = array<i32>} : memref<16384xi32, #tpu.memory_space<vmem>>, vector<16xi32>,
        %gather3A_684 = tpu.vector_load_idx %arg5[%get3A_683] : memref<100000xf32, #tpu.memory_space<vmem>>[vector<16xi32>], vector<16xf32>,
        %mul3A_685 = arith.constant 16 : i32
        %mul3A_686 = arith.muli %scan3A_677, %mul3A_685 : i32
        %swap3A_687 = arith.index_cast %mul3A_686 : i32 to index
        %swap3A_688 = tpu.vector_load %arg7[%swap3A_687] {strides = array<i32>} : memref<4096xf32, #tpu.memory_space<vmem>>, vector<16xf32>,
        tpu.vector_store %arg7[%swap3A_687], %gather3A_684 {strides = array<i32>} : memref<4096xf32, #tpu.memory_space<vmem>>, vector<16xf32>,
        %scan3A_689 = arith.constant 27 : i32
        %scan3A_690 = arith.addi %scan3A_340, %scan3A_689 : i32
        %mul3A_691 = arith.constant 16 : i32
        %mul3A_692 = arith.muli %scan3A_690, %mul3A_691 : i32
        %add3A_693 = arith.constant 8192 : i32
        %add3A_694 = arith.addi %add3A_693, %mul3A_692 : i32
        %get3A_695 = arith.index_cast %add3A_694 : i32 to index
        %get3A_696 = tpu.vector_load %arg6[%get3A_695] {strides = array<i32>} : memref<16384xi32, #tpu.memory_space<vmem>>, vector<16xi32>,
        %gather3A_697 = tpu.vector_load_idx %arg5[%get3A_696] : memref<100000xf32, #tpu.memory_space<vmem>>[vector<16xi32>], vector<16xf32>,
        %mul3A_698 = arith.constant 16 : i32
        %mul3A_699 = arith.muli %scan3A_690, %mul3A_698 : i32
        %swap3A_700 = arith.index_cast %mul3A_699 : i32 to index
        %swap3A_701 = tpu.vector_load %arg7[%swap3A_700] {strides = array<i32>} : memref<4096xf32, #tpu.memory_space<vmem>>, vector<16xf32>,
        tpu.vector_store %arg7[%swap3A_700], %gather3A_697 {strides = array<i32>} : memref<4096xf32, #tpu.memory_space<vmem>>, vector<16xf32>,
        %scan3A_702 = arith.constant 28 : i32
        %scan3A_703 = arith.addi %scan3A_340, %scan3A_702 : i32
        %mul3A_704 = arith.constant 16 : i32
        %mul3A_705 = arith.muli %scan3A_703, %mul3A_704 : i32
        %add3A_706 = arith.constant 8192 : i32
        %add3A_707 = arith.addi %add3A_706, %mul3A_705 : i32
        %get3A_708 = arith.index_cast %add3A_707 : i32 to index
        %get3A_709 = tpu.vector_load %arg6[%get3A_708] {strides = array<i32>} : memref<16384xi32, #tpu.memory_space<vmem>>, vector<16xi32>,
        %gather3A_710 = tpu.vector_load_idx %arg5[%get3A_709] : memref<100000xf32, #tpu.memory_space<vmem>>[vector<16xi32>], vector<16xf32>,
        %mul3A_711 = arith.constant 16 : i32
        %mul3A_712 = arith.muli %scan3A_703, %mul3A_711 : i32
        %swap3A_713 = arith.index_cast %mul3A_712 : i32 to index
        %swap3A_714 = tpu.vector_load %arg7[%swap3A_713] {strides = array<i32>} : memref<4096xf32, #tpu.memory_space<vmem>>, vector<16xf32>,
        tpu.vector_store %arg7[%swap3A_713], %gather3A_710 {strides = array<i32>} : memref<4096xf32, #tpu.memory_space<vmem>>, vector<16xf32>,
        %scan3A_715 = arith.constant 29 : i32
        %scan3A_716 = arith.addi %scan3A_340, %scan3A_715 : i32
        %mul3A_717 = arith.constant 16 : i32
        %mul3A_718 = arith.muli %scan3A_716, %mul3A_717 : i32
        %add3A_719 = arith.constant 8192 : i32
        %add3A_720 = arith.addi %add3A_719, %mul3A_718 : i32
        %get3A_721 = arith.index_cast %add3A_720 : i32 to index
        %get3A_722 = tpu.vector_load %arg6[%get3A_721] {strides = array<i32>} : memref<16384xi32, #tpu.memory_space<vmem>>, vector<16xi32>,
        %gather3A_723 = tpu.vector_load_idx %arg5[%get3A_722] : memref<100000xf32, #tpu.memory_space<vmem>>[vector<16xi32>], vector<16xf32>,
        %mul3A_724 = arith.constant 16 : i32
        %mul3A_725 = arith.muli %scan3A_716, %mul3A_724 : i32
        %swap3A_726 = arith.index_cast %mul3A_725 : i32 to index
        %swap3A_727 = tpu.vector_load %arg7[%swap3A_726] {strides = array<i32>} : memref<4096xf32, #tpu.memory_space<vmem>>, vector<16xf32>,
        tpu.vector_store %arg7[%swap3A_726], %gather3A_723 {strides = array<i32>} : memref<4096xf32, #tpu.memory_space<vmem>>, vector<16xf32>,
        %scan3A_728 = arith.constant 30 : i32
        %scan3A_729 = arith.addi %scan3A_340, %scan3A_728 : i32
        %mul3A_730 = arith.constant 16 : i32
        %mul3A_731 = arith.muli %scan3A_729, %mul3A_730 : i32
        %add3A_732 = arith.constant 8192 : i32
        %add3A_733 = arith.addi %add3A_732, %mul3A_731 : i32
        %get3A_734 = arith.index_cast %add3A_733 : i32 to index
        %get3A_735 = tpu.vector_load %arg6[%get3A_734] {strides = array<i32>} : memref<16384xi32, #tpu.memory_space<vmem>>, vector<16xi32>,
        %gather3A_736 = tpu.vector_load_idx %arg5[%get3A_735] : memref<100000xf32, #tpu.memory_space<vmem>>[vector<16xi32>], vector<16xf32>,
        %mul3A_737 = arith.constant 16 : i32
        %mul3A_738 = arith.muli %scan3A_729, %mul3A_737 : i32
        %swap3A_739 = arith.index_cast %mul3A_738 : i32 to index
        %swap3A_740 = tpu.vector_load %arg7[%swap3A_739] {strides = array<i32>} : memref<4096xf32, #tpu.memory_space<vmem>>, vector<16xf32>,
        tpu.vector_store %arg7[%swap3A_739], %gather3A_736 {strides = array<i32>} : memref<4096xf32, #tpu.memory_space<vmem>>, vector<16xf32>,
        %scan3A_741 = arith.constant 31 : i32
        %scan3A_742 = arith.addi %scan3A_340, %scan3A_741 : i32
        %mul3A_743 = arith.constant 16 : i32
        %mul3A_744 = arith.muli %scan3A_742, %mul3A_743 : i32
        %add3A_745 = arith.constant 8192 : i32
        %add3A_746 = arith.addi %add3A_745, %mul3A_744 : i32
        %get3A_747 = arith.index_cast %add3A_746 : i32 to index
        %get3A_748 = tpu.vector_load %arg6[%get3A_747] {strides = array<i32>} : memref<16384xi32, #tpu.memory_space<vmem>>, vector<16xi32>,
        %gather3A_749 = tpu.vector_load_idx %arg5[%get3A_748] : memref<100000xf32, #tpu.memory_space<vmem>>[vector<16xi32>], vector<16xf32>,
        %mul3A_750 = arith.constant 16 : i32
        %mul3A_751 = arith.muli %scan3A_742, %mul3A_750 : i32
        %swap3A_752 = arith.index_cast %mul3A_751 : i32 to index
        %swap3A_753 = tpu.vector_load %arg7[%swap3A_752] {strides = array<i32>} : memref<4096xf32, #tpu.memory_space<vmem>>, vector<16xf32>,
        tpu.vector_store %arg7[%swap3A_752], %gather3A_749 {strides = array<i32>} : memref<4096xf32, #tpu.memory_space<vmem>>, vector<16xf32>,
      }
      %scan3A_314 = arith.constant 256 : i32
      %dma_start3A_315 = arith.constant 8192 : i32
      %dma_start3A_316 = tpu.memref_slice %arg4[%select_n3A_78, %select_n3A_94, %dma_start3A_315] : memref<26x32x16384xf32, #tpu.memory_space<hbm>> -> memref<1x1x4096xf32, #tpu.memory_space<hbm>>
      %dma_start3A_317 = tpu.memref_squeeze %dma_start3A_316 : memref<1x1x4096xf32, #tpu.memory_space<hbm>> -> memref<4096xf32, #tpu.memory_space<hbm>>
      %dma_start3A_318 = arith.constant 8192 : i32
      %dma_start3A_319 = tpu.memref_slice %arg4[%select_n3A_78, %select_n3A_94, %dma_start3A_318] : memref<26x32x16384xf32, #tpu.memory_space<hbm>> -> memref<1x1x4096xf32, #tpu.memory_space<hbm>>
      %dma_start3A_320 = tpu.memref_squeeze %dma_start3A_319 : memref<1x1x4096xf32, #tpu.memory_space<hbm>> -> memref<4096xf32, #tpu.memory_space<hbm>>
      tpu.enqueue_dma source(%arg7 : memref<4096xf32, #tpu.memory_space<vmem>>) target(%dma_start3A_320 : memref<4096xf32, #tpu.memory_space<hbm>>) target_semaphore(%arg18 : memref<!tpu.dma_semaphore, #tpu.memory_space<semaphore_mem>>)
      %gt3A_321 = arith.constant 0 : i32
      %gt3A_322 = arith.cmpi sgt, %scan3A_53, %gt3A_321 : i32
      %or3A_323 = arith.constant true
      %or3A_324 = arith.ori %gt3A_322, %or3A_323 : i1
      %convert_element_type3A_325 = arith.extui %or3A_324 : i1 to i32
      %cond3A_326 = arith.constant 0 : i32
      %cond3A_327 = arith.cmpi ne, %convert_element_type3A_325, %cond3A_326 : i32
      scf.if %cond3A_327 {
        %jit3A_340 = arith.constant 32 : i32
        %div3A_341 = arith.divsi %add3A_54, %jit3A_340 : i32
        %sign3A_342 = arith.constant 0 : i32
        %sign3A_343 = arith.cmpi sgt, %add3A_54, %sign3A_342 : i32
        %sign3A_344 = arith.extui %sign3A_343 : i1 to i32
        %sign3A_345 = arith.constant 0 : i32
        %sign3A_346 = arith.cmpi slt, %add3A_54, %sign3A_345 : i32
        %sign3A_347 = arith.extui %sign3A_346 : i1 to i32
        %sign3A_348 = arith.subi %sign3A_344, %sign3A_347 : i32
        %sign3A_349 = arith.constant 0 : i32
        %sign3A_350 = arith.cmpi sgt, %jit3A_340, %sign3A_349 : i32
        %sign3A_351 = arith.extui %sign3A_350 : i1 to i32
        %sign3A_352 = arith.constant 0 : i32
        %sign3A_353 = arith.cmpi slt, %jit3A_340, %sign3A_352 : i32
        %sign3A_354 = arith.extui %sign3A_353 : i1 to i32
        %sign3A_355 = arith.subi %sign3A_351, %sign3A_354 : i32
        %ne3A_356 = arith.cmpi ne, %sign3A_348, %sign3A_355 : i32
        %rem3A_357 = arith.remsi %add3A_54, %jit3A_340 : i32
        %ne3A_358 = arith.constant 0 : i32
        %ne3A_359 = arith.cmpi ne, %rem3A_357, %ne3A_358 : i32
        %and3A_360 = arith.andi %ne3A_356, %ne3A_359 : i1
        %sub3A_361 = arith.constant 1 : i32
        %sub3A_362 = arith.subi %div3A_341, %sub3A_361 : i32
        %select_n3A_363 = arith.select %and3A_360, %sub3A_362, %div3A_341 : i32
        %jit3A_364 = arith.constant 32 : i32
        %eq3A_365 = arith.constant 0 : i32
        %eq3A_366 = arith.cmpi eq, %jit3A_364, %eq3A_365 : i32
        %jit3A_367 = arith.constant 1 : i32
        %select_n3A_368 = arith.select %eq3A_366, %jit3A_367, %jit3A_364 : i32
        %rem3A_369 = arith.remsi %add3A_54, %select_n3A_368 : i32
        %ne3A_370 = arith.constant 0 : i32
        %ne3A_371 = arith.cmpi ne, %rem3A_369, %ne3A_370 : i32
        %lt3A_372 = arith.constant 0 : i32
        %lt3A_373 = arith.cmpi slt, %rem3A_369, %lt3A_372 : i32
        %lt3A_374 = arith.constant 0 : i32
        %lt3A_375 = arith.cmpi slt, %select_n3A_368, %lt3A_374 : i32
        %ne3A_376 = arith.xori %lt3A_373, %lt3A_375 : i1
        %and3A_377 = arith.andi %ne3A_376, %ne3A_371 : i1
        %add3A_378 = arith.addi %rem3A_369, %select_n3A_368 : i32
        %select_n3A_379 = arith.select %and3A_377, %add3A_378, %rem3A_369 : i32
        %dma_wait3A_380 = arith.constant 4096 : i32
        %dma_wait3A_381 = tpu.memref_slice %arg4[%select_n3A_363, %select_n3A_379, %dma_wait3A_380] : memref<26x32x16384xf32, #tpu.memory_space<hbm>> -> memref<1x1x4096xf32, #tpu.memory_space<hbm>>
        %dma_wait3A_382 = tpu.memref_squeeze %dma_wait3A_381 : memref<1x1x4096xf32, #tpu.memory_space<hbm>> -> memref<4096xf32, #tpu.memory_space<hbm>>
        %dma_wait3A_383 = arith.constant 4096 : i32
        %dma_wait3A_384 = tpu.memref_slice %arg4[%select_n3A_363, %select_n3A_379, %dma_wait3A_383] : memref<26x32x16384xf32, #tpu.memory_space<hbm>> -> memref<1x1x4096xf32, #tpu.memory_space<hbm>>
        %dma_wait3A_385 = tpu.memref_squeeze %dma_wait3A_384 : memref<1x1x4096xf32, #tpu.memory_space<hbm>> -> memref<4096xf32, #tpu.memory_space<hbm>>
        tpu.wait_dma2 semaphore(%arg19 : memref<!tpu.dma_semaphore, #tpu.memory_space<semaphore_mem>>) src(%arg8 : memref<4096xf32, #tpu.memory_space<vmem>>) dst(%dma_wait3A_385 : memref<4096xf32, #tpu.memory_space<hbm>>)
      } else {
      }
      %scan3A_328 = arith.constant 0 : i32
      %scan3A_329 = arith.constant 0 : i32
      %scan3A_330 = arith.constant 256 : i32
      %scan3A_331 = arith.addi %scan3A_329, %scan3A_330 : i32
      %scan3A_332 = arith.constant 32 : i32
      scf.for %scan3A_340 = %scan3A_329 to %scan3A_331 step %scan3A_332  : i32 {
        %mul3A_341 = arith.constant 16 : i32
        %mul3A_342 = arith.muli %scan3A_340, %mul3A_341 : i32
        %add3A_343 = arith.constant 12288 : i32
        %add3A_344 = arith.addi %add3A_343, %mul3A_342 : i32
        %get3A_345 = arith.index_cast %add3A_344 : i32 to index
        %get3A_346 = tpu.vector_load %arg6[%get3A_345] {strides = array<i32>} : memref<16384xi32, #tpu.memory_space<vmem>>, vector<16xi32>,
        %gather3A = tpu.vector_load_idx %arg5[%get3A_346] : memref<100000xf32, #tpu.memory_space<vmem>>[vector<16xi32>], vector<16xf32>,
        %mul3A_347 = arith.constant 16 : i32
        %mul3A_348 = arith.muli %scan3A_340, %mul3A_347 : i32
        %swap3A_349 = arith.index_cast %mul3A_348 : i32 to index
        %swap3A_350 = tpu.vector_load %arg8[%swap3A_349] {strides = array<i32>} : memref<4096xf32, #tpu.memory_space<vmem>>, vector<16xf32>,
        tpu.vector_store %arg8[%swap3A_349], %gather3A {strides = array<i32>} : memref<4096xf32, #tpu.memory_space<vmem>>, vector<16xf32>,
        %scan3A_351 = arith.constant 1 : i32
        %scan3A_352 = arith.addi %scan3A_340, %scan3A_351 : i32
        %mul3A_353 = arith.constant 16 : i32
        %mul3A_354 = arith.muli %scan3A_352, %mul3A_353 : i32
        %add3A_355 = arith.constant 12288 : i32
        %add3A_356 = arith.addi %add3A_355, %mul3A_354 : i32
        %get3A_357 = arith.index_cast %add3A_356 : i32 to index
        %get3A_358 = tpu.vector_load %arg6[%get3A_357] {strides = array<i32>} : memref<16384xi32, #tpu.memory_space<vmem>>, vector<16xi32>,
        %gather3A_359 = tpu.vector_load_idx %arg5[%get3A_358] : memref<100000xf32, #tpu.memory_space<vmem>>[vector<16xi32>], vector<16xf32>,
        %mul3A_360 = arith.constant 16 : i32
        %mul3A_361 = arith.muli %scan3A_352, %mul3A_360 : i32
        %swap3A_362 = arith.index_cast %mul3A_361 : i32 to index
        %swap3A_363 = tpu.vector_load %arg8[%swap3A_362] {strides = array<i32>} : memref<4096xf32, #tpu.memory_space<vmem>>, vector<16xf32>,
        tpu.vector_store %arg8[%swap3A_362], %gather3A_359 {strides = array<i32>} : memref<4096xf32, #tpu.memory_space<vmem>>, vector<16xf32>,
        %scan3A_364 = arith.constant 2 : i32
        %scan3A_365 = arith.addi %scan3A_340, %scan3A_364 : i32
        %mul3A_366 = arith.constant 16 : i32
        %mul3A_367 = arith.muli %scan3A_365, %mul3A_366 : i32
        %add3A_368 = arith.constant 12288 : i32
        %add3A_369 = arith.addi %add3A_368, %mul3A_367 : i32
        %get3A_370 = arith.index_cast %add3A_369 : i32 to index
        %get3A_371 = tpu.vector_load %arg6[%get3A_370] {strides = array<i32>} : memref<16384xi32, #tpu.memory_space<vmem>>, vector<16xi32>,
        %gather3A_372 = tpu.vector_load_idx %arg5[%get3A_371] : memref<100000xf32, #tpu.memory_space<vmem>>[vector<16xi32>], vector<16xf32>,
        %mul3A_373 = arith.constant 16 : i32
        %mul3A_374 = arith.muli %scan3A_365, %mul3A_373 : i32
        %swap3A_375 = arith.index_cast %mul3A_374 : i32 to index
        %swap3A_376 = tpu.vector_load %arg8[%swap3A_375] {strides = array<i32>} : memref<4096xf32, #tpu.memory_space<vmem>>, vector<16xf32>,
        tpu.vector_store %arg8[%swap3A_375], %gather3A_372 {strides = array<i32>} : memref<4096xf32, #tpu.memory_space<vmem>>, vector<16xf32>,
        %scan3A_377 = arith.constant 3 : i32
        %scan3A_378 = arith.addi %scan3A_340, %scan3A_377 : i32
        %mul3A_379 = arith.constant 16 : i32
        %mul3A_380 = arith.muli %scan3A_378, %mul3A_379 : i32
        %add3A_381 = arith.constant 12288 : i32
        %add3A_382 = arith.addi %add3A_381, %mul3A_380 : i32
        %get3A_383 = arith.index_cast %add3A_382 : i32 to index
        %get3A_384 = tpu.vector_load %arg6[%get3A_383] {strides = array<i32>} : memref<16384xi32, #tpu.memory_space<vmem>>, vector<16xi32>,
        %gather3A_385 = tpu.vector_load_idx %arg5[%get3A_384] : memref<100000xf32, #tpu.memory_space<vmem>>[vector<16xi32>], vector<16xf32>,
        %mul3A_386 = arith.constant 16 : i32
        %mul3A_387 = arith.muli %scan3A_378, %mul3A_386 : i32
        %swap3A_388 = arith.index_cast %mul3A_387 : i32 to index
        %swap3A_389 = tpu.vector_load %arg8[%swap3A_388] {strides = array<i32>} : memref<4096xf32, #tpu.memory_space<vmem>>, vector<16xf32>,
        tpu.vector_store %arg8[%swap3A_388], %gather3A_385 {strides = array<i32>} : memref<4096xf32, #tpu.memory_space<vmem>>, vector<16xf32>,
        %scan3A_390 = arith.constant 4 : i32
        %scan3A_391 = arith.addi %scan3A_340, %scan3A_390 : i32
        %mul3A_392 = arith.constant 16 : i32
        %mul3A_393 = arith.muli %scan3A_391, %mul3A_392 : i32
        %add3A_394 = arith.constant 12288 : i32
        %add3A_395 = arith.addi %add3A_394, %mul3A_393 : i32
        %get3A_396 = arith.index_cast %add3A_395 : i32 to index
        %get3A_397 = tpu.vector_load %arg6[%get3A_396] {strides = array<i32>} : memref<16384xi32, #tpu.memory_space<vmem>>, vector<16xi32>,
        %gather3A_398 = tpu.vector_load_idx %arg5[%get3A_397] : memref<100000xf32, #tpu.memory_space<vmem>>[vector<16xi32>], vector<16xf32>,
        %mul3A_399 = arith.constant 16 : i32
        %mul3A_400 = arith.muli %scan3A_391, %mul3A_399 : i32
        %swap3A_401 = arith.index_cast %mul3A_400 : i32 to index
        %swap3A_402 = tpu.vector_load %arg8[%swap3A_401] {strides = array<i32>} : memref<4096xf32, #tpu.memory_space<vmem>>, vector<16xf32>,
        tpu.vector_store %arg8[%swap3A_401], %gather3A_398 {strides = array<i32>} : memref<4096xf32, #tpu.memory_space<vmem>>, vector<16xf32>,
        %scan3A_403 = arith.constant 5 : i32
        %scan3A_404 = arith.addi %scan3A_340, %scan3A_403 : i32
        %mul3A_405 = arith.constant 16 : i32
        %mul3A_406 = arith.muli %scan3A_404, %mul3A_405 : i32
        %add3A_407 = arith.constant 12288 : i32
        %add3A_408 = arith.addi %add3A_407, %mul3A_406 : i32
        %get3A_409 = arith.index_cast %add3A_408 : i32 to index
        %get3A_410 = tpu.vector_load %arg6[%get3A_409] {strides = array<i32>} : memref<16384xi32, #tpu.memory_space<vmem>>, vector<16xi32>,
        %gather3A_411 = tpu.vector_load_idx %arg5[%get3A_410] : memref<100000xf32, #tpu.memory_space<vmem>>[vector<16xi32>], vector<16xf32>,
        %mul3A_412 = arith.constant 16 : i32
        %mul3A_413 = arith.muli %scan3A_404, %mul3A_412 : i32
        %swap3A_414 = arith.index_cast %mul3A_413 : i32 to index
        %swap3A_415 = tpu.vector_load %arg8[%swap3A_414] {strides = array<i32>} : memref<4096xf32, #tpu.memory_space<vmem>>, vector<16xf32>,
        tpu.vector_store %arg8[%swap3A_414], %gather3A_411 {strides = array<i32>} : memref<4096xf32, #tpu.memory_space<vmem>>, vector<16xf32>,
        %scan3A_416 = arith.constant 6 : i32
        %scan3A_417 = arith.addi %scan3A_340, %scan3A_416 : i32
        %mul3A_418 = arith.constant 16 : i32
        %mul3A_419 = arith.muli %scan3A_417, %mul3A_418 : i32
        %add3A_420 = arith.constant 12288 : i32
        %add3A_421 = arith.addi %add3A_420, %mul3A_419 : i32
        %get3A_422 = arith.index_cast %add3A_421 : i32 to index
        %get3A_423 = tpu.vector_load %arg6[%get3A_422] {strides = array<i32>} : memref<16384xi32, #tpu.memory_space<vmem>>, vector<16xi32>,
        %gather3A_424 = tpu.vector_load_idx %arg5[%get3A_423] : memref<100000xf32, #tpu.memory_space<vmem>>[vector<16xi32>], vector<16xf32>,
        %mul3A_425 = arith.constant 16 : i32
        %mul3A_426 = arith.muli %scan3A_417, %mul3A_425 : i32
        %swap3A_427 = arith.index_cast %mul3A_426 : i32 to index
        %swap3A_428 = tpu.vector_load %arg8[%swap3A_427] {strides = array<i32>} : memref<4096xf32, #tpu.memory_space<vmem>>, vector<16xf32>,
        tpu.vector_store %arg8[%swap3A_427], %gather3A_424 {strides = array<i32>} : memref<4096xf32, #tpu.memory_space<vmem>>, vector<16xf32>,
        %scan3A_429 = arith.constant 7 : i32
        %scan3A_430 = arith.addi %scan3A_340, %scan3A_429 : i32
        %mul3A_431 = arith.constant 16 : i32
        %mul3A_432 = arith.muli %scan3A_430, %mul3A_431 : i32
        %add3A_433 = arith.constant 12288 : i32
        %add3A_434 = arith.addi %add3A_433, %mul3A_432 : i32
        %get3A_435 = arith.index_cast %add3A_434 : i32 to index
        %get3A_436 = tpu.vector_load %arg6[%get3A_435] {strides = array<i32>} : memref<16384xi32, #tpu.memory_space<vmem>>, vector<16xi32>,
        %gather3A_437 = tpu.vector_load_idx %arg5[%get3A_436] : memref<100000xf32, #tpu.memory_space<vmem>>[vector<16xi32>], vector<16xf32>,
        %mul3A_438 = arith.constant 16 : i32
        %mul3A_439 = arith.muli %scan3A_430, %mul3A_438 : i32
        %swap3A_440 = arith.index_cast %mul3A_439 : i32 to index
        %swap3A_441 = tpu.vector_load %arg8[%swap3A_440] {strides = array<i32>} : memref<4096xf32, #tpu.memory_space<vmem>>, vector<16xf32>,
        tpu.vector_store %arg8[%swap3A_440], %gather3A_437 {strides = array<i32>} : memref<4096xf32, #tpu.memory_space<vmem>>, vector<16xf32>,
        %scan3A_442 = arith.constant 8 : i32
        %scan3A_443 = arith.addi %scan3A_340, %scan3A_442 : i32
        %mul3A_444 = arith.constant 16 : i32
        %mul3A_445 = arith.muli %scan3A_443, %mul3A_444 : i32
        %add3A_446 = arith.constant 12288 : i32
        %add3A_447 = arith.addi %add3A_446, %mul3A_445 : i32
        %get3A_448 = arith.index_cast %add3A_447 : i32 to index
        %get3A_449 = tpu.vector_load %arg6[%get3A_448] {strides = array<i32>} : memref<16384xi32, #tpu.memory_space<vmem>>, vector<16xi32>,
        %gather3A_450 = tpu.vector_load_idx %arg5[%get3A_449] : memref<100000xf32, #tpu.memory_space<vmem>>[vector<16xi32>], vector<16xf32>,
        %mul3A_451 = arith.constant 16 : i32
        %mul3A_452 = arith.muli %scan3A_443, %mul3A_451 : i32
        %swap3A_453 = arith.index_cast %mul3A_452 : i32 to index
        %swap3A_454 = tpu.vector_load %arg8[%swap3A_453] {strides = array<i32>} : memref<4096xf32, #tpu.memory_space<vmem>>, vector<16xf32>,
        tpu.vector_store %arg8[%swap3A_453], %gather3A_450 {strides = array<i32>} : memref<4096xf32, #tpu.memory_space<vmem>>, vector<16xf32>,
        %scan3A_455 = arith.constant 9 : i32
        %scan3A_456 = arith.addi %scan3A_340, %scan3A_455 : i32
        %mul3A_457 = arith.constant 16 : i32
        %mul3A_458 = arith.muli %scan3A_456, %mul3A_457 : i32
        %add3A_459 = arith.constant 12288 : i32
        %add3A_460 = arith.addi %add3A_459, %mul3A_458 : i32
        %get3A_461 = arith.index_cast %add3A_460 : i32 to index
        %get3A_462 = tpu.vector_load %arg6[%get3A_461] {strides = array<i32>} : memref<16384xi32, #tpu.memory_space<vmem>>, vector<16xi32>,
        %gather3A_463 = tpu.vector_load_idx %arg5[%get3A_462] : memref<100000xf32, #tpu.memory_space<vmem>>[vector<16xi32>], vector<16xf32>,
        %mul3A_464 = arith.constant 16 : i32
        %mul3A_465 = arith.muli %scan3A_456, %mul3A_464 : i32
        %swap3A_466 = arith.index_cast %mul3A_465 : i32 to index
        %swap3A_467 = tpu.vector_load %arg8[%swap3A_466] {strides = array<i32>} : memref<4096xf32, #tpu.memory_space<vmem>>, vector<16xf32>,
        tpu.vector_store %arg8[%swap3A_466], %gather3A_463 {strides = array<i32>} : memref<4096xf32, #tpu.memory_space<vmem>>, vector<16xf32>,
        %scan3A_468 = arith.constant 10 : i32
        %scan3A_469 = arith.addi %scan3A_340, %scan3A_468 : i32
        %mul3A_470 = arith.constant 16 : i32
        %mul3A_471 = arith.muli %scan3A_469, %mul3A_470 : i32
        %add3A_472 = arith.constant 12288 : i32
        %add3A_473 = arith.addi %add3A_472, %mul3A_471 : i32
        %get3A_474 = arith.index_cast %add3A_473 : i32 to index
        %get3A_475 = tpu.vector_load %arg6[%get3A_474] {strides = array<i32>} : memref<16384xi32, #tpu.memory_space<vmem>>, vector<16xi32>,
        %gather3A_476 = tpu.vector_load_idx %arg5[%get3A_475] : memref<100000xf32, #tpu.memory_space<vmem>>[vector<16xi32>], vector<16xf32>,
        %mul3A_477 = arith.constant 16 : i32
        %mul3A_478 = arith.muli %scan3A_469, %mul3A_477 : i32
        %swap3A_479 = arith.index_cast %mul3A_478 : i32 to index
        %swap3A_480 = tpu.vector_load %arg8[%swap3A_479] {strides = array<i32>} : memref<4096xf32, #tpu.memory_space<vmem>>, vector<16xf32>,
        tpu.vector_store %arg8[%swap3A_479], %gather3A_476 {strides = array<i32>} : memref<4096xf32, #tpu.memory_space<vmem>>, vector<16xf32>,
        %scan3A_481 = arith.constant 11 : i32
        %scan3A_482 = arith.addi %scan3A_340, %scan3A_481 : i32
        %mul3A_483 = arith.constant 16 : i32
        %mul3A_484 = arith.muli %scan3A_482, %mul3A_483 : i32
        %add3A_485 = arith.constant 12288 : i32
        %add3A_486 = arith.addi %add3A_485, %mul3A_484 : i32
        %get3A_487 = arith.index_cast %add3A_486 : i32 to index
        %get3A_488 = tpu.vector_load %arg6[%get3A_487] {strides = array<i32>} : memref<16384xi32, #tpu.memory_space<vmem>>, vector<16xi32>,
        %gather3A_489 = tpu.vector_load_idx %arg5[%get3A_488] : memref<100000xf32, #tpu.memory_space<vmem>>[vector<16xi32>], vector<16xf32>,
        %mul3A_490 = arith.constant 16 : i32
        %mul3A_491 = arith.muli %scan3A_482, %mul3A_490 : i32
        %swap3A_492 = arith.index_cast %mul3A_491 : i32 to index
        %swap3A_493 = tpu.vector_load %arg8[%swap3A_492] {strides = array<i32>} : memref<4096xf32, #tpu.memory_space<vmem>>, vector<16xf32>,
        tpu.vector_store %arg8[%swap3A_492], %gather3A_489 {strides = array<i32>} : memref<4096xf32, #tpu.memory_space<vmem>>, vector<16xf32>,
        %scan3A_494 = arith.constant 12 : i32
        %scan3A_495 = arith.addi %scan3A_340, %scan3A_494 : i32
        %mul3A_496 = arith.constant 16 : i32
        %mul3A_497 = arith.muli %scan3A_495, %mul3A_496 : i32
        %add3A_498 = arith.constant 12288 : i32
        %add3A_499 = arith.addi %add3A_498, %mul3A_497 : i32
        %get3A_500 = arith.index_cast %add3A_499 : i32 to index
        %get3A_501 = tpu.vector_load %arg6[%get3A_500] {strides = array<i32>} : memref<16384xi32, #tpu.memory_space<vmem>>, vector<16xi32>,
        %gather3A_502 = tpu.vector_load_idx %arg5[%get3A_501] : memref<100000xf32, #tpu.memory_space<vmem>>[vector<16xi32>], vector<16xf32>,
        %mul3A_503 = arith.constant 16 : i32
        %mul3A_504 = arith.muli %scan3A_495, %mul3A_503 : i32
        %swap3A_505 = arith.index_cast %mul3A_504 : i32 to index
        %swap3A_506 = tpu.vector_load %arg8[%swap3A_505] {strides = array<i32>} : memref<4096xf32, #tpu.memory_space<vmem>>, vector<16xf32>,
        tpu.vector_store %arg8[%swap3A_505], %gather3A_502 {strides = array<i32>} : memref<4096xf32, #tpu.memory_space<vmem>>, vector<16xf32>,
        %scan3A_507 = arith.constant 13 : i32
        %scan3A_508 = arith.addi %scan3A_340, %scan3A_507 : i32
        %mul3A_509 = arith.constant 16 : i32
        %mul3A_510 = arith.muli %scan3A_508, %mul3A_509 : i32
        %add3A_511 = arith.constant 12288 : i32
        %add3A_512 = arith.addi %add3A_511, %mul3A_510 : i32
        %get3A_513 = arith.index_cast %add3A_512 : i32 to index
        %get3A_514 = tpu.vector_load %arg6[%get3A_513] {strides = array<i32>} : memref<16384xi32, #tpu.memory_space<vmem>>, vector<16xi32>,
        %gather3A_515 = tpu.vector_load_idx %arg5[%get3A_514] : memref<100000xf32, #tpu.memory_space<vmem>>[vector<16xi32>], vector<16xf32>,
        %mul3A_516 = arith.constant 16 : i32
        %mul3A_517 = arith.muli %scan3A_508, %mul3A_516 : i32
        %swap3A_518 = arith.index_cast %mul3A_517 : i32 to index
        %swap3A_519 = tpu.vector_load %arg8[%swap3A_518] {strides = array<i32>} : memref<4096xf32, #tpu.memory_space<vmem>>, vector<16xf32>,
        tpu.vector_store %arg8[%swap3A_518], %gather3A_515 {strides = array<i32>} : memref<4096xf32, #tpu.memory_space<vmem>>, vector<16xf32>,
        %scan3A_520 = arith.constant 14 : i32
        %scan3A_521 = arith.addi %scan3A_340, %scan3A_520 : i32
        %mul3A_522 = arith.constant 16 : i32
        %mul3A_523 = arith.muli %scan3A_521, %mul3A_522 : i32
        %add3A_524 = arith.constant 12288 : i32
        %add3A_525 = arith.addi %add3A_524, %mul3A_523 : i32
        %get3A_526 = arith.index_cast %add3A_525 : i32 to index
        %get3A_527 = tpu.vector_load %arg6[%get3A_526] {strides = array<i32>} : memref<16384xi32, #tpu.memory_space<vmem>>, vector<16xi32>,
        %gather3A_528 = tpu.vector_load_idx %arg5[%get3A_527] : memref<100000xf32, #tpu.memory_space<vmem>>[vector<16xi32>], vector<16xf32>,
        %mul3A_529 = arith.constant 16 : i32
        %mul3A_530 = arith.muli %scan3A_521, %mul3A_529 : i32
        %swap3A_531 = arith.index_cast %mul3A_530 : i32 to index
        %swap3A_532 = tpu.vector_load %arg8[%swap3A_531] {strides = array<i32>} : memref<4096xf32, #tpu.memory_space<vmem>>, vector<16xf32>,
        tpu.vector_store %arg8[%swap3A_531], %gather3A_528 {strides = array<i32>} : memref<4096xf32, #tpu.memory_space<vmem>>, vector<16xf32>,
        %scan3A_533 = arith.constant 15 : i32
        %scan3A_534 = arith.addi %scan3A_340, %scan3A_533 : i32
        %mul3A_535 = arith.constant 16 : i32
        %mul3A_536 = arith.muli %scan3A_534, %mul3A_535 : i32
        %add3A_537 = arith.constant 12288 : i32
        %add3A_538 = arith.addi %add3A_537, %mul3A_536 : i32
        %get3A_539 = arith.index_cast %add3A_538 : i32 to index
        %get3A_540 = tpu.vector_load %arg6[%get3A_539] {strides = array<i32>} : memref<16384xi32, #tpu.memory_space<vmem>>, vector<16xi32>,
        %gather3A_541 = tpu.vector_load_idx %arg5[%get3A_540] : memref<100000xf32, #tpu.memory_space<vmem>>[vector<16xi32>], vector<16xf32>,
        %mul3A_542 = arith.constant 16 : i32
        %mul3A_543 = arith.muli %scan3A_534, %mul3A_542 : i32
        %swap3A_544 = arith.index_cast %mul3A_543 : i32 to index
        %swap3A_545 = tpu.vector_load %arg8[%swap3A_544] {strides = array<i32>} : memref<4096xf32, #tpu.memory_space<vmem>>, vector<16xf32>,
        tpu.vector_store %arg8[%swap3A_544], %gather3A_541 {strides = array<i32>} : memref<4096xf32, #tpu.memory_space<vmem>>, vector<16xf32>,
        %scan3A_546 = arith.constant 16 : i32
        %scan3A_547 = arith.addi %scan3A_340, %scan3A_546 : i32
        %mul3A_548 = arith.constant 16 : i32
        %mul3A_549 = arith.muli %scan3A_547, %mul3A_548 : i32
        %add3A_550 = arith.constant 12288 : i32
        %add3A_551 = arith.addi %add3A_550, %mul3A_549 : i32
        %get3A_552 = arith.index_cast %add3A_551 : i32 to index
        %get3A_553 = tpu.vector_load %arg6[%get3A_552] {strides = array<i32>} : memref<16384xi32, #tpu.memory_space<vmem>>, vector<16xi32>,
        %gather3A_554 = tpu.vector_load_idx %arg5[%get3A_553] : memref<100000xf32, #tpu.memory_space<vmem>>[vector<16xi32>], vector<16xf32>,
        %mul3A_555 = arith.constant 16 : i32
        %mul3A_556 = arith.muli %scan3A_547, %mul3A_555 : i32
        %swap3A_557 = arith.index_cast %mul3A_556 : i32 to index
        %swap3A_558 = tpu.vector_load %arg8[%swap3A_557] {strides = array<i32>} : memref<4096xf32, #tpu.memory_space<vmem>>, vector<16xf32>,
        tpu.vector_store %arg8[%swap3A_557], %gather3A_554 {strides = array<i32>} : memref<4096xf32, #tpu.memory_space<vmem>>, vector<16xf32>,
        %scan3A_559 = arith.constant 17 : i32
        %scan3A_560 = arith.addi %scan3A_340, %scan3A_559 : i32
        %mul3A_561 = arith.constant 16 : i32
        %mul3A_562 = arith.muli %scan3A_560, %mul3A_561 : i32
        %add3A_563 = arith.constant 12288 : i32
        %add3A_564 = arith.addi %add3A_563, %mul3A_562 : i32
        %get3A_565 = arith.index_cast %add3A_564 : i32 to index
        %get3A_566 = tpu.vector_load %arg6[%get3A_565] {strides = array<i32>} : memref<16384xi32, #tpu.memory_space<vmem>>, vector<16xi32>,
        %gather3A_567 = tpu.vector_load_idx %arg5[%get3A_566] : memref<100000xf32, #tpu.memory_space<vmem>>[vector<16xi32>], vector<16xf32>,
        %mul3A_568 = arith.constant 16 : i32
        %mul3A_569 = arith.muli %scan3A_560, %mul3A_568 : i32
        %swap3A_570 = arith.index_cast %mul3A_569 : i32 to index
        %swap3A_571 = tpu.vector_load %arg8[%swap3A_570] {strides = array<i32>} : memref<4096xf32, #tpu.memory_space<vmem>>, vector<16xf32>,
        tpu.vector_store %arg8[%swap3A_570], %gather3A_567 {strides = array<i32>} : memref<4096xf32, #tpu.memory_space<vmem>>, vector<16xf32>,
        %scan3A_572 = arith.constant 18 : i32
        %scan3A_573 = arith.addi %scan3A_340, %scan3A_572 : i32
        %mul3A_574 = arith.constant 16 : i32
        %mul3A_575 = arith.muli %scan3A_573, %mul3A_574 : i32
        %add3A_576 = arith.constant 12288 : i32
        %add3A_577 = arith.addi %add3A_576, %mul3A_575 : i32
        %get3A_578 = arith.index_cast %add3A_577 : i32 to index
        %get3A_579 = tpu.vector_load %arg6[%get3A_578] {strides = array<i32>} : memref<16384xi32, #tpu.memory_space<vmem>>, vector<16xi32>,
        %gather3A_580 = tpu.vector_load_idx %arg5[%get3A_579] : memref<100000xf32, #tpu.memory_space<vmem>>[vector<16xi32>], vector<16xf32>,
        %mul3A_581 = arith.constant 16 : i32
        %mul3A_582 = arith.muli %scan3A_573, %mul3A_581 : i32
        %swap3A_583 = arith.index_cast %mul3A_582 : i32 to index
        %swap3A_584 = tpu.vector_load %arg8[%swap3A_583] {strides = array<i32>} : memref<4096xf32, #tpu.memory_space<vmem>>, vector<16xf32>,
        tpu.vector_store %arg8[%swap3A_583], %gather3A_580 {strides = array<i32>} : memref<4096xf32, #tpu.memory_space<vmem>>, vector<16xf32>,
        %scan3A_585 = arith.constant 19 : i32
        %scan3A_586 = arith.addi %scan3A_340, %scan3A_585 : i32
        %mul3A_587 = arith.constant 16 : i32
        %mul3A_588 = arith.muli %scan3A_586, %mul3A_587 : i32
        %add3A_589 = arith.constant 12288 : i32
        %add3A_590 = arith.addi %add3A_589, %mul3A_588 : i32
        %get3A_591 = arith.index_cast %add3A_590 : i32 to index
        %get3A_592 = tpu.vector_load %arg6[%get3A_591] {strides = array<i32>} : memref<16384xi32, #tpu.memory_space<vmem>>, vector<16xi32>,
        %gather3A_593 = tpu.vector_load_idx %arg5[%get3A_592] : memref<100000xf32, #tpu.memory_space<vmem>>[vector<16xi32>], vector<16xf32>,
        %mul3A_594 = arith.constant 16 : i32
        %mul3A_595 = arith.muli %scan3A_586, %mul3A_594 : i32
        %swap3A_596 = arith.index_cast %mul3A_595 : i32 to index
        %swap3A_597 = tpu.vector_load %arg8[%swap3A_596] {strides = array<i32>} : memref<4096xf32, #tpu.memory_space<vmem>>, vector<16xf32>,
        tpu.vector_store %arg8[%swap3A_596], %gather3A_593 {strides = array<i32>} : memref<4096xf32, #tpu.memory_space<vmem>>, vector<16xf32>,
        %scan3A_598 = arith.constant 20 : i32
        %scan3A_599 = arith.addi %scan3A_340, %scan3A_598 : i32
        %mul3A_600 = arith.constant 16 : i32
        %mul3A_601 = arith.muli %scan3A_599, %mul3A_600 : i32
        %add3A_602 = arith.constant 12288 : i32
        %add3A_603 = arith.addi %add3A_602, %mul3A_601 : i32
        %get3A_604 = arith.index_cast %add3A_603 : i32 to index
        %get3A_605 = tpu.vector_load %arg6[%get3A_604] {strides = array<i32>} : memref<16384xi32, #tpu.memory_space<vmem>>, vector<16xi32>,
        %gather3A_606 = tpu.vector_load_idx %arg5[%get3A_605] : memref<100000xf32, #tpu.memory_space<vmem>>[vector<16xi32>], vector<16xf32>,
        %mul3A_607 = arith.constant 16 : i32
        %mul3A_608 = arith.muli %scan3A_599, %mul3A_607 : i32
        %swap3A_609 = arith.index_cast %mul3A_608 : i32 to index
        %swap3A_610 = tpu.vector_load %arg8[%swap3A_609] {strides = array<i32>} : memref<4096xf32, #tpu.memory_space<vmem>>, vector<16xf32>,
        tpu.vector_store %arg8[%swap3A_609], %gather3A_606 {strides = array<i32>} : memref<4096xf32, #tpu.memory_space<vmem>>, vector<16xf32>,
        %scan3A_611 = arith.constant 21 : i32
        %scan3A_612 = arith.addi %scan3A_340, %scan3A_611 : i32
        %mul3A_613 = arith.constant 16 : i32
        %mul3A_614 = arith.muli %scan3A_612, %mul3A_613 : i32
        %add3A_615 = arith.constant 12288 : i32
        %add3A_616 = arith.addi %add3A_615, %mul3A_614 : i32
        %get3A_617 = arith.index_cast %add3A_616 : i32 to index
        %get3A_618 = tpu.vector_load %arg6[%get3A_617] {strides = array<i32>} : memref<16384xi32, #tpu.memory_space<vmem>>, vector<16xi32>,
        %gather3A_619 = tpu.vector_load_idx %arg5[%get3A_618] : memref<100000xf32, #tpu.memory_space<vmem>>[vector<16xi32>], vector<16xf32>,
        %mul3A_620 = arith.constant 16 : i32
        %mul3A_621 = arith.muli %scan3A_612, %mul3A_620 : i32
        %swap3A_622 = arith.index_cast %mul3A_621 : i32 to index
        %swap3A_623 = tpu.vector_load %arg8[%swap3A_622] {strides = array<i32>} : memref<4096xf32, #tpu.memory_space<vmem>>, vector<16xf32>,
        tpu.vector_store %arg8[%swap3A_622], %gather3A_619 {strides = array<i32>} : memref<4096xf32, #tpu.memory_space<vmem>>, vector<16xf32>,
        %scan3A_624 = arith.constant 22 : i32
        %scan3A_625 = arith.addi %scan3A_340, %scan3A_624 : i32
        %mul3A_626 = arith.constant 16 : i32
        %mul3A_627 = arith.muli %scan3A_625, %mul3A_626 : i32
        %add3A_628 = arith.constant 12288 : i32
        %add3A_629 = arith.addi %add3A_628, %mul3A_627 : i32
        %get3A_630 = arith.index_cast %add3A_629 : i32 to index
        %get3A_631 = tpu.vector_load %arg6[%get3A_630] {strides = array<i32>} : memref<16384xi32, #tpu.memory_space<vmem>>, vector<16xi32>,
        %gather3A_632 = tpu.vector_load_idx %arg5[%get3A_631] : memref<100000xf32, #tpu.memory_space<vmem>>[vector<16xi32>], vector<16xf32>,
        %mul3A_633 = arith.constant 16 : i32
        %mul3A_634 = arith.muli %scan3A_625, %mul3A_633 : i32
        %swap3A_635 = arith.index_cast %mul3A_634 : i32 to index
        %swap3A_636 = tpu.vector_load %arg8[%swap3A_635] {strides = array<i32>} : memref<4096xf32, #tpu.memory_space<vmem>>, vector<16xf32>,
        tpu.vector_store %arg8[%swap3A_635], %gather3A_632 {strides = array<i32>} : memref<4096xf32, #tpu.memory_space<vmem>>, vector<16xf32>,
        %scan3A_637 = arith.constant 23 : i32
        %scan3A_638 = arith.addi %scan3A_340, %scan3A_637 : i32
        %mul3A_639 = arith.constant 16 : i32
        %mul3A_640 = arith.muli %scan3A_638, %mul3A_639 : i32
        %add3A_641 = arith.constant 12288 : i32
        %add3A_642 = arith.addi %add3A_641, %mul3A_640 : i32
        %get3A_643 = arith.index_cast %add3A_642 : i32 to index
        %get3A_644 = tpu.vector_load %arg6[%get3A_643] {strides = array<i32>} : memref<16384xi32, #tpu.memory_space<vmem>>, vector<16xi32>,
        %gather3A_645 = tpu.vector_load_idx %arg5[%get3A_644] : memref<100000xf32, #tpu.memory_space<vmem>>[vector<16xi32>], vector<16xf32>,
        %mul3A_646 = arith.constant 16 : i32
        %mul3A_647 = arith.muli %scan3A_638, %mul3A_646 : i32
        %swap3A_648 = arith.index_cast %mul3A_647 : i32 to index
        %swap3A_649 = tpu.vector_load %arg8[%swap3A_648] {strides = array<i32>} : memref<4096xf32, #tpu.memory_space<vmem>>, vector<16xf32>,
        tpu.vector_store %arg8[%swap3A_648], %gather3A_645 {strides = array<i32>} : memref<4096xf32, #tpu.memory_space<vmem>>, vector<16xf32>,
        %scan3A_650 = arith.constant 24 : i32
        %scan3A_651 = arith.addi %scan3A_340, %scan3A_650 : i32
        %mul3A_652 = arith.constant 16 : i32
        %mul3A_653 = arith.muli %scan3A_651, %mul3A_652 : i32
        %add3A_654 = arith.constant 12288 : i32
        %add3A_655 = arith.addi %add3A_654, %mul3A_653 : i32
        %get3A_656 = arith.index_cast %add3A_655 : i32 to index
        %get3A_657 = tpu.vector_load %arg6[%get3A_656] {strides = array<i32>} : memref<16384xi32, #tpu.memory_space<vmem>>, vector<16xi32>,
        %gather3A_658 = tpu.vector_load_idx %arg5[%get3A_657] : memref<100000xf32, #tpu.memory_space<vmem>>[vector<16xi32>], vector<16xf32>,
        %mul3A_659 = arith.constant 16 : i32
        %mul3A_660 = arith.muli %scan3A_651, %mul3A_659 : i32
        %swap3A_661 = arith.index_cast %mul3A_660 : i32 to index
        %swap3A_662 = tpu.vector_load %arg8[%swap3A_661] {strides = array<i32>} : memref<4096xf32, #tpu.memory_space<vmem>>, vector<16xf32>,
        tpu.vector_store %arg8[%swap3A_661], %gather3A_658 {strides = array<i32>} : memref<4096xf32, #tpu.memory_space<vmem>>, vector<16xf32>,
        %scan3A_663 = arith.constant 25 : i32
        %scan3A_664 = arith.addi %scan3A_340, %scan3A_663 : i32
        %mul3A_665 = arith.constant 16 : i32
        %mul3A_666 = arith.muli %scan3A_664, %mul3A_665 : i32
        %add3A_667 = arith.constant 12288 : i32
        %add3A_668 = arith.addi %add3A_667, %mul3A_666 : i32
        %get3A_669 = arith.index_cast %add3A_668 : i32 to index
        %get3A_670 = tpu.vector_load %arg6[%get3A_669] {strides = array<i32>} : memref<16384xi32, #tpu.memory_space<vmem>>, vector<16xi32>,
        %gather3A_671 = tpu.vector_load_idx %arg5[%get3A_670] : memref<100000xf32, #tpu.memory_space<vmem>>[vector<16xi32>], vector<16xf32>,
        %mul3A_672 = arith.constant 16 : i32
        %mul3A_673 = arith.muli %scan3A_664, %mul3A_672 : i32
        %swap3A_674 = arith.index_cast %mul3A_673 : i32 to index
        %swap3A_675 = tpu.vector_load %arg8[%swap3A_674] {strides = array<i32>} : memref<4096xf32, #tpu.memory_space<vmem>>, vector<16xf32>,
        tpu.vector_store %arg8[%swap3A_674], %gather3A_671 {strides = array<i32>} : memref<4096xf32, #tpu.memory_space<vmem>>, vector<16xf32>,
        %scan3A_676 = arith.constant 26 : i32
        %scan3A_677 = arith.addi %scan3A_340, %scan3A_676 : i32
        %mul3A_678 = arith.constant 16 : i32
        %mul3A_679 = arith.muli %scan3A_677, %mul3A_678 : i32
        %add3A_680 = arith.constant 12288 : i32
        %add3A_681 = arith.addi %add3A_680, %mul3A_679 : i32
        %get3A_682 = arith.index_cast %add3A_681 : i32 to index
        %get3A_683 = tpu.vector_load %arg6[%get3A_682] {strides = array<i32>} : memref<16384xi32, #tpu.memory_space<vmem>>, vector<16xi32>,
        %gather3A_684 = tpu.vector_load_idx %arg5[%get3A_683] : memref<100000xf32, #tpu.memory_space<vmem>>[vector<16xi32>], vector<16xf32>,
        %mul3A_685 = arith.constant 16 : i32
        %mul3A_686 = arith.muli %scan3A_677, %mul3A_685 : i32
        %swap3A_687 = arith.index_cast %mul3A_686 : i32 to index
        %swap3A_688 = tpu.vector_load %arg8[%swap3A_687] {strides = array<i32>} : memref<4096xf32, #tpu.memory_space<vmem>>, vector<16xf32>,
        tpu.vector_store %arg8[%swap3A_687], %gather3A_684 {strides = array<i32>} : memref<4096xf32, #tpu.memory_space<vmem>>, vector<16xf32>,
        %scan3A_689 = arith.constant 27 : i32
        %scan3A_690 = arith.addi %scan3A_340, %scan3A_689 : i32
        %mul3A_691 = arith.constant 16 : i32
        %mul3A_692 = arith.muli %scan3A_690, %mul3A_691 : i32
        %add3A_693 = arith.constant 12288 : i32
        %add3A_694 = arith.addi %add3A_693, %mul3A_692 : i32
        %get3A_695 = arith.index_cast %add3A_694 : i32 to index
        %get3A_696 = tpu.vector_load %arg6[%get3A_695] {strides = array<i32>} : memref<16384xi32, #tpu.memory_space<vmem>>, vector<16xi32>,
        %gather3A_697 = tpu.vector_load_idx %arg5[%get3A_696] : memref<100000xf32, #tpu.memory_space<vmem>>[vector<16xi32>], vector<16xf32>,
        %mul3A_698 = arith.constant 16 : i32
        %mul3A_699 = arith.muli %scan3A_690, %mul3A_698 : i32
        %swap3A_700 = arith.index_cast %mul3A_699 : i32 to index
        %swap3A_701 = tpu.vector_load %arg8[%swap3A_700] {strides = array<i32>} : memref<4096xf32, #tpu.memory_space<vmem>>, vector<16xf32>,
        tpu.vector_store %arg8[%swap3A_700], %gather3A_697 {strides = array<i32>} : memref<4096xf32, #tpu.memory_space<vmem>>, vector<16xf32>,
        %scan3A_702 = arith.constant 28 : i32
        %scan3A_703 = arith.addi %scan3A_340, %scan3A_702 : i32
        %mul3A_704 = arith.constant 16 : i32
        %mul3A_705 = arith.muli %scan3A_703, %mul3A_704 : i32
        %add3A_706 = arith.constant 12288 : i32
        %add3A_707 = arith.addi %add3A_706, %mul3A_705 : i32
        %get3A_708 = arith.index_cast %add3A_707 : i32 to index
        %get3A_709 = tpu.vector_load %arg6[%get3A_708] {strides = array<i32>} : memref<16384xi32, #tpu.memory_space<vmem>>, vector<16xi32>,
        %gather3A_710 = tpu.vector_load_idx %arg5[%get3A_709] : memref<100000xf32, #tpu.memory_space<vmem>>[vector<16xi32>], vector<16xf32>,
        %mul3A_711 = arith.constant 16 : i32
        %mul3A_712 = arith.muli %scan3A_703, %mul3A_711 : i32
        %swap3A_713 = arith.index_cast %mul3A_712 : i32 to index
        %swap3A_714 = tpu.vector_load %arg8[%swap3A_713] {strides = array<i32>} : memref<4096xf32, #tpu.memory_space<vmem>>, vector<16xf32>,
        tpu.vector_store %arg8[%swap3A_713], %gather3A_710 {strides = array<i32>} : memref<4096xf32, #tpu.memory_space<vmem>>, vector<16xf32>,
        %scan3A_715 = arith.constant 29 : i32
        %scan3A_716 = arith.addi %scan3A_340, %scan3A_715 : i32
        %mul3A_717 = arith.constant 16 : i32
        %mul3A_718 = arith.muli %scan3A_716, %mul3A_717 : i32
        %add3A_719 = arith.constant 12288 : i32
        %add3A_720 = arith.addi %add3A_719, %mul3A_718 : i32
        %get3A_721 = arith.index_cast %add3A_720 : i32 to index
        %get3A_722 = tpu.vector_load %arg6[%get3A_721] {strides = array<i32>} : memref<16384xi32, #tpu.memory_space<vmem>>, vector<16xi32>,
        %gather3A_723 = tpu.vector_load_idx %arg5[%get3A_722] : memref<100000xf32, #tpu.memory_space<vmem>>[vector<16xi32>], vector<16xf32>,
        %mul3A_724 = arith.constant 16 : i32
        %mul3A_725 = arith.muli %scan3A_716, %mul3A_724 : i32
        %swap3A_726 = arith.index_cast %mul3A_725 : i32 to index
        %swap3A_727 = tpu.vector_load %arg8[%swap3A_726] {strides = array<i32>} : memref<4096xf32, #tpu.memory_space<vmem>>, vector<16xf32>,
        tpu.vector_store %arg8[%swap3A_726], %gather3A_723 {strides = array<i32>} : memref<4096xf32, #tpu.memory_space<vmem>>, vector<16xf32>,
        %scan3A_728 = arith.constant 30 : i32
        %scan3A_729 = arith.addi %scan3A_340, %scan3A_728 : i32
        %mul3A_730 = arith.constant 16 : i32
        %mul3A_731 = arith.muli %scan3A_729, %mul3A_730 : i32
        %add3A_732 = arith.constant 12288 : i32
        %add3A_733 = arith.addi %add3A_732, %mul3A_731 : i32
        %get3A_734 = arith.index_cast %add3A_733 : i32 to index
        %get3A_735 = tpu.vector_load %arg6[%get3A_734] {strides = array<i32>} : memref<16384xi32, #tpu.memory_space<vmem>>, vector<16xi32>,
        %gather3A_736 = tpu.vector_load_idx %arg5[%get3A_735] : memref<100000xf32, #tpu.memory_space<vmem>>[vector<16xi32>], vector<16xf32>,
        %mul3A_737 = arith.constant 16 : i32
        %mul3A_738 = arith.muli %scan3A_729, %mul3A_737 : i32
        %swap3A_739 = arith.index_cast %mul3A_738 : i32 to index
        %swap3A_740 = tpu.vector_load %arg8[%swap3A_739] {strides = array<i32>} : memref<4096xf32, #tpu.memory_space<vmem>>, vector<16xf32>,
        tpu.vector_store %arg8[%swap3A_739], %gather3A_736 {strides = array<i32>} : memref<4096xf32, #tpu.memory_space<vmem>>, vector<16xf32>,
        %scan3A_741 = arith.constant 31 : i32
        %scan3A_742 = arith.addi %scan3A_340, %scan3A_741 : i32
        %mul3A_743 = arith.constant 16 : i32
        %mul3A_744 = arith.muli %scan3A_742, %mul3A_743 : i32
        %add3A_745 = arith.constant 12288 : i32
        %add3A_746 = arith.addi %add3A_745, %mul3A_744 : i32
        %get3A_747 = arith.index_cast %add3A_746 : i32 to index
        %get3A_748 = tpu.vector_load %arg6[%get3A_747] {strides = array<i32>} : memref<16384xi32, #tpu.memory_space<vmem>>, vector<16xi32>,
        %gather3A_749 = tpu.vector_load_idx %arg5[%get3A_748] : memref<100000xf32, #tpu.memory_space<vmem>>[vector<16xi32>], vector<16xf32>,
        %mul3A_750 = arith.constant 16 : i32
        %mul3A_751 = arith.muli %scan3A_742, %mul3A_750 : i32
        %swap3A_752 = arith.index_cast %mul3A_751 : i32 to index
        %swap3A_753 = tpu.vector_load %arg8[%swap3A_752] {strides = array<i32>} : memref<4096xf32, #tpu.memory_space<vmem>>, vector<16xf32>,
        tpu.vector_store %arg8[%swap3A_752], %gather3A_749 {strides = array<i32>} : memref<4096xf32, #tpu.memory_space<vmem>>, vector<16xf32>,
      }
      %scan3A_333 = arith.constant 256 : i32
      %dma_start3A_334 = arith.constant 12288 : i32
      %dma_start3A_335 = tpu.memref_slice %arg4[%select_n3A_78, %select_n3A_94, %dma_start3A_334] : memref<26x32x16384xf32, #tpu.memory_space<hbm>> -> memref<1x1x4096xf32, #tpu.memory_space<hbm>>
      %dma_start3A_336 = tpu.memref_squeeze %dma_start3A_335 : memref<1x1x4096xf32, #tpu.memory_space<hbm>> -> memref<4096xf32, #tpu.memory_space<hbm>>
      %dma_start3A_337 = arith.constant 12288 : i32
      %dma_start3A_338 = tpu.memref_slice %arg4[%select_n3A_78, %select_n3A_94, %dma_start3A_337] : memref<26x32x16384xf32, #tpu.memory_space<hbm>> -> memref<1x1x4096xf32, #tpu.memory_space<hbm>>
      %dma_start3A_339 = tpu.memref_squeeze %dma_start3A_338 : memref<1x1x4096xf32, #tpu.memory_space<hbm>> -> memref<4096xf32, #tpu.memory_space<hbm>>
      tpu.enqueue_dma source(%arg8 : memref<4096xf32, #tpu.memory_space<vmem>>) target(%dma_start3A_339 : memref<4096xf32, #tpu.memory_space<hbm>>) target_semaphore(%arg19 : memref<!tpu.dma_semaphore, #tpu.memory_space<semaphore_mem>>)
    }
    %scan3A_7 = arith.constant 26 : i32
    %add3A_8 = arith.constant 26 : i32
    %add3A_9 = arith.addi %mul3A_2, %add3A_8 : i32
    %sub3A = arith.constant 1 : i32
    %sub3A_10 = arith.subi %add3A_9, %sub3A : i32
    %jit3A = arith.constant 32 : i32
    %div3A = arith.divsi %sub3A_10, %jit3A : i32
    %sign3A = arith.constant 0 : i32
    %sign3A_11 = arith.cmpi sgt, %sub3A_10, %sign3A : i32
    %sign3A_12 = arith.extui %sign3A_11 : i1 to i32
    %sign3A_13 = arith.constant 0 : i32
    %sign3A_14 = arith.cmpi slt, %sub3A_10, %sign3A_13 : i32
    %sign3A_15 = arith.extui %sign3A_14 : i1 to i32
    %sign3A_16 = arith.subi %sign3A_12, %sign3A_15 : i32
    %sign3A_17 = arith.constant 0 : i32
    %sign3A_18 = arith.cmpi sgt, %jit3A, %sign3A_17 : i32
    %sign3A_19 = arith.extui %sign3A_18 : i1 to i32
    %sign3A_20 = arith.constant 0 : i32
    %sign3A_21 = arith.cmpi slt, %jit3A, %sign3A_20 : i32
    %sign3A_22 = arith.extui %sign3A_21 : i1 to i32
    %sign3A_23 = arith.subi %sign3A_19, %sign3A_22 : i32
    %ne3A = arith.cmpi ne, %sign3A_16, %sign3A_23 : i32
    %rem3A = arith.remsi %sub3A_10, %jit3A : i32
    %ne3A_24 = arith.constant 0 : i32
    %ne3A_25 = arith.cmpi ne, %rem3A, %ne3A_24 : i32
    %and3A = arith.andi %ne3A, %ne3A_25 : i1
    %sub3A_26 = arith.constant 1 : i32
    %sub3A_27 = arith.subi %div3A, %sub3A_26 : i32
    %select_n3A = arith.select %and3A, %sub3A_27, %div3A : i32
    %jit3A_28 = arith.constant 32 : i32
    %eq3A = arith.constant 0 : i32
    %eq3A_29 = arith.cmpi eq, %jit3A_28, %eq3A : i32
    %jit3A_30 = arith.constant 1 : i32
    %select_n3A_31 = arith.select %eq3A_29, %jit3A_30, %jit3A_28 : i32
    %rem3A_32 = arith.remsi %sub3A_10, %select_n3A_31 : i32
    %ne3A_33 = arith.constant 0 : i32
    %ne3A_34 = arith.cmpi ne, %rem3A_32, %ne3A_33 : i32
    %lt3A = arith.constant 0 : i32
    %lt3A_35 = arith.cmpi slt, %rem3A_32, %lt3A : i32
    %lt3A_36 = arith.constant 0 : i32
    %lt3A_37 = arith.cmpi slt, %select_n3A_31, %lt3A_36 : i32
    %ne3A_38 = arith.xori %lt3A_35, %lt3A_37 : i1
    %and3A_39 = arith.andi %ne3A_38, %ne3A_34 : i1
    %add3A_40 = arith.addi %rem3A_32, %select_n3A_31 : i32
    %select_n3A_41 = arith.select %and3A_39, %add3A_40, %rem3A_32 : i32
    %dma_wait3A = arith.constant 8192 : i32
    %dma_wait3A_42 = tpu.memref_slice %arg4[%select_n3A, %select_n3A_41, %dma_wait3A] : memref<26x32x16384xf32, #tpu.memory_space<hbm>> -> memref<1x1x4096xf32, #tpu.memory_space<hbm>>
    %dma_wait3A_43 = tpu.memref_squeeze %dma_wait3A_42 : memref<1x1x4096xf32, #tpu.memory_space<hbm>> -> memref<4096xf32, #tpu.memory_space<hbm>>
    %dma_wait3A_44 = arith.constant 8192 : i32
    %dma_wait3A_45 = tpu.memref_slice %arg4[%select_n3A, %select_n3A_41, %dma_wait3A_44] : memref<26x32x16384xf32, #tpu.memory_space<hbm>> -> memref<1x1x4096xf32, #tpu.memory_space<hbm>>
    %dma_wait3A_46 = tpu.memref_squeeze %dma_wait3A_45 : memref<1x1x4096xf32, #tpu.memory_space<hbm>> -> memref<4096xf32, #tpu.memory_space<hbm>>
    tpu.wait_dma2 semaphore(%arg18 : memref<!tpu.dma_semaphore, #tpu.memory_space<semaphore_mem>>) src(%arg7 : memref<4096xf32, #tpu.memory_space<vmem>>) dst(%dma_wait3A_46 : memref<4096xf32, #tpu.memory_space<hbm>>)
    %dma_wait3A_47 = arith.constant 12288 : i32
    %dma_wait3A_48 = tpu.memref_slice %arg4[%select_n3A, %select_n3A_41, %dma_wait3A_47] : memref<26x32x16384xf32, #tpu.memory_space<hbm>> -> memref<1x1x4096xf32, #tpu.memory_space<hbm>>
    %dma_wait3A_49 = tpu.memref_squeeze %dma_wait3A_48 : memref<1x1x4096xf32, #tpu.memory_space<hbm>> -> memref<4096xf32, #tpu.memory_space<hbm>>
    %dma_wait3A_50 = arith.constant 12288 : i32
    %dma_wait3A_51 = tpu.memref_slice %arg4[%select_n3A, %select_n3A_41, %dma_wait3A_50] : memref<26x32x16384xf32, #tpu.memory_space<hbm>> -> memref<1x1x4096xf32, #tpu.memory_space<hbm>>
    %dma_wait3A_52 = tpu.memref_squeeze %dma_wait3A_51 : memref<1x1x4096xf32, #tpu.memory_space<hbm>> -> memref<4096xf32, #tpu.memory_space<hbm>>
    tpu.wait_dma2 semaphore(%arg19 : memref<!tpu.dma_semaphore, #tpu.memory_space<semaphore_mem>>) src(%arg8 : memref<4096xf32, #tpu.memory_space<vmem>>) dst(%dma_wait3A_52 : memref<4096xf32, #tpu.memory_space<hbm>>)
    return
  }
}

</mosaic_0001>

<sc_bundles>
// kernel: _sc_gather.3.cloned.1.call-start
scs
__scs_entry_jumppad:
0x0: {  	(pc) =	sbr.rel $0x88, $3  }
0x1: {  	(tag) =	ssettag $0x0;
	lr =	simm.s32 $0x1  }
0x2: {  	[smem:$0x3F9F] =	sst lr;
	_ =	strace $0xD0000000  }
0x3: {  	_ = 	snop  }
0x4: {  	_ = 	snop  }
0x5: {  	_ = 	snop  }
0x6: {  	_ = 	snop  }
0x7: {  	_ = 	snop  }
__scs_overlays_trampoline_lowered:
0x8: {  	[smem:$0x3FAE] =	sst s0  }
0x9: {  	[smem:$0x3FAF] =	sst s1  }
0xa: {  	[smem:$0x3FB0] =	sst s2  }
0xb: {  	[smem:$0x3FB1] =	sst s3  }
0xc: {  	[smem:$0x3FB2] =	sst s4  }
0xd: {  	[smem:$0x3FB3] =	sst s5  }
0xe: {  	[smem:$0x3FB4] =	sst s6  }
0xf: {  	[smem:$0x3FB5] =	sst s7  }
0x10: {  	[smem:$0x3FB6] =	sst s8  }
0x11: {  	[smem:$0x3FB7] =	sst s9;
	s0 =	simm.s32 @!p0 $0x0  }
0x12: {  	s1 =	sld [smem:$0x3F9D];
	s0 =	simm.s32 @p0 $0x1  }
0x13: {  	[smem:$0x3FB8] =	sst s0;
	s0 =	simm.s32 @!p1 $0x0  }
0x14: {  	s2 =	sld [smem:$0x3F9C];
	s0 =	simm.s32 @p1 $0x1  }
0x15: {  	[smem:$0x3FB9] =	sst s0;
	s0 =	simm.s32 @!p2 $0x0  }
0x16: {  	s3 =	sld [smem:$0x3FDB];
	s0 =	simm.s32 @p2 $0x1  }
0x17: {  	s4 =	simm.s32 $0x1BF5;
	[smem:$0x3FBB] =	sst s0  }
0x18: {  	s0 =	sld [smem:$0x3F9E];
	_ =	swait.ge [sflag:s4], $0x0  }
0x19: {  	s7 =	sld [smem:$0x3F9F]  }
0x1a: {  	s8 =	sadd.s32 $0xFFFFE003, lr  }
0x1b: {  	s9 =	sadd.s32 $0xFFFFFEF7, lr;
	s5 =	simm.s32 $0xFFFFFFFF;
	p2 =	slt.u32 s8, $0xFFFFF086  }
0x1c: {  	p1 =	slt.u32 s9, $0xF7A;
	s5 =	simm.s32 @!p2 $0x0  }
0x1d: {  	s5 =	simm.s32 @p1 $0x1;
	p0 =	seq.s32 s7, s2  }
0x1e: {  	s7 =	smul.u32 @!p0 $0xF7A, s2;
	p2 =	seq.s32 @!p0 s5, $0x0  }
0x1f: {  	s9 =	smul.u32 $0xF7A, s1;
	s8 =	simm.s32 @!p0 $0x1BF5;
	p2 =	por !p2, p0  }
0x20: {  	[sflag:s8] =	ssyncset.s32 @!p0 $0xFFFFF086;
	s6 =	sadd.s32 @!p0 s3, s7;
	s7 =	simm.s32 @!p0 $0x108  }
0x21: {  	s3 =	sadd.s32 s3, s9;
	s6 =	sadd.s32 @!p0 $0x88, s6;
	s7 =	simm.s32 @p2 $0x1082  }
0x22: {  	[simem:s7], [sflag:s8] =	dma.local @!p0 [hbm:s6], $0xF7A  }
0x23: {  	s9 =	sor.u32 $0xD0000000, s2;
	s6 =	simm.s32 $0x108;
	_ =	swait.ge @!p0 [sflag:s8], $0x0  }
0x24: {  	s3 =	sadd.s32 $0x88, s3;
	s6 =	simm.s32 @!p1 $0x1082;
	[sflag:s4] =	ssyncset.s32 $0xFFFFF086  }
0x25: {  	[simem:s6], [sflag:s4] =	dma.local [hbm:s3], $0xF7A  }
0x26: {  	[smem:$0x3F9F] =	sst s1;
	(tag) =	ssettag s2;
	_ =	strace s9  }
0x27: {  	s1 =	sld [smem:$0x3FAF]  }
0x28: {  	s2 =	sld [smem:$0x3FB0]  }
0x29: {  	s4 =	sld [smem:$0x3FB2]  }
0x2a: {  	p0 =	seq.s32 s5, $0x0;
	s5 =	sld [smem:$0x3FB3]  }
0x2b: {  	s6 =	sld [smem:$0x3FB4]  }
0x2c: {  	s7 =	sld [smem:$0x3FB5]  }
0x2d: {  	s3 =	simm.s32 $0x108;
	s8 =	sld [smem:$0x3FB6]  }
0x2e: {  	s3 =	simm.s32 @!p0 $0x1082;
	s9 =	sld [smem:$0x3FB7]  }
0x2f: {  	lr =	sadd.s32 s0, s3;
	s0 =	sld [smem:$0x3FAE]  }
0x30: {  	s3 =	sld [smem:$0x3FB1]  }
0x31: {  	[smem:$0x3FBA] =	sst s10  }
0x32: {  	s10 =	sld [smem:$0x3FB8];
	_ =	sdelay $0x3  }
0x33: {  	p0 =	seq.s32 s10, $0x1;
	s10 =	sld [smem:$0x3FBA];
	_ =	sdelay $0x3  }
0x34: {  	[smem:$0x3FBA] =	sst s10  }
0x35: {  	s10 =	sld [smem:$0x3FB9];
	_ =	sdelay $0x3  }
0x36: {  	p1 =	seq.s32 s10, $0x1;
	s10 =	sld [smem:$0x3FBA];
	_ =	sdelay $0x3  }
0x37: {  	[smem:$0x3FBA] =	sst s10  }
0x38: {  	s10 =	sld [smem:$0x3FBB]  }
0x39: {  	_ = 	snop;
	(pc) =	sbr.ind lr, $3  }
0x3a: {  	_ = 	snop  }
0x3b: {  	_ = 	snop  }
0x3c: {  	p2 =	seq.s32 s10, $0x1;
	s10 =	sld [smem:$0x3FBA]  }
0x3d: {  	_ =	shalt  }
0x3e: {  	_ =	shalt  }
0x3f: {  	_ =	shalt  }
0x40: {  	_ =	shalt  }
0x41: {  	_ =	shalt  }
0x42: {  	_ =	shalt  }
0x43: {  	_ =	shalt  }
0x44: {  	_ =	shalt  }
0x45: {  	_ =	shalt  }
0x46: {  	_ =	shalt  }
0x47: {  	_ =	shalt  }
0x48: {  	_ =	shalt  }
0x49: {  	_ =	shalt  }
0x4a: {  	_ =	shalt  }
0x4b: {  	_ =	shalt  }
0x4c: {  	_ =	shalt  }
0x4d: {  	_ =	shalt  }
0x4e: {  	_ =	shalt  }
0x4f: {  	_ =	shalt  }
0x50: {  	_ =	shalt  }
0x51: {  	_ =	shalt  }
0x52: {  	_ =	shalt  }
0x53: {  	_ =	shalt  }
0x54: {  	_ =	shalt  }
0x55: {  	_ =	shalt  }
0x56: {  	_ =	shalt  }
0x57: {  	_ =	shalt  }
0x58: {  	_ =	shalt  }
0x59: {  	_ =	shalt  }
0x5a: {  	_ =	shalt  }
0x5b: {  	_ =	shalt  }
0x5c: {  	_ =	shalt  }
0x5d: {  	_ =	shalt  }
0x5e: {  	_ =	shalt  }
0x5f: {  	_ =	shalt  }
0x60: {  	_ =	shalt  }
0x61: {  	_ =	shalt  }
0x62: {  	_ =	shalt  }
0x63: {  	_ =	shalt  }
0x64: {  	_ =	shalt  }
0x65: {  	_ =	shalt  }
0x66: {  	_ =	shalt  }
0x67: {  	_ =	shalt  }
0x68: {  	_ =	shalt  }
0x69: {  	_ =	shalt  }
0x6a: {  	_ =	shalt  }
0x6b: {  	_ =	shalt  }
0x6c: {  	_ =	shalt  }
0x6d: {  	_ =	shalt  }
0x6e: {  	_ =	shalt  }
0x6f: {  	_ =	shalt  }
0x70: {  	_ =	shalt  }
0x71: {  	_ =	shalt  }
0x72: {  	_ =	shalt  }
0x73: {  	_ =	shalt  }
0x74: {  	_ =	shalt  }
0x75: {  	_ =	shalt  }
0x76: {  	_ =	shalt  }
0x77: {  	_ =	shalt  }
0x78: {  	_ =	shalt  }
0x79: {  	_ =	shalt  }
0x7a: {  	_ =	shalt  }
0x7b: {  	_ =	shalt  }
0x7c: {  	_ =	shalt  }
0x7d: {  	_ =	shalt  }
0x7e: {  	_ =	shalt  }
0x7f: {  	_ =	shalt  }
0x80: {  	_ =	shalt  }
0x81: {  	_ =	shalt  }
0x82: {  	_ =	shalt  }
0x83: {  	_ =	shalt  }
0x84: {  	_ =	shalt  }
0x85: {  	_ =	shalt  }
0x86: {  	_ =	shalt  }
0x87: {  	_ =	shalt  }
.Lfunc_end0:
.L_simem_size_0:
called_computation_lowered:
.L_overlay_start_0:
0x88: {  	s2 =	sld [smem:$0x3FD9]  }
0x89: {  	s3 =	sld [smem:$0x3FFE];
	_ =	sdelay $0x1  }
0x8a: {  	s1 =	srdreg.scid  }
0x8b: {  	s0 =	sand.u32 $0x1, s1  }
0x8c: {  	s18 =	sshll.u32 s0, $0xA;
	s2 =	sadd.s32 s3, s2  }
0x8d: {  	s2 =	sadd.s32 s2, s18  }
0x8e: {  	[smem:$0x3FC6] =	sst s2  }
0x8f: {  	_ = 	snop  }
0x90: {  	s2 =	sld [smem:$0x3FC9]  }
0x91: {  	s19 =	sld [smem:$0x3FC8]  }
0x92: {  	s4 =	sld [smem:$0x3FD0];
	(tm) =	ssettm $0x1  }
0x93: {  	s5 =	sld [smem:$0x3FFB];
	_ =	sdelay $0x3  }
0x94: {  	_ =	strace s5  }
0x95: {  	s5 =	sld [smem:$0x3FFC];
	_ =	sdelay $0x3  }
0x96: {  	_ =	strace s5  }
0x97: {  	s5 =	sld [smem:$0x3FFD];
	_ =	sdelay $0x3  }
0x98: {  	_ =	strace s5  }
0x99: {  	_ =	strace $0x8FFFFFFF  }
0x9a: {  	s20 =	sld [smem:$0x3FDB];
	_ =	sdelay $0x1  }
0x9b: {  	s6 =	simm.s32 $_scs_section_size  }
0x9c: {  	s7 =	simm.s32 $_size__tile_overlayer_lowered;
	s8 =	simm.s32 $_tile_overlayer_lowered  }
0x9d: {  	s23 =	simm.s32 $0x1BFF;
	s22 =	sshll.u32 s8, $0x1;
	s5 =	sadd.s32 s6, s20  }
0x9e: {  	s9 =	simm.s32 $0x0;
	s21 =	sshll.u32 s7, $0x1;
	s7 =	sadd.s32 s22, s5  }
0x9f: {  	[timem:s9], [sflag:s23] =	dma.local [hbm:s7], s21  }
0xa0: {  	_ =	swait.ge [sflag:s23], s21  }
0xa1: {  	s6 =	ssub.s32 $0x0, s21;
	[sflag:s23] =	ssyncset.done $0x0  }
0xa2: {  	[sflag:s23] =	ssyncadd.s32 s6;
	_ =	sdelay $0x1  }
0xa3: {  	s24 =	simm.s32 $0x1B8B  }
0xa4: {  	_ =	swait.ge [sflag:s24], $0x1  }
0xa5: {  	[sflag:s24] =	ssyncset.done $0x0  }
0xa6: {  	s25 =	simm.s32 $0x1B8E;
	[sflag:s24] =	ssyncadd.s32 $0xFFFFFFFF  }
0xa7: {  	s26 =	simm.s32 $execute0_lowered;
	[smem:$0x3FD2] =	sst s25  }
0xa8: {  	s6 =	sshll.u32 s26, $0x1;
	_ =	strace $0x80000046;
	[dreg:$0x1] =	wrdreg $0xFFFFFFFF  }
0xa9: {  	s28 =	simm.s32 $_size_execute0_lowered;
	s5 =	sadd.s32 s5, s6;
	[dreg:$0x0] =	wrdreg $0x0  }
0xaa: {  	s6 =	sshll.u32 s28, $0x1;
	[dreg:$0x2] =	wrdreg s5  }
0xab: {  	[dreg:$0x3] =	wrdreg s6  }
0xac: {  	[dreg:$0x4] =	wrdreg $0xC0  }
0xad: {  	_ =	task [dreg:s9], $0x5FFFF  }
0xae: {  	[dreg:$0x1] =	wrdreg $0xFFFFFFFF  }
0xaf: {  	[dreg:$0x0] =	wrdreg $0x60  }
0xb0: {  	[dreg:$0x2] =	wrdreg s2  }
0xb1: {  	[dreg:$0x3] =	wrdreg s19  }
0xb2: {  	[dreg:$0x4] =	wrdreg s4  }
0xb3: {  	[dreg:$0x5] =	wrdreg $0x9  }
0xb4: {  	_ =	task.clear_ibuf [dreg:s9], $0x6FFFF;
	_ =	strace $0x90000046  }
0xb5: {  	s29 =	simm.s32 $0x9;
	_ =	strace $0x80000048  }
0xb6: {  	_ =	swait.ge [sflag:s29], $0x1  }
0xb7: {  	[sflag:s29] =	ssyncadd.s32 $0xFFFFFFFF  }
0xb8: {  	_ =	strace $0x90000048  }
0xb9: {  	_ =	sfence  }
0xba: {  	s30 =	sld [smem:$0x0];
	_ =	sdelay $0x2  }
0xbb: {  	s31 =	sshll.u32 s1, $0xD;
	s1 =	sshrl.u32 s1, $0x2  }
0xbc: {  	s3 =	sand.u32 $0x4000, s31;
	s1 =	sadd.s32 s1, s30  }
0xbd: {  	s0 =	sor.u32 s3, s0;
	s1 =	sshll.u32 s1, $0x11  }
0xbe: {  	s0 =	sor.u32 s1, s0  }
0xbf: {  	s0 =	sadd.s32 $0x8F2B, s0  }
0xc0: {  	[sflag:s0] =	ssyncadd.remote.s32 $0x1  }
0xc1: {  	_ =	sfence.sel $0xFFFF  }
0xc2: {  	[dreg:$0x0] =	wrdreg $0xFFFFFFFF;
	(pc) =	sbr.abs _section_cstart, $3  }
0xc3: {  	[dreg:$0x1] =	wrdreg $0xFFFFFFFF  }
0xc4: {  	_ =	task.clear_ibuf [dreg:s9], $0x2FFFF;
	_ =	strace $0x9FFFFFFF  }
0xc5: {  	(tm) =	ssettm $0x7FFFFFFF  }
tec
execute0_lowered:
.L_overlay_start_1:
0x0: {  	(tag) =	ssettag $0x1  }
0x1: {  	s2 =	rddreg [dreg:$0x1]  }
0x2: {  	s9 =	rddreg [dreg:$0x2];
	s0 =	srdreg.scid  }
0x3: {  	s5 =	simm.s32 $0x0;
	s4 =	stileid.u32;
	s11 =	simm.s32 $0x80  }
0x4: {  	s12 =	simm.s32 $0x400;
	s21 =	simm.s32 $0xB;
	s22 =	simm.s32 $0x1E700  }
0x5: {  	s23 =	simm.s32 $0x1;
	s24 =	simm.s32 $0x2;
	s25 =	simm.s32 $0x3  }
0x6: {  	s28 =	simm.s32 $0x5;
	s29 =	simm.s32 $0x6;
	s30 =	simm.s32 $0x7  }
0x7: {  	s31 =	simm.s32 $0x8;
	s10 =	simm.s32 $0x9;
	s13 =	simm.s32 $0x0  }
0x8: {  	s0 =	sand.u32 $0x1, s0;
	[smem:$0x7FF] =	sst s5;
	s4 =	sshll.u32 s4, $0x1  }
0x9: {  	s7 =	sadd.s32 $0x1000, s9;
	s8 =	sadd.s32 $0x2000, s9;
	s1 =	ssub.s32 $0x2, s0  }
0xa: {  	s9 =	sadd.s32 $0x3000, s9;
	_ =	strace $0x80000047;
	s3 =	sshrl.u32 s1, $0x1  }
0xb: {  	s0 =	sor.u32 s0, s4;
	s4 =	simm.s32 $0x1D700;
	s1 =	ssub.s32 s1, s3  }
0xc: {  	s6 =	smul.u32 $0x1A, s0;
	s0 =	simm.s32 $0x1C700;
	s26 =	smax.u32 s1, $0x1  }
0xd: {  	s1 =	simm.s32 $0xA;
	[dreg:$0x4] =	wrdreg s26;
	s26 =	simm.s32 $0x4  }
.LBB2_1:
0xe: {  	[dreg:$0x5] =	wrdreg s13;
	s20 =	simm.s32 $0x0  }
.LBB2_2:
0xf: {  	s14 =	sadd.s32 s6, s20  }
0x10: {  	s3 =	sshrl.u32 s14, $0x5;
	s16 =	sand.u32 $0x1F, s14  }
0x11: {  	s13 =	sshrl.u32 s16, $0x3;
	s15 =	smul.u32 $0x30E000, s3  }
0x12: {  	s17 =	smul.u32 $0xC3800, s13  }
0x13: {  	s14 =	sshll.u32 s14, $0x7  }
0x14: {  	s14 =	sand.u32 $0x380, s14;
	s15 =	sadd.s32 s15, s17  }
0x15: {  	s17 =	sor.u32 s14, s15  }
0x16: {  	s18 =	sshrl.u32 s17, $0x3  }
0x17: {  	s19 =	sadd.s32 $0x18800, s17;
	s18 =	sadd.s32 s2, s18  }
0x18: {  	[tilespmem:s5], [sflag:$0x1] =	stream.strided.gather [hbm4b:s18+s11], $0x3100, s12, s11, $0x38;
	[tilespmem:$0x1E780] =	vst v63  }
0x19: {  	s18 =	sshrl.u32 s19, $0x3  }
0x1a: {  	s19 =	simm.s32 $0x3100;
	s18 =	sadd.s32 s2, s18  }
0x1b: {  	[tilespmem:s19], [sflag:$0x2] =	stream.strided.gather [hbm4b:s18+s11], $0x3100, s12, s11, $0x38;
	[tilespmem:$0x1E780] =	vst v63  }
0x1c: {  	s19 =	sadd.s32 $0x31000, s17  }
0x1d: {  	s18 =	sshrl.u32 s19, $0x3  }
0x1e: {  	s19 =	simm.s32 $0x6200;
	s18 =	sadd.s32 s2, s18  }
0x1f: {  	[tilespmem:s19], [sflag:$0x3] =	stream.strided.gather [hbm4b:s18+s11], $0x3100, s12, s11, $0x38;
	[tilespmem:$0x1E780] =	vst v63  }
0x20: {  	s19 =	sadd.s32 $0x49800, s17  }
0x21: {  	s18 =	sshrl.u32 s19, $0x3  }
0x22: {  	s19 =	simm.s32 $0x9300;
	s18 =	sadd.s32 s2, s18  }
0x23: {  	[tilespmem:s19], [sflag:$0x4] =	stream.strided.gather [hbm4b:s18+s11], $0x3100, s12, s11, $0x38;
	[tilespmem:$0x1E780] =	vst v63  }
0x24: {  	s19 =	sadd.s32 $0x62000, s17  }
0x25: {  	s18 =	sshrl.u32 s19, $0x3  }
0x26: {  	s19 =	simm.s32 $0xC400;
	s18 =	sadd.s32 s2, s18  }
0x27: {  	[tilespmem:s19], [sflag:$0x5] =	stream.strided.gather [hbm4b:s18+s11], $0x3100, s12, s11, $0x38;
	[tilespmem:$0x1E780] =	vst v63  }
0x28: {  	s19 =	sadd.s32 $0x7A800, s17  }
0x29: {  	s18 =	sshrl.u32 s19, $0x3  }
0x2a: {  	p0 =	seq.s32 s20, $0x0;
	s19 =	simm.s32 $0xF500;
	s18 =	sadd.s32 s2, s18  }
0x2b: {  	[tilespmem:s19], [sflag:$0x6] =	stream.strided.gather [hbm4b:s18+s11], $0x3100, s12, s11, $0x38;
	[tilespmem:$0x1E780] =	vst v63  }
0x2c: {  	p1 =	sne.s32 @!p0 s16, $0x0;
	s19 =	sadd.s32 $0x93000, s17  }
0x2d: {  	p1 =	por p0, !p1;
	s17 =	sadd.s32 $0xAB800, s17;
	s18 =	sshrl.u32 s19, $0x3  }
0x2e: {  	s19 =	simm.s32 $0x12600;
	s17 =	sshrl.u32 s17, $0x3;
	s18 =	sadd.s32 s2, s18  }
0x2f: {  	[tilespmem:s19], [sflag:$0x7] =	stream.strided.gather [hbm4b:s18+s11], $0x3100, s12, s11, $0x38;
	[tilespmem:$0x1E780] =	vst v63  }
0x30: {  	s16 =	sshll.u32 @p1 s3, $0x4;
	s17 =	sadd.s32 s2, s17;
	s19 =	simm.s32 $0x15700  }
0x31: {  	[tilespmem:s19], [sflag:$0x8] =	stream.strided.gather [hbm4b:s17+s11], $0x2F80, s12, s11, $0x38;
	[tilespmem:$0x1E780] =	vst v63  }
0x32: {  	s16 =	sand.u32 @p1 $0x70, s16;
	s18 =	rddreg @p1 [dreg:$0x0];
	s17 =	sshll.u32 @p1 s3, $0xB  }
0x33: {  	s16 =	sadd.s32 @p1 s18, s16;
	s17 =	sand.u32 @p1 $0xFFFC000, s17  }
0x34: {  	s15 =	sadd.s32 s14, s15;
	s16 =	sadd.s32 @p1 s17, s16;
	s17 =	simm.s32 @p1 $0x18700  }
0x35: {  	[tilespmem:s17], [sflag:$0xB] =	stream.strided.gather @p1 [hbm4b:s16+s11], $0x4000, s12, s11, $0x38;
	[tilespmem:$0x1E780] =	vst v63  }
0x36: {  	s15 =	sadd.s32 $0xC3400, s15;
	_ =	swait.ge @p1 [sflag:s21], $0x4000  }
0x37: {  	s15 =	sshrl.u32 s15, $0x3;
	[sflag:s21] =	ssyncset.done @p1 $0x0  }
0x38: {  	s15 =	sadd.s32 s2, s15;
	[sflag:s21] =	ssyncadd.s32 @p1 $0xFFFFC000  }
0x39: {  	[tilespmem:s22], [sflag:$0xB] =	stream.linear.gather [hbm4b:s15+s5], $0x80, $0x38;
	[tilespmem:$0x1E780] =	vst v63  }
0x3a: {  	_ =	swait.ge [sflag:s21], $0x80  }
0x3b: {  	[sflag:s21] =	ssyncset.done $0x0  }
0x3c: {  	[sflag:s21] =	ssyncadd.s32 $0xFFFFFF80  }
0x3d: {  	v0 =	vld [tilespmem:$0x1E700]  }
0x3e: {  	v1 =	vld [tilespmem:$0x1E710];
	_ =	sdelay $0x3  }
0x3f: {  	[tilespmem:$0x18680] =	vst v0  }
0x40: {  	[tilespmem:$0x18690] =	vst v1  }
0x41: {  	_ =	swait.ge [sflag:s23], $0x3100  }
0x42: {  	[sflag:s23] =	ssyncset.done $0x0  }
0x43: {  	[sflag:s23] =	ssyncadd.s32 $0xFFFFCF00  }
0x44: {  	_ =	swait.ge [sflag:s24], $0x3100  }
0x45: {  	[sflag:s24] =	ssyncset.done $0x0  }
0x46: {  	[sflag:s24] =	ssyncadd.s32 $0xFFFFCF00  }
0x47: {  	_ =	swait.ge [sflag:s25], $0x3100  }
0x48: {  	[sflag:s25] =	ssyncset.done $0x0  }
0x49: {  	[sflag:s25] =	ssyncadd.s32 $0xFFFFCF00  }
0x4a: {  	_ =	swait.ge [sflag:s26], $0x3100  }
0x4b: {  	[sflag:s26] =	ssyncset.done $0x0  }
0x4c: {  	[sflag:s26] =	ssyncadd.s32 $0xFFFFCF00  }
0x4d: {  	_ =	swait.ge [sflag:s28], $0x3100  }
0x4e: {  	[sflag:s28] =	ssyncset.done $0x0  }
0x4f: {  	[sflag:s28] =	ssyncadd.s32 $0xFFFFCF00  }
0x50: {  	_ =	swait.ge [sflag:s29], $0x3100  }
0x51: {  	[sflag:s29] =	ssyncset.done $0x0  }
0x52: {  	[sflag:s29] =	ssyncadd.s32 $0xFFFFCF00  }
0x53: {  	_ =	swait.ge [sflag:s30], $0x3100  }
0x54: {  	[sflag:s30] =	ssyncset.done $0x0  }
0x55: {  	[sflag:s30] =	ssyncadd.s32 $0xFFFFCF00  }
0x56: {  	_ =	swait.ge [sflag:s31], $0x2F80  }
0x57: {  	[sflag:s31] =	ssyncset.done $0x0  }
0x58: {  	s15 =	simm.s32 @!p0 $0x9;
	[sflag:s31] =	ssyncadd.s32 $0xFFFFD080  }
0x59: {  	_ =	swait.ge @!p0 [sflag:s15], $0x1000  }
0x5a: {  	s16 =	simm.s32 $0x1C800;
	[sflag:s15] =	ssyncset.done @!p0 $0x0  }
0x5b: {  	s17 =	simm.s32 $0x18800;
	[sflag:s15] =	ssyncadd.s32 @!p0 $0xFFFFF000;
	s15 =	simm.s32 $0xFFFFFFE0  }
.LBB2_3:
0x5c: {  	v0 =	vld [tilespmem:s17+$0xFFFFFF00];
	_ =	sdelay $0x7  }
0x5d: {  	v0 =	vld.idx.msk [tilespmem:v0+s5+$0x0], $0xffff;
	_ =	sdelay $0x4  }
0x5e: {  	[tilespmem:s16+$0xFFFFFF00] =	vst v0  }
0x5f: {  	v0 =	vld [tilespmem:s17+$0xFFFFFF10];
	_ =	sdelay $0x7  }
0x60: {  	v0 =	vld.idx.msk [tilespmem:v0+s5+$0x0], $0xffff;
	_ =	sdelay $0x4  }
0x61: {  	[tilespmem:s16+$0xFFFFFF10] =	vst v0  }
0x62: {  	v0 =	vld [tilespmem:s17+$0xFFFFFF20];
	_ =	sdelay $0x7  }
0x63: {  	v0 =	vld.idx.msk [tilespmem:v0+s5+$0x0], $0xffff;
	_ =	sdelay $0x4  }
0x64: {  	[tilespmem:s16+$0xFFFFFF20] =	vst v0  }
0x65: {  	v0 =	vld [tilespmem:s17+$0xFFFFFF30];
	_ =	sdelay $0x7  }
0x66: {  	v0 =	vld.idx.msk [tilespmem:v0+s5+$0x0], $0xffff;
	_ =	sdelay $0x4  }
0x67: {  	[tilespmem:s16+$0xFFFFFF30] =	vst v0  }
0x68: {  	v0 =	vld [tilespmem:s17+$0xFFFFFF40];
	_ =	sdelay $0x7  }
0x69: {  	v0 =	vld.idx.msk [tilespmem:v0+s5+$0x0], $0xffff;
	_ =	sdelay $0x4  }
0x6a: {  	[tilespmem:s16+$0xFFFFFF40] =	vst v0  }
0x6b: {  	v0 =	vld [tilespmem:s17+$0xFFFFFF50];
	_ =	sdelay $0x7  }
0x6c: {  	v0 =	vld.idx.msk [tilespmem:v0+s5+$0x0], $0xffff;
	_ =	sdelay $0x4  }
0x6d: {  	[tilespmem:s16+$0xFFFFFF50] =	vst v0  }
0x6e: {  	v0 =	vld [tilespmem:s17+$0xFFFFFF60];
	_ =	sdelay $0x7  }
0x6f: {  	v0 =	vld.idx.msk [tilespmem:v0+s5+$0x0], $0xffff;
	_ =	sdelay $0x4  }
0x70: {  	[tilespmem:s16+$0xFFFFFF60] =	vst v0  }
0x71: {  	v0 =	vld [tilespmem:s17+$0xFFFFFF70];
	_ =	sdelay $0x7  }
0x72: {  	v0 =	vld.idx.msk [tilespmem:v0+s5+$0x0], $0xffff;
	_ =	sdelay $0x4  }
0x73: {  	[tilespmem:s16+$0xFFFFFF70] =	vst v0  }
0x74: {  	v0 =	vld [tilespmem:s17+$0xFFFFFF80];
	_ =	sdelay $0x7  }
0x75: {  	v0 =	vld.idx.msk [tilespmem:v0+s5+$0x0], $0xffff;
	_ =	sdelay $0x4  }
0x76: {  	[tilespmem:s16+$0xFFFFFF80] =	vst v0  }
0x77: {  	v0 =	vld [tilespmem:s17+$0xFFFFFF90];
	_ =	sdelay $0x7  }
0x78: {  	v0 =	vld.idx.msk [tilespmem:v0+s5+$0x0], $0xffff;
	_ =	sdelay $0x4  }
0x79: {  	[tilespmem:s16+$0xFFFFFF90] =	vst v0  }
0x7a: {  	v0 =	vld [tilespmem:s17+$0xFFFFFFA0];
	_ =	sdelay $0x7  }
0x7b: {  	v0 =	vld.idx.msk [tilespmem:v0+s5+$0x0], $0xffff;
	_ =	sdelay $0x4  }
0x7c: {  	[tilespmem:s16+$0xFFFFFFA0] =	vst v0  }
0x7d: {  	v0 =	vld [tilespmem:s17+$0xFFFFFFB0];
	_ =	sdelay $0x7  }
0x7e: {  	v0 =	vld.idx.msk [tilespmem:v0+s5+$0x0], $0xffff;
	_ =	sdelay $0x4  }
0x7f: {  	[tilespmem:s16+$0xFFFFFFB0] =	vst v0  }
0x80: {  	v0 =	vld [tilespmem:s17+$0xFFFFFFC0];
	_ =	sdelay $0x7  }
0x81: {  	v0 =	vld.idx.msk [tilespmem:v0+s5+$0x0], $0xffff;
	_ =	sdelay $0x4  }
0x82: {  	[tilespmem:s16+$0xFFFFFFC0] =	vst v0  }
0x83: {  	v0 =	vld [tilespmem:s17+$0xFFFFFFD0];
	_ =	sdelay $0x7  }
0x84: {  	v0 =	vld.idx.msk [tilespmem:v0+s5+$0x0], $0xffff;
	_ =	sdelay $0x4  }
0x85: {  	[tilespmem:s16+$0xFFFFFFD0] =	vst v0  }
0x86: {  	v0 =	vld [tilespmem:s17+$0xFFFFFFE0];
	_ =	sdelay $0x7  }
0x87: {  	v0 =	vld.idx.msk [tilespmem:v0+s5+$0x0], $0xffff;
	_ =	sdelay $0x4  }
0x88: {  	[tilespmem:s16+$0xFFFFFFE0] =	vst v0  }
0x89: {  	v0 =	vld [tilespmem:s17+$0xFFFFFFF0];
	_ =	sdelay $0x7  }
0x8a: {  	v0 =	vld.idx.msk [tilespmem:v0+s5+$0x0], $0xffff;
	_ =	sdelay $0x4  }
0x8b: {  	[tilespmem:s16+$0xFFFFFFF0] =	vst v0  }
0x8c: {  	v0 =	vld [tilespmem:s17+$0x0];
	_ =	sdelay $0x7  }
0x8d: {  	v0 =	vld.idx.msk [tilespmem:v0+s5+$0x0], $0xffff;
	_ =	sdelay $0x4  }
0x8e: {  	[tilespmem:s16+$0x0] =	vst v0  }
0x8f: {  	v0 =	vld [tilespmem:s17+$0x10];
	_ =	sdelay $0x7  }
0x90: {  	v0 =	vld.idx.msk [tilespmem:v0+s5+$0x0], $0xffff;
	_ =	sdelay $0x4  }
0x91: {  	[tilespmem:s16+$0x10] =	vst v0  }
0x92: {  	v0 =	vld [tilespmem:s17+$0x20];
	_ =	sdelay $0x7  }
0x93: {  	v0 =	vld.idx.msk [tilespmem:v0+s5+$0x0], $0xffff;
	_ =	sdelay $0x4  }
0x94: {  	[tilespmem:s16+$0x20] =	vst v0  }
0x95: {  	v0 =	vld [tilespmem:s17+$0x30];
	_ =	sdelay $0x7  }
0x96: {  	v0 =	vld.idx.msk [tilespmem:v0+s5+$0x0], $0xffff;
	_ =	sdelay $0x4  }
0x97: {  	[tilespmem:s16+$0x30] =	vst v0  }
0x98: {  	v0 =	vld [tilespmem:s17+$0x40];
	_ =	sdelay $0x7  }
0x99: {  	v0 =	vld.idx.msk [tilespmem:v0+s5+$0x0], $0xffff;
	_ =	sdelay $0x4  }
0x9a: {  	[tilespmem:s16+$0x40] =	vst v0  }
0x9b: {  	v0 =	vld [tilespmem:s17+$0x50];
	_ =	sdelay $0x7  }
0x9c: {  	v0 =	vld.idx.msk [tilespmem:v0+s5+$0x0], $0xffff;
	_ =	sdelay $0x4  }
0x9d: {  	[tilespmem:s16+$0x50] =	vst v0  }
0x9e: {  	v0 =	vld [tilespmem:s17+$0x60];
	_ =	sdelay $0x7  }
0x9f: {  	v0 =	vld.idx.msk [tilespmem:v0+s5+$0x0], $0xffff;
	_ =	sdelay $0x4  }
0xa0: {  	[tilespmem:s16+$0x60] =	vst v0  }
0xa1: {  	v0 =	vld [tilespmem:s17+$0x70];
	_ =	sdelay $0x7  }
0xa2: {  	v0 =	vld.idx.msk [tilespmem:v0+s5+$0x0], $0xffff;
	_ =	sdelay $0x4  }
0xa3: {  	[tilespmem:s16+$0x70] =	vst v0  }
0xa4: {  	v0 =	vld [tilespmem:s17+$0x80];
	_ =	sdelay $0x7  }
0xa5: {  	v0 =	vld.idx.msk [tilespmem:v0+s5+$0x0], $0xffff;
	_ =	sdelay $0x4  }
0xa6: {  	[tilespmem:s16+$0x80] =	vst v0  }
0xa7: {  	v0 =	vld [tilespmem:s17+$0x90];
	_ =	sdelay $0x7  }
0xa8: {  	v0 =	vld.idx.msk [tilespmem:v0+s5+$0x0], $0xffff;
	_ =	sdelay $0x4  }
0xa9: {  	[tilespmem:s16+$0x90] =	vst v0  }
0xaa: {  	v0 =	vld [tilespmem:s17+$0xA0];
	_ =	sdelay $0x7  }
0xab: {  	v0 =	vld.idx.msk [tilespmem:v0+s5+$0x0], $0xffff;
	_ =	sdelay $0x4  }
0xac: {  	[tilespmem:s16+$0xA0] =	vst v0  }
0xad: {  	v0 =	vld [tilespmem:s17+$0xB0];
	_ =	sdelay $0x7  }
0xae: {  	v0 =	vld.idx.msk [tilespmem:v0+s5+$0x0], $0xffff;
	_ =	sdelay $0x4  }
0xaf: {  	[tilespmem:s16+$0xB0] =	vst v0  }
0xb0: {  	v0 =	vld [tilespmem:s17+$0xC0];
	_ =	sdelay $0x7  }
0xb1: {  	v0 =	vld.idx.msk [tilespmem:v0+s5+$0x0], $0xffff;
	_ =	sdelay $0x4  }
0xb2: {  	[tilespmem:s16+$0xC0] =	vst v0  }
0xb3: {  	v0 =	vld [tilespmem:s17+$0xD0];
	_ =	sdelay $0x7  }
0xb4: {  	v0 =	vld.idx.msk [tilespmem:v0+s5+$0x0], $0xffff;
	_ =	sdelay $0x4  }
0xb5: {  	[tilespmem:s16+$0xD0] =	vst v0  }
0xb6: {  	v0 =	vld [tilespmem:s17+$0xE0];
	_ =	sdelay $0x7  }
0xb7: {  	v0 =	vld.idx.msk [tilespmem:v0+s5+$0x0], $0xffff;
	_ =	sdelay $0x4  }
0xb8: {  	[tilespmem:s16+$0xE0] =	vst v0  }
0xb9: {  	v0 =	vld [tilespmem:s17+$0xF0];
	_ =	sdelay $0x6  }
0xba: {  	s15 =	sadd.s32 $0x20, s15  }
0xbb: {  	p1 =	slt.u32 s15, $0xE0;
	v0 =	vld.idx.msk [tilespmem:v0+s5+$0x0], $0xffff  }
.Ltmp0:
0xbc: {  	_ = 	snop;
	(pc) =	sbr.rel @p1 .LBB2_3-.Ltmp0, $2  }
0xbd: {  	_ =	sdelay $0x2  }
0xbe: {  	s17 =	sadd.s32 $0x200, s17;
	[tilespmem:s16+$0xF0] =	vst v0;
	s16 =	sadd.s32 $0x200, s16  }
0xbf: {  	s3 =	sshll.u32 s3, $0x13;
	s13 =	sshll.u32 s13, $0x11  }
0xc0: {  	s3 =	sor.u32 s3, s13  }
0xc1: {  	s3 =	sor.u32 s14, s3  }
0xc2: {  	s19 =	rddreg [dreg:$0x2];
	s3 =	sshrl.u32 s3, $0x3  }
0xc3: {  	s13 =	sadd.s32 s19, s3  }
0xc4: {  	[hbm4b:s13+s11] =	stream.strided.scatter [tilespmem:s0], [sflag:$0x9], $0x1000, s12, s11, $0x38;
	[tilespmem:$0x1E780] =	vst v63  }
0xc5: {  	s13 =	simm.s32 @!p0 $0xA  }
0xc6: {  	_ =	swait.ge @!p0 [sflag:s13], $0x1000  }
0xc7: {  	s15 =	simm.s32 $0x1D800;
	[sflag:s13] =	ssyncset.done @!p0 $0x0  }
0xc8: {  	s14 =	simm.s32 $0x198F0;
	[sflag:s13] =	ssyncadd.s32 @!p0 $0xFFFFF000;
	s13 =	simm.s32 $0xFFFFFFE0  }
.LBB2_5:
0xc9: {  	v0 =	vld [tilespmem:s14+$0xFFFFFE10];
	_ =	sdelay $0x7  }
0xca: {  	v0 =	vld.idx.msk [tilespmem:v0+s5+$0x0], $0xffff;
	_ =	sdelay $0x4  }
0xcb: {  	[tilespmem:s15+$0xFFFFFF00] =	vst v0  }
0xcc: {  	v0 =	vld [tilespmem:s14+$0xFFFFFE20];
	_ =	sdelay $0x7  }
0xcd: {  	v0 =	vld.idx.msk [tilespmem:v0+s5+$0x0], $0xffff;
	_ =	sdelay $0x4  }
0xce: {  	[tilespmem:s15+$0xFFFFFF10] =	vst v0  }
0xcf: {  	v0 =	vld [tilespmem:s14+$0xFFFFFE30];
	_ =	sdelay $0x7  }
0xd0: {  	v0 =	vld.idx.msk [tilespmem:v0+s5+$0x0], $0xffff;
	_ =	sdelay $0x4  }
0xd1: {  	[tilespmem:s15+$0xFFFFFF20] =	vst v0  }
0xd2: {  	v0 =	vld [tilespmem:s14+$0xFFFFFE40];
	_ =	sdelay $0x7  }
0xd3: {  	v0 =	vld.idx.msk [tilespmem:v0+s5+$0x0], $0xffff;
	_ =	sdelay $0x4  }
0xd4: {  	[tilespmem:s15+$0xFFFFFF30] =	vst v0  }
0xd5: {  	v0 =	vld [tilespmem:s14+$0xFFFFFE50];
	_ =	sdelay $0x7  }
0xd6: {  	v0 =	vld.idx.msk [tilespmem:v0+s5+$0x0], $0xffff;
	_ =	sdelay $0x4  }
0xd7: {  	[tilespmem:s15+$0xFFFFFF40] =	vst v0  }
0xd8: {  	v0 =	vld [tilespmem:s14+$0xFFFFFE60];
	_ =	sdelay $0x7  }
0xd9: {  	v0 =	vld.idx.msk [tilespmem:v0+s5+$0x0], $0xffff;
	_ =	sdelay $0x4  }
0xda: {  	[tilespmem:s15+$0xFFFFFF50] =	vst v0  }
0xdb: {  	v0 =	vld [tilespmem:s14+$0xFFFFFE70];
	_ =	sdelay $0x7  }
0xdc: {  	v0 =	vld.idx.msk [tilespmem:v0+s5+$0x0], $0xffff;
	_ =	sdelay $0x4  }
0xdd: {  	[tilespmem:s15+$0xFFFFFF60] =	vst v0  }
0xde: {  	v0 =	vld [tilespmem:s14+$0xFFFFFE80];
	_ =	sdelay $0x7  }
0xdf: {  	v0 =	vld.idx.msk [tilespmem:v0+s5+$0x0], $0xffff;
	_ =	sdelay $0x4  }
0xe0: {  	[tilespmem:s15+$0xFFFFFF70] =	vst v0  }
0xe1: {  	v0 =	vld [tilespmem:s14+$0xFFFFFE90];
	_ =	sdelay $0x7  }
0xe2: {  	v0 =	vld.idx.msk [tilespmem:v0+s5+$0x0], $0xffff;
	_ =	sdelay $0x4  }
0xe3: {  	[tilespmem:s15+$0xFFFFFF80] =	vst v0  }
0xe4: {  	v0 =	vld [tilespmem:s14+$0xFFFFFEA0];
	_ =	sdelay $0x7  }
0xe5: {  	v0 =	vld.idx.msk [tilespmem:v0+s5+$0x0], $0xffff;
	_ =	sdelay $0x4  }
0xe6: {  	[tilespmem:s15+$0xFFFFFF90] =	vst v0  }
0xe7: {  	v0 =	vld [tilespmem:s14+$0xFFFFFEB0];
	_ =	sdelay $0x7  }
0xe8: {  	v0 =	vld.idx.msk [tilespmem:v0+s5+$0x0], $0xffff;
	_ =	sdelay $0x4  }
0xe9: {  	[tilespmem:s15+$0xFFFFFFA0] =	vst v0  }
0xea: {  	v0 =	vld [tilespmem:s14+$0xFFFFFEC0];
	_ =	sdelay $0x7  }
0xeb: {  	v0 =	vld.idx.msk [tilespmem:v0+s5+$0x0], $0xffff;
	_ =	sdelay $0x4  }
0xec: {  	[tilespmem:s15+$0xFFFFFFB0] =	vst v0  }
0xed: {  	v0 =	vld [tilespmem:s14+$0xFFFFFED0];
	_ =	sdelay $0x7  }
0xee: {  	v0 =	vld.idx.msk [tilespmem:v0+s5+$0x0], $0xffff;
	_ =	sdelay $0x4  }
0xef: {  	[tilespmem:s15+$0xFFFFFFC0] =	vst v0  }
0xf0: {  	v0 =	vld [tilespmem:s14+$0xFFFFFEE0];
	_ =	sdelay $0x7  }
0xf1: {  	v0 =	vld.idx.msk [tilespmem:v0+s5+$0x0], $0xffff;
	_ =	sdelay $0x4  }
0xf2: {  	[tilespmem:s15+$0xFFFFFFD0] =	vst v0  }
0xf3: {  	v0 =	vld [tilespmem:s14+$0xFFFFFEF0];
	_ =	sdelay $0x7  }
0xf4: {  	v0 =	vld.idx.msk [tilespmem:v0+s5+$0x0], $0xffff;
	_ =	sdelay $0x4  }
0xf5: {  	[tilespmem:s15+$0xFFFFFFE0] =	vst v0  }
0xf6: {  	v0 =	vld [tilespmem:s14+$0xFFFFFF00];
	_ =	sdelay $0x7  }
0xf7: {  	v0 =	vld.idx.msk [tilespmem:v0+s5+$0x0], $0xffff;
	_ =	sdelay $0x4  }
0xf8: {  	[tilespmem:s15+$0xFFFFFFF0] =	vst v0  }
0xf9: {  	v0 =	vld [tilespmem:s14+$0xFFFFFF10];
	_ =	sdelay $0x7  }
0xfa: {  	v0 =	vld.idx.msk [tilespmem:v0+s5+$0x0], $0xffff;
	_ =	sdelay $0x4  }
0xfb: {  	[tilespmem:s15+$0x0] =	vst v0  }
0xfc: {  	v0 =	vld [tilespmem:s14+$0xFFFFFF20];
	_ =	sdelay $0x7  }
0xfd: {  	v0 =	vld.idx.msk [tilespmem:v0+s5+$0x0], $0xffff;
	_ =	sdelay $0x4  }
0xfe: {  	[tilespmem:s15+$0x10] =	vst v0  }
0xff: {  	v0 =	vld [tilespmem:s14+$0xFFFFFF30];
	_ =	sdelay $0x7  }
0x100: {  	v0 =	vld.idx.msk [tilespmem:v0+s5+$0x0], $0xffff;
	_ =	sdelay $0x4  }
0x101: {  	[tilespmem:s15+$0x20] =	vst v0  }
0x102: {  	v0 =	vld [tilespmem:s14+$0xFFFFFF40];
	_ =	sdelay $0x7  }
0x103: {  	v0 =	vld.idx.msk [tilespmem:v0+s5+$0x0], $0xffff;
	_ =	sdelay $0x4  }
0x104: {  	[tilespmem:s15+$0x30] =	vst v0  }
0x105: {  	v0 =	vld [tilespmem:s14+$0xFFFFFF50];
	_ =	sdelay $0x7  }
0x106: {  	v0 =	vld.idx.msk [tilespmem:v0+s5+$0x0], $0xffff;
	_ =	sdelay $0x4  }
0x107: {  	[tilespmem:s15+$0x40] =	vst v0  }
0x108: {  	v0 =	vld [tilespmem:s14+$0xFFFFFF60];
	_ =	sdelay $0x7  }
0x109: {  	v0 =	vld.idx.msk [tilespmem:v0+s5+$0x0], $0xffff;
	_ =	sdelay $0x4  }
0x10a: {  	[tilespmem:s15+$0x50] =	vst v0  }
0x10b: {  	v0 =	vld [tilespmem:s14+$0xFFFFFF70];
	_ =	sdelay $0x7  }
0x10c: {  	v0 =	vld.idx.msk [tilespmem:v0+s5+$0x0], $0xffff;
	_ =	sdelay $0x4  }
0x10d: {  	[tilespmem:s15+$0x60] =	vst v0  }
0x10e: {  	v0 =	vld [tilespmem:s14+$0xFFFFFF80];
	_ =	sdelay $0x7  }
0x10f: {  	v0 =	vld.idx.msk [tilespmem:v0+s5+$0x0], $0xffff;
	_ =	sdelay $0x4  }
0x110: {  	[tilespmem:s15+$0x70] =	vst v0  }
0x111: {  	v0 =	vld [tilespmem:s14+$0xFFFFFF90];
	_ =	sdelay $0x7  }
0x112: {  	v0 =	vld.idx.msk [tilespmem:v0+s5+$0x0], $0xffff;
	_ =	sdelay $0x4  }
0x113: {  	[tilespmem:s15+$0x80] =	vst v0  }
0x114: {  	v0 =	vld [tilespmem:s14+$0xFFFFFFA0];
	_ =	sdelay $0x7  }
0x115: {  	v0 =	vld.idx.msk [tilespmem:v0+s5+$0x0], $0xffff;
	_ =	sdelay $0x4  }
0x116: {  	[tilespmem:s15+$0x90] =	vst v0  }
0x117: {  	v0 =	vld [tilespmem:s14+$0xFFFFFFB0];
	_ =	sdelay $0x7  }
0x118: {  	v0 =	vld.idx.msk [tilespmem:v0+s5+$0x0], $0xffff;
	_ =	sdelay $0x4  }
0x119: {  	[tilespmem:s15+$0xA0] =	vst v0  }
0x11a: {  	v0 =	vld [tilespmem:s14+$0xFFFFFFC0];
	_ =	sdelay $0x7  }
0x11b: {  	v0 =	vld.idx.msk [tilespmem:v0+s5+$0x0], $0xffff;
	_ =	sdelay $0x4  }
0x11c: {  	[tilespmem:s15+$0xB0] =	vst v0  }
0x11d: {  	v0 =	vld [tilespmem:s14+$0xFFFFFFD0];
	_ =	sdelay $0x7  }
0x11e: {  	v0 =	vld.idx.msk [tilespmem:v0+s5+$0x0], $0xffff;
	_ =	sdelay $0x4  }
0x11f: {  	[tilespmem:s15+$0xC0] =	vst v0  }
0x120: {  	v0 =	vld [tilespmem:s14+$0xFFFFFFE0];
	_ =	sdelay $0x7  }
0x121: {  	v0 =	vld.idx.msk [tilespmem:v0+s5+$0x0], $0xffff;
	_ =	sdelay $0x4  }
0x122: {  	[tilespmem:s15+$0xD0] =	vst v0  }
0x123: {  	v0 =	vld [tilespmem:s14+$0xFFFFFFF0];
	_ =	sdelay $0x7  }
0x124: {  	v0 =	vld.idx.msk [tilespmem:v0+s5+$0x0], $0xffff;
	_ =	sdelay $0x4  }
0x125: {  	[tilespmem:s15+$0xE0] =	vst v0  }
0x126: {  	v0 =	vld [tilespmem:s14+$0x0];
	_ =	sdelay $0x6  }
0x127: {  	s13 =	sadd.s32 $0x20, s13  }
0x128: {  	p0 =	slt.u32 s13, $0xE0;
	v0 =	vld.idx.msk [tilespmem:v0+s5+$0x0], $0xffff  }
.Ltmp1:
0x129: {  	_ = 	snop;
	(pc) =	sbr.rel @p0 .LBB2_5-.Ltmp1, $2  }
0x12a: {  	_ =	sdelay $0x2  }
0x12b: {  	s14 =	sadd.s32 $0x200, s14;
	[tilespmem:s15+$0xF0] =	vst v0;
	s15 =	sadd.s32 $0x200, s15  }
0x12c: {  	s13 =	sadd.s32 s3, s7  }
0x12d: {  	[hbm4b:s13+s11] =	stream.strided.scatter [tilespmem:s4], [sflag:$0xA], $0x1000, s12, s11, $0x38;
	[tilespmem:$0x1E780] =	vst v63  }
0x12e: {  	_ =	swait.ge [sflag:s10], $0x1000  }
0x12f: {  	s14 =	simm.s32 $0x1A8F0;
	[sflag:s10] =	ssyncset.done $0x0  }
0x130: {  	s15 =	simm.s32 $0x1C800;
	s13 =	simm.s32 $0xFFFFFFE0;
	[sflag:s10] =	ssyncadd.s32 $0xFFFFF000  }
.LBB2_7:
0x131: {  	v0 =	vld [tilespmem:s14+$0xFFFFFE10];
	_ =	sdelay $0x7  }
0x132: {  	v0 =	vld.idx.msk [tilespmem:v0+s5+$0x0], $0xffff;
	_ =	sdelay $0x4  }
0x133: {  	[tilespmem:s15+$0xFFFFFF00] =	vst v0  }
0x134: {  	v0 =	vld [tilespmem:s14+$0xFFFFFE20];
	_ =	sdelay $0x7  }
0x135: {  	v0 =	vld.idx.msk [tilespmem:v0+s5+$0x0], $0xffff;
	_ =	sdelay $0x4  }
0x136: {  	[tilespmem:s15+$0xFFFFFF10] =	vst v0  }
0x137: {  	v0 =	vld [tilespmem:s14+$0xFFFFFE30];
	_ =	sdelay $0x7  }
0x138: {  	v0 =	vld.idx.msk [tilespmem:v0+s5+$0x0], $0xffff;
	_ =	sdelay $0x4  }
0x139: {  	[tilespmem:s15+$0xFFFFFF20] =	vst v0  }
0x13a: {  	v0 =	vld [tilespmem:s14+$0xFFFFFE40];
	_ =	sdelay $0x7  }
0x13b: {  	v0 =	vld.idx.msk [tilespmem:v0+s5+$0x0], $0xffff;
	_ =	sdelay $0x4  }
0x13c: {  	[tilespmem:s15+$0xFFFFFF30] =	vst v0  }
0x13d: {  	v0 =	vld [tilespmem:s14+$0xFFFFFE50];
	_ =	sdelay $0x7  }
0x13e: {  	v0 =	vld.idx.msk [tilespmem:v0+s5+$0x0], $0xffff;
	_ =	sdelay $0x4  }
0x13f: {  	[tilespmem:s15+$0xFFFFFF40] =	vst v0  }
0x140: {  	v0 =	vld [tilespmem:s14+$0xFFFFFE60];
	_ =	sdelay $0x7  }
0x141: {  	v0 =	vld.idx.msk [tilespmem:v0+s5+$0x0], $0xffff;
	_ =	sdelay $0x4  }
0x142: {  	[tilespmem:s15+$0xFFFFFF50] =	vst v0  }
0x143: {  	v0 =	vld [tilespmem:s14+$0xFFFFFE70];
	_ =	sdelay $0x7  }
0x144: {  	v0 =	vld.idx.msk [tilespmem:v0+s5+$0x0], $0xffff;
	_ =	sdelay $0x4  }
0x145: {  	[tilespmem:s15+$0xFFFFFF60] =	vst v0  }
0x146: {  	v0 =	vld [tilespmem:s14+$0xFFFFFE80];
	_ =	sdelay $0x7  }
0x147: {  	v0 =	vld.idx.msk [tilespmem:v0+s5+$0x0], $0xffff;
	_ =	sdelay $0x4  }
0x148: {  	[tilespmem:s15+$0xFFFFFF70] =	vst v0  }
0x149: {  	v0 =	vld [tilespmem:s14+$0xFFFFFE90];
	_ =	sdelay $0x7  }
0x14a: {  	v0 =	vld.idx.msk [tilespmem:v0+s5+$0x0], $0xffff;
	_ =	sdelay $0x4  }
0x14b: {  	[tilespmem:s15+$0xFFFFFF80] =	vst v0  }
0x14c: {  	v0 =	vld [tilespmem:s14+$0xFFFFFEA0];
	_ =	sdelay $0x7  }
0x14d: {  	v0 =	vld.idx.msk [tilespmem:v0+s5+$0x0], $0xffff;
	_ =	sdelay $0x4  }
0x14e: {  	[tilespmem:s15+$0xFFFFFF90] =	vst v0  }
0x14f: {  	v0 =	vld [tilespmem:s14+$0xFFFFFEB0];
	_ =	sdelay $0x7  }
0x150: {  	v0 =	vld.idx.msk [tilespmem:v0+s5+$0x0], $0xffff;
	_ =	sdelay $0x4  }
0x151: {  	[tilespmem:s15+$0xFFFFFFA0] =	vst v0  }
0x152: {  	v0 =	vld [tilespmem:s14+$0xFFFFFEC0];
	_ =	sdelay $0x7  }
0x153: {  	v0 =	vld.idx.msk [tilespmem:v0+s5+$0x0], $0xffff;
	_ =	sdelay $0x4  }
0x154: {  	[tilespmem:s15+$0xFFFFFFB0] =	vst v0  }
0x155: {  	v0 =	vld [tilespmem:s14+$0xFFFFFED0];
	_ =	sdelay $0x7  }
0x156: {  	v0 =	vld.idx.msk [tilespmem:v0+s5+$0x0], $0xffff;
	_ =	sdelay $0x4  }
0x157: {  	[tilespmem:s15+$0xFFFFFFC0] =	vst v0  }
0x158: {  	v0 =	vld [tilespmem:s14+$0xFFFFFEE0];
	_ =	sdelay $0x7  }
0x159: {  	v0 =	vld.idx.msk [tilespmem:v0+s5+$0x0], $0xffff;
	_ =	sdelay $0x4  }
0x15a: {  	[tilespmem:s15+$0xFFFFFFD0] =	vst v0  }
0x15b: {  	v0 =	vld [tilespmem:s14+$0xFFFFFEF0];
	_ =	sdelay $0x7  }
0x15c: {  	v0 =	vld.idx.msk [tilespmem:v0+s5+$0x0], $0xffff;
	_ =	sdelay $0x4  }
0x15d: {  	[tilespmem:s15+$0xFFFFFFE0] =	vst v0  }
0x15e: {  	v0 =	vld [tilespmem:s14+$0xFFFFFF00];
	_ =	sdelay $0x7  }
0x15f: {  	v0 =	vld.idx.msk [tilespmem:v0+s5+$0x0], $0xffff;
	_ =	sdelay $0x4  }
0x160: {  	[tilespmem:s15+$0xFFFFFFF0] =	vst v0  }
0x161: {  	v0 =	vld [tilespmem:s14+$0xFFFFFF10];
	_ =	sdelay $0x7  }
0x162: {  	v0 =	vld.idx.msk [tilespmem:v0+s5+$0x0], $0xffff;
	_ =	sdelay $0x4  }
0x163: {  	[tilespmem:s15+$0x0] =	vst v0  }
0x164: {  	v0 =	vld [tilespmem:s14+$0xFFFFFF20];
	_ =	sdelay $0x7  }
0x165: {  	v0 =	vld.idx.msk [tilespmem:v0+s5+$0x0], $0xffff;
	_ =	sdelay $0x4  }
0x166: {  	[tilespmem:s15+$0x10] =	vst v0  }
0x167: {  	v0 =	vld [tilespmem:s14+$0xFFFFFF30];
	_ =	sdelay $0x7  }
0x168: {  	v0 =	vld.idx.msk [tilespmem:v0+s5+$0x0], $0xffff;
	_ =	sdelay $0x4  }
0x169: {  	[tilespmem:s15+$0x20] =	vst v0  }
0x16a: {  	v0 =	vld [tilespmem:s14+$0xFFFFFF40];
	_ =	sdelay $0x7  }
0x16b: {  	v0 =	vld.idx.msk [tilespmem:v0+s5+$0x0], $0xffff;
	_ =	sdelay $0x4  }
0x16c: {  	[tilespmem:s15+$0x30] =	vst v0  }
0x16d: {  	v0 =	vld [tilespmem:s14+$0xFFFFFF50];
	_ =	sdelay $0x7  }
0x16e: {  	v0 =	vld.idx.msk [tilespmem:v0+s5+$0x0], $0xffff;
	_ =	sdelay $0x4  }
0x16f: {  	[tilespmem:s15+$0x40] =	vst v0  }
0x170: {  	v0 =	vld [tilespmem:s14+$0xFFFFFF60];
	_ =	sdelay $0x7  }
0x171: {  	v0 =	vld.idx.msk [tilespmem:v0+s5+$0x0], $0xffff;
	_ =	sdelay $0x4  }
0x172: {  	[tilespmem:s15+$0x50] =	vst v0  }
0x173: {  	v0 =	vld [tilespmem:s14+$0xFFFFFF70];
	_ =	sdelay $0x7  }
0x174: {  	v0 =	vld.idx.msk [tilespmem:v0+s5+$0x0], $0xffff;
	_ =	sdelay $0x4  }
0x175: {  	[tilespmem:s15+$0x60] =	vst v0  }
0x176: {  	v0 =	vld [tilespmem:s14+$0xFFFFFF80];
	_ =	sdelay $0x7  }
0x177: {  	v0 =	vld.idx.msk [tilespmem:v0+s5+$0x0], $0xffff;
	_ =	sdelay $0x4  }
0x178: {  	[tilespmem:s15+$0x70] =	vst v0  }
0x179: {  	v0 =	vld [tilespmem:s14+$0xFFFFFF90];
	_ =	sdelay $0x7  }
0x17a: {  	v0 =	vld.idx.msk [tilespmem:v0+s5+$0x0], $0xffff;
	_ =	sdelay $0x4  }
0x17b: {  	[tilespmem:s15+$0x80] =	vst v0  }
0x17c: {  	v0 =	vld [tilespmem:s14+$0xFFFFFFA0];
	_ =	sdelay $0x7  }
0x17d: {  	v0 =	vld.idx.msk [tilespmem:v0+s5+$0x0], $0xffff;
	_ =	sdelay $0x4  }
0x17e: {  	[tilespmem:s15+$0x90] =	vst v0  }
0x17f: {  	v0 =	vld [tilespmem:s14+$0xFFFFFFB0];
	_ =	sdelay $0x7  }
0x180: {  	v0 =	vld.idx.msk [tilespmem:v0+s5+$0x0], $0xffff;
	_ =	sdelay $0x4  }
0x181: {  	[tilespmem:s15+$0xA0] =	vst v0  }
0x182: {  	v0 =	vld [tilespmem:s14+$0xFFFFFFC0];
	_ =	sdelay $0x7  }
0x183: {  	v0 =	vld.idx.msk [tilespmem:v0+s5+$0x0], $0xffff;
	_ =	sdelay $0x4  }
0x184: {  	[tilespmem:s15+$0xB0] =	vst v0  }
0x185: {  	v0 =	vld [tilespmem:s14+$0xFFFFFFD0];
	_ =	sdelay $0x7  }
0x186: {  	v0 =	vld.idx.msk [tilespmem:v0+s5+$0x0], $0xffff;
	_ =	sdelay $0x4  }
0x187: {  	[tilespmem:s15+$0xC0] =	vst v0  }
0x188: {  	v0 =	vld [tilespmem:s14+$0xFFFFFFE0];
	_ =	sdelay $0x7  }
0x189: {  	v0 =	vld.idx.msk [tilespmem:v0+s5+$0x0], $0xffff;
	_ =	sdelay $0x4  }
0x18a: {  	[tilespmem:s15+$0xD0] =	vst v0  }
0x18b: {  	v0 =	vld [tilespmem:s14+$0xFFFFFFF0];
	_ =	sdelay $0x7  }
0x18c: {  	v0 =	vld.idx.msk [tilespmem:v0+s5+$0x0], $0xffff;
	_ =	sdelay $0x4  }
0x18d: {  	[tilespmem:s15+$0xE0] =	vst v0  }
0x18e: {  	v0 =	vld [tilespmem:s14+$0x0];
	_ =	sdelay $0x6  }
0x18f: {  	s13 =	sadd.s32 $0x20, s13  }
0x190: {  	p0 =	slt.u32 s13, $0xE0;
	v0 =	vld.idx.msk [tilespmem:v0+s5+$0x0], $0xffff  }
.Ltmp2:
0x191: {  	_ = 	snop;
	(pc) =	sbr.rel @p0 .LBB2_7-.Ltmp2, $2  }
0x192: {  	_ =	sdelay $0x2  }
0x193: {  	s14 =	sadd.s32 $0x200, s14;
	[tilespmem:s15+$0xF0] =	vst v0;
	s15 =	sadd.s32 $0x200, s15  }
0x194: {  	s13 =	sadd.s32 s3, s8  }
0x195: {  	[hbm4b:s13+s11] =	stream.strided.scatter [tilespmem:s0], [sflag:$0x9], $0x1000, s12, s11, $0x38;
	[tilespmem:$0x1E780] =	vst v63  }
0x196: {  	_ =	swait.ge [sflag:s1], $0x1000  }
0x197: {  	s14 =	simm.s32 $0x1B8F0;
	[sflag:s1] =	ssyncset.done $0x0  }
0x198: {  	s15 =	simm.s32 $0x1D800;
	s13 =	simm.s32 $0xFFFFFFE0;
	[sflag:s1] =	ssyncadd.s32 $0xFFFFF000  }
.LBB2_9:
0x199: {  	v0 =	vld [tilespmem:s14+$0xFFFFFE10];
	_ =	sdelay $0x7  }
0x19a: {  	v0 =	vld.idx.msk [tilespmem:v0+s5+$0x0], $0xffff;
	_ =	sdelay $0x4  }
0x19b: {  	[tilespmem:s15+$0xFFFFFF00] =	vst v0  }
0x19c: {  	v0 =	vld [tilespmem:s14+$0xFFFFFE20];
	_ =	sdelay $0x7  }
0x19d: {  	v0 =	vld.idx.msk [tilespmem:v0+s5+$0x0], $0xffff;
	_ =	sdelay $0x4  }
0x19e: {  	[tilespmem:s15+$0xFFFFFF10] =	vst v0  }
0x19f: {  	v0 =	vld [tilespmem:s14+$0xFFFFFE30];
	_ =	sdelay $0x7  }
0x1a0: {  	v0 =	vld.idx.msk [tilespmem:v0+s5+$0x0], $0xffff;
	_ =	sdelay $0x4  }
0x1a1: {  	[tilespmem:s15+$0xFFFFFF20] =	vst v0  }
0x1a2: {  	v0 =	vld [tilespmem:s14+$0xFFFFFE40];
	_ =	sdelay $0x7  }
0x1a3: {  	v0 =	vld.idx.msk [tilespmem:v0+s5+$0x0], $0xffff;
	_ =	sdelay $0x4  }
0x1a4: {  	[tilespmem:s15+$0xFFFFFF30] =	vst v0  }
0x1a5: {  	v0 =	vld [tilespmem:s14+$0xFFFFFE50];
	_ =	sdelay $0x7  }
0x1a6: {  	v0 =	vld.idx.msk [tilespmem:v0+s5+$0x0], $0xffff;
	_ =	sdelay $0x4  }
0x1a7: {  	[tilespmem:s15+$0xFFFFFF40] =	vst v0  }
0x1a8: {  	v0 =	vld [tilespmem:s14+$0xFFFFFE60];
	_ =	sdelay $0x7  }
0x1a9: {  	v0 =	vld.idx.msk [tilespmem:v0+s5+$0x0], $0xffff;
	_ =	sdelay $0x4  }
0x1aa: {  	[tilespmem:s15+$0xFFFFFF50] =	vst v0  }
0x1ab: {  	v0 =	vld [tilespmem:s14+$0xFFFFFE70];
	_ =	sdelay $0x7  }
0x1ac: {  	v0 =	vld.idx.msk [tilespmem:v0+s5+$0x0], $0xffff;
	_ =	sdelay $0x4  }
0x1ad: {  	[tilespmem:s15+$0xFFFFFF60] =	vst v0  }
0x1ae: {  	v0 =	vld [tilespmem:s14+$0xFFFFFE80];
	_ =	sdelay $0x7  }
0x1af: {  	v0 =	vld.idx.msk [tilespmem:v0+s5+$0x0], $0xffff;
	_ =	sdelay $0x4  }
0x1b0: {  	[tilespmem:s15+$0xFFFFFF70] =	vst v0  }
0x1b1: {  	v0 =	vld [tilespmem:s14+$0xFFFFFE90];
	_ =	sdelay $0x7  }
0x1b2: {  	v0 =	vld.idx.msk [tilespmem:v0+s5+$0x0], $0xffff;
	_ =	sdelay $0x4  }
0x1b3: {  	[tilespmem:s15+$0xFFFFFF80] =	vst v0  }
0x1b4: {  	v0 =	vld [tilespmem:s14+$0xFFFFFEA0];
	_ =	sdelay $0x7  }
0x1b5: {  	v0 =	vld.idx.msk [tilespmem:v0+s5+$0x0], $0xffff;
	_ =	sdelay $0x4  }
0x1b6: {  	[tilespmem:s15+$0xFFFFFF90] =	vst v0  }
0x1b7: {  	v0 =	vld [tilespmem:s14+$0xFFFFFEB0];
	_ =	sdelay $0x7  }
0x1b8: {  	v0 =	vld.idx.msk [tilespmem:v0+s5+$0x0], $0xffff;
	_ =	sdelay $0x4  }
0x1b9: {  	[tilespmem:s15+$0xFFFFFFA0] =	vst v0  }
0x1ba: {  	v0 =	vld [tilespmem:s14+$0xFFFFFEC0];
	_ =	sdelay $0x7  }
0x1bb: {  	v0 =	vld.idx.msk [tilespmem:v0+s5+$0x0], $0xffff;
	_ =	sdelay $0x4  }
0x1bc: {  	[tilespmem:s15+$0xFFFFFFB0] =	vst v0  }
0x1bd: {  	v0 =	vld [tilespmem:s14+$0xFFFFFED0];
	_ =	sdelay $0x7  }
0x1be: {  	v0 =	vld.idx.msk [tilespmem:v0+s5+$0x0], $0xffff;
	_ =	sdelay $0x4  }
0x1bf: {  	[tilespmem:s15+$0xFFFFFFC0] =	vst v0  }
0x1c0: {  	v0 =	vld [tilespmem:s14+$0xFFFFFEE0];
	_ =	sdelay $0x7  }
0x1c1: {  	v0 =	vld.idx.msk [tilespmem:v0+s5+$0x0], $0xffff;
	_ =	sdelay $0x4  }
0x1c2: {  	[tilespmem:s15+$0xFFFFFFD0] =	vst v0  }
0x1c3: {  	v0 =	vld [tilespmem:s14+$0xFFFFFEF0];
	_ =	sdelay $0x7  }
0x1c4: {  	v0 =	vld.idx.msk [tilespmem:v0+s5+$0x0], $0xffff;
	_ =	sdelay $0x4  }
0x1c5: {  	[tilespmem:s15+$0xFFFFFFE0] =	vst v0  }
0x1c6: {  	v0 =	vld [tilespmem:s14+$0xFFFFFF00];
	_ =	sdelay $0x7  }
0x1c7: {  	v0 =	vld.idx.msk [tilespmem:v0+s5+$0x0], $0xffff;
	_ =	sdelay $0x4  }
0x1c8: {  	[tilespmem:s15+$0xFFFFFFF0] =	vst v0  }
0x1c9: {  	v0 =	vld [tilespmem:s14+$0xFFFFFF10];
	_ =	sdelay $0x7  }
0x1ca: {  	v0 =	vld.idx.msk [tilespmem:v0+s5+$0x0], $0xffff;
	_ =	sdelay $0x4  }
0x1cb: {  	[tilespmem:s15+$0x0] =	vst v0  }
0x1cc: {  	v0 =	vld [tilespmem:s14+$0xFFFFFF20];
	_ =	sdelay $0x7  }
0x1cd: {  	v0 =	vld.idx.msk [tilespmem:v0+s5+$0x0], $0xffff;
	_ =	sdelay $0x4  }
0x1ce: {  	[tilespmem:s15+$0x10] =	vst v0  }
0x1cf: {  	v0 =	vld [tilespmem:s14+$0xFFFFFF30];
	_ =	sdelay $0x7  }
0x1d0: {  	v0 =	vld.idx.msk [tilespmem:v0+s5+$0x0], $0xffff;
	_ =	sdelay $0x4  }
0x1d1: {  	[tilespmem:s15+$0x20] =	vst v0  }
0x1d2: {  	v0 =	vld [tilespmem:s14+$0xFFFFFF40];
	_ =	sdelay $0x7  }
0x1d3: {  	v0 =	vld.idx.msk [tilespmem:v0+s5+$0x0], $0xffff;
	_ =	sdelay $0x4  }
0x1d4: {  	[tilespmem:s15+$0x30] =	vst v0  }
0x1d5: {  	v0 =	vld [tilespmem:s14+$0xFFFFFF50];
	_ =	sdelay $0x7  }
0x1d6: {  	v0 =	vld.idx.msk [tilespmem:v0+s5+$0x0], $0xffff;
	_ =	sdelay $0x4  }
0x1d7: {  	[tilespmem:s15+$0x40] =	vst v0  }
0x1d8: {  	v0 =	vld [tilespmem:s14+$0xFFFFFF60];
	_ =	sdelay $0x7  }
0x1d9: {  	v0 =	vld.idx.msk [tilespmem:v0+s5+$0x0], $0xffff;
	_ =	sdelay $0x4  }
0x1da: {  	[tilespmem:s15+$0x50] =	vst v0  }
0x1db: {  	v0 =	vld [tilespmem:s14+$0xFFFFFF70];
	_ =	sdelay $0x7  }
0x1dc: {  	v0 =	vld.idx.msk [tilespmem:v0+s5+$0x0], $0xffff;
	_ =	sdelay $0x4  }
0x1dd: {  	[tilespmem:s15+$0x60] =	vst v0  }
0x1de: {  	v0 =	vld [tilespmem:s14+$0xFFFFFF80];
	_ =	sdelay $0x7  }
0x1df: {  	v0 =	vld.idx.msk [tilespmem:v0+s5+$0x0], $0xffff;
	_ =	sdelay $0x4  }
0x1e0: {  	[tilespmem:s15+$0x70] =	vst v0  }
0x1e1: {  	v0 =	vld [tilespmem:s14+$0xFFFFFF90];
	_ =	sdelay $0x7  }
0x1e2: {  	v0 =	vld.idx.msk [tilespmem:v0+s5+$0x0], $0xffff;
	_ =	sdelay $0x4  }
0x1e3: {  	[tilespmem:s15+$0x80] =	vst v0  }
0x1e4: {  	v0 =	vld [tilespmem:s14+$0xFFFFFFA0];
	_ =	sdelay $0x7  }
0x1e5: {  	v0 =	vld.idx.msk [tilespmem:v0+s5+$0x0], $0xffff;
	_ =	sdelay $0x4  }
0x1e6: {  	[tilespmem:s15+$0x90] =	vst v0  }
0x1e7: {  	v0 =	vld [tilespmem:s14+$0xFFFFFFB0];
	_ =	sdelay $0x7  }
0x1e8: {  	v0 =	vld.idx.msk [tilespmem:v0+s5+$0x0], $0xffff;
	_ =	sdelay $0x4  }
0x1e9: {  	[tilespmem:s15+$0xA0] =	vst v0  }
0x1ea: {  	v0 =	vld [tilespmem:s14+$0xFFFFFFC0];
	_ =	sdelay $0x7  }
0x1eb: {  	v0 =	vld.idx.msk [tilespmem:v0+s5+$0x0], $0xffff;
	_ =	sdelay $0x4  }
0x1ec: {  	[tilespmem:s15+$0xB0] =	vst v0  }
0x1ed: {  	v0 =	vld [tilespmem:s14+$0xFFFFFFD0];
	_ =	sdelay $0x7  }
0x1ee: {  	v0 =	vld.idx.msk [tilespmem:v0+s5+$0x0], $0xffff;
	_ =	sdelay $0x4  }
0x1ef: {  	[tilespmem:s15+$0xC0] =	vst v0  }
0x1f0: {  	v0 =	vld [tilespmem:s14+$0xFFFFFFE0];
	_ =	sdelay $0x7  }
0x1f1: {  	v0 =	vld.idx.msk [tilespmem:v0+s5+$0x0], $0xffff;
	_ =	sdelay $0x4  }
0x1f2: {  	[tilespmem:s15+$0xD0] =	vst v0  }
0x1f3: {  	v0 =	vld [tilespmem:s14+$0xFFFFFFF0];
	_ =	sdelay $0x7  }
0x1f4: {  	v0 =	vld.idx.msk [tilespmem:v0+s5+$0x0], $0xffff;
	_ =	sdelay $0x4  }
0x1f5: {  	[tilespmem:s15+$0xE0] =	vst v0  }
0x1f6: {  	v0 =	vld [tilespmem:s14+$0x0];
	_ =	sdelay $0x6  }
0x1f7: {  	s13 =	sadd.s32 $0x20, s13  }
0x1f8: {  	p0 =	slt.u32 s13, $0xE0;
	v0 =	vld.idx.msk [tilespmem:v0+s5+$0x0], $0xffff  }
.Ltmp3:
0x1f9: {  	_ = 	snop;
	(pc) =	sbr.rel @p0 .LBB2_9-.Ltmp3, $2  }
0x1fa: {  	_ =	sdelay $0x2  }
0x1fb: {  	s14 =	sadd.s32 $0x200, s14;
	[tilespmem:s15+$0xF0] =	vst v0;
	s15 =	sadd.s32 $0x200, s15  }
0x1fc: {  	s20 =	sadd.s32 $0x1, s20  }
0x1fd: {  	p0 =	sne.s32 s20, $0x1A  }
.Ltmp4:
0x1fe: {  	_ = 	snop;
	(pc) =	sbr.rel @p0 .LBB2_2-.Ltmp4, $3  }
0x1ff: {  	_ =	sdelay $0x1  }
0x200: {  	s3 =	sadd.s32 s3, s9  }
0x201: {  	[hbm4b:s3+s11] =	stream.strided.scatter [tilespmem:s4], [sflag:$0xA], $0x1000, s12, s11, $0x38;
	[tilespmem:$0x1E780] =	vst v63  }
0x202: {  	_ =	swait.ge [sflag:s10], $0x1000  }
0x203: {  	[sflag:s10] =	ssyncset.done $0x0  }
0x204: {  	[sflag:s10] =	ssyncadd.s32 $0xFFFFF000  }
0x205: {  	_ =	swait.ge [sflag:s1], $0x1000  }
0x206: {  	s13 =	rddreg [dreg:$0x5]  }
0x207: {  	s3 =	rddreg [dreg:$0x4];
	s13 =	sadd.s32 $0x1, s13  }
0x208: {  	p0 =	sne.s32 s13, s3  }
.Ltmp5:
0x209: {  	_ = 	snop;
	(pc) =	sbr.rel @p0 .LBB2_1-.Ltmp5, $3  }
0x20a: {  	_ =	sdelay $0x1  }
0x20b: {  	[sflag:s1] =	ssyncset.done $0x0  }
0x20c: {  	[sflag:s1] =	ssyncadd.s32 $0xFFFFF000  }
0x20d: {  	_ =	sfence.sel $0x180000  }
0x20e: {  	[bflag:$0x0] =	sbarrier.arrive $0xFFFF  }
0x20f: {  	_ =	strace $0x90000047  }
0x210: {  	s0 =	stileid.u32;
	[bflag:$0x2] =	sbarrier.arrive $0xFFFF  }
0x211: {  	p0 =	sne.s32 s0, $0x0;
	s0 =	rddreg [dreg:$0x3]  }
0x212: {  	s0 =	sadd.s32 @!p0 $0x100000, s0  }
0x213: {  	[sflag:s0] =	ssyncadd.tile.s32 @!p0 $0x1;
	_ =	shalt  }
.Lfunc_end2:
_tile_overlayer_lowered:
.L_overlay_start_2:
0x214: {  	(tag) =	ssettag $0x2  }
0x215: {  	s0 =	rddreg [dreg:$0x0];
	s2 =	stileid.u32  }
0x216: {  	s1 =	rddreg [dreg:$0x1];
	p0 =	sne.s32 s2, $0x0  }
0x217: {  	s3 =	rddreg [dreg:$0x2];
	[bflag:$0x3] =	sbarrier.arrive $0xFFFF;
	s2 =	simm.s32 @!p0 $0x1C0B  }
0x218: {  	[timem:s3], [sflag:s2] =	dma.local @!p0 [hbm:s0], s1  }
0x219: {  	s0 =	simm.s32 @!p0 $0xB  }
0x21a: {  	_ =	swait.ge @!p0 [sflag:s0], s1  }
0x21b: {  	s1 =	ssub.s32 @!p0 $0x0, s1;
	[sflag:s0] =	ssyncset.done @!p0 $0x0  }
0x21c: {  	[sflag:s0] =	ssyncadd.s32 @!p0 s1  }
0x21d: {  	[bflag:$0x3] =	sbarrier.arrive $0xFFFF  }
0x21e: {  	_ =	shalt  }

</sc_bundles>
